<compile_context>
chip_gen: v7x
topology: tpu7x:2x2x1
jax: 0.10.2.dev20260603
libtpu: 0.0.44.dev20260713+nightly
codegen_flags: <defaults>
</compile_context>

<pallas_src>
import functools

import jax
import jax.numpy as jnp
from jax import lax
from jax.experimental import pallas as pl
from jax.experimental.pallas import tpu as pltpu
from jax.experimental.pallas import tpu_sc as plsc

N = 10000
E = 320000
IN_DIM = 128
OUT_DIM = 16
HEADS = 8
HOD = HEADS * OUT_DIM
ZW = HOD + 16
SW = 16

NC = 2
NS = 16
NW = NC * NS

OWN = 313
OWN_LAST = N - (NW - 1) * OWN
NPAD = NW * OWN
DCH = 10000
NDCH = E // DCH
BATCH = 112
CLIST = DCH + 2 * BATCH + 32

NBLK = 10
BN = N // NBLK

_SC_PARAMS = pltpu.CompilerParams(use_tc_tiling_on_sc=False,
                                  needs_layout_passes=False)


def _proj_body(h_ref, wcat_ref, asel_s_ref, asel_d_ref, p_ref, q_ref, r_ref,
               znode_ref, sdst_ref):
    z = jnp.dot(h_ref[...], wcat_ref[...],
                preferred_element_type=jnp.float32,
                precision=lax.Precision.HIGHEST)
    s_src = jnp.dot(z, asel_s_ref[...], preferred_element_type=jnp.float32,
                    precision=lax.Precision.HIGHEST)
    s_dst = jnp.dot(z, asel_d_ref[...], preferred_element_type=jnp.float32,
                    precision=lax.Precision.HIGHEST)
    znode_ref[...] = (
        jnp.dot(z, p_ref[...], preferred_element_type=jnp.float32,
                precision=lax.Precision.HIGHEST)
        + jnp.dot(s_src, q_ref[...], preferred_element_type=jnp.float32,
                  precision=lax.Precision.HIGHEST))
    sdst_ref[...] = jnp.dot(s_dst, r_ref[...],
                            preferred_element_type=jnp.float32,
                            precision=lax.Precision.HIGHEST)


_proj = pl.pallas_call(
    _proj_body,
    grid=(NBLK,),
    in_specs=[
        pl.BlockSpec((BN, IN_DIM), lambda i: (i, 0)),
        pl.BlockSpec((IN_DIM, HOD), lambda i: (0, 0)),
        pl.BlockSpec((HOD, HEADS), lambda i: (0, 0)),
        pl.BlockSpec((HOD, HEADS), lambda i: (0, 0)),
        pl.BlockSpec((HOD, ZW), lambda i: (0, 0)),
        pl.BlockSpec((HEADS, ZW), lambda i: (0, 0)),
        pl.BlockSpec((HEADS, SW), lambda i: (0, 0)),
    ],
    out_specs=[
        pl.BlockSpec((BN, ZW), lambda i: (i, 0)),
        pl.BlockSpec((BN, SW), lambda i: (i, 0)),
    ],
    out_shape=[
        jax.ShapeDtypeStruct((N, ZW), jnp.float32),
        jax.ShapeDtypeStruct((N, SW), jnp.float32),
    ],
)


def _gat_body(edge_ref, znode_ref, sdst_ref, out_ref,
              dbuf, sbufs, slist, lbuf, wbuf, acc, stab):
    cid = lax.axis_index("c")
    sid = lax.axis_index("s")
    wid = cid * NS + sid
    own0 = wid * OWN
    iota = lax.iota(jnp.int32, 16)
    zero16 = jnp.zeros((16,), jnp.float32)
    zero16i = jnp.zeros((16,), jnp.int32)

    pltpu.sync_copy(sdst_ref.at[pl.ds(own0, OWN)], stab)

    @plsc.parallel_loop(0, OWN, unroll=4)
    def _(l):
        for t in range(ZW // 16):
            acc[l, pl.ds(t * 16, 16)] = zero16

    @plsc.parallel_loop(0, CLIST // 16, unroll=4)
    def _(t):
        slist[pl.ds(t * 16, 16)] = zero16i

    def edge_add_at(off):
        def body(r):
            lsp = plsc.load_gather(lbuf, [jnp.full((16,), off + r, jnp.int32)])
            srow = plsc.load_gather(stab, [lsp, iota])
            e = wbuf[r, pl.ds(HOD, 16)] + srow
            e = jnp.maximum(e, 0.0) + jnp.minimum(e, 0.0) * 0.01
            ex = jnp.exp(e)
            wbuf[r, pl.ds(HOD, 16)] = ex
            for hh in range(HEADS):
                sp = plsc.load_gather(
                    wbuf.at[r], [jnp.full((16,), HOD + hh, jnp.int32)])
                plsc.addupdate_scatter(
                    acc, [lsp, iota + (hh * 16)],
                    wbuf[r, pl.ds(hh * 16, 16)] * sp)
            plsc.addupdate_scatter(acc, [lsp, iota + HOD], ex)
        return body

    def scan_chunk(q, cnt_in):
        pltpu.sync_copy(edge_ref.at[1, pl.ds(q * DCH, DCH)], dbuf)
        pltpu.sync_copy(edge_ref.at[0, pl.ds(q * DCH, DCH)], sbufs)

        def vstep(v, cnt2):
            dl = dbuf[pl.ds(v * 16, 16)] - own0
            mask = (dl >= 0) & (dl < OWN)
            plsc.store_compressed(slist.at[pl.ds(cnt2, 16)],
                                  sbufs[pl.ds(v * 16, 16)], mask=mask)
            plsc.store_compressed(lbuf.at[pl.ds(cnt2, 16)], dl, mask=mask)
            return cnt2 + jnp.sum(mask.astype(jnp.int32))

        cnt = plsc.parallel_loop(0, DCH // 16, carry=cnt_in)(vstep)

        def batch(nb, c):
            off = nb * BATCH
            pltpu.sync_copy(znode_ref.at[slist.at[pl.ds(off, BATCH)]],
                            wbuf.at[pl.ds(0, BATCH)])
            plsc.parallel_loop(0, BATCH, unroll=4)(edge_add_at(off))
            return c

        nfull = cnt // BATCH
        lax.fori_loop(0, nfull, batch, 0)
        off = nfull * BATCH
        for t in range((BATCH + 16) // 16):
            slist[pl.ds(t * 16, 16)] = slist[pl.ds(off + t * 16, 16)]
            lbuf[pl.ds(t * 16, 16)] = lbuf[pl.ds(off + t * 16, 16)]
        return cnt - off

    cnt = lax.fori_loop(0, NDCH, scan_chunk, jnp.int32(0))
    pltpu.sync_copy(znode_ref.at[slist.at[pl.ds(0, BATCH)]],
                    wbuf.at[pl.ds(0, BATCH)])
    plsc.parallel_loop(0, cnt, unroll=2)(edge_add_at(0))

    @plsc.parallel_loop(0, OWN, unroll=2)
    def _(l):
        for hh in range(HEADS):
            sp = plsc.load_gather(acc.at[l],
                                  [jnp.full((16,), HOD + hh, jnp.int32)])
            sp = jnp.where(sp == 0.0, 1.0, sp)
            acc[l, pl.ds(hh * 16, 16)] = acc[l, pl.ds(hh * 16, 16)] / sp

    @pl.when(wid < NW - 1)
    def _():
        pltpu.sync_copy(acc.at[pl.ds(0, OWN), pl.ds(0, HOD)],
                        out_ref.at[pl.ds(own0, OWN)])

    @pl.when(wid == NW - 1)
    def _():
        pltpu.sync_copy(acc.at[pl.ds(0, OWN_LAST), pl.ds(0, HOD)],
                        out_ref.at[pl.ds(own0, OWN_LAST)])


_GAT_SCRATCH = [
    pltpu.VMEM((DCH,), jnp.int32),
    pltpu.VMEM((DCH,), jnp.int32),
    pltpu.VMEM((CLIST,), jnp.int32),
    pltpu.VMEM((CLIST,), jnp.int32),
    pltpu.VMEM((BATCH, ZW), jnp.float32),
    pltpu.VMEM((OWN, ZW), jnp.float32),
    pltpu.VMEM((OWN, SW), jnp.float32),
]


def kernel(h, edge_index, W, A):
    lanes = jnp.arange(HOD, dtype=jnp.int32)
    heads = lanes // OUT_DIM
    wcat = W.transpose(1, 0, 2).reshape(IN_DIM, HOD)
    asel_s = jnp.zeros((HOD, HEADS), jnp.float32).at[lanes, heads].set(
        A[:, :OUT_DIM].reshape(HOD))
    asel_d = jnp.zeros((HOD, HEADS), jnp.float32).at[lanes, heads].set(
        A[:, OUT_DIM:].reshape(HOD))
    pmat = jnp.zeros((HOD, ZW), jnp.float32).at[lanes, lanes].set(1.0)
    qmat = jnp.zeros((HEADS, ZW), jnp.float32).at[
        jnp.arange(HEADS), HOD + jnp.arange(HEADS)].set(1.0)
    rmat = jnp.zeros((HEADS, SW), jnp.float32).at[
        jnp.arange(HEADS), jnp.arange(HEADS)].set(1.0)

    znode, sdst = _proj(h, wcat, asel_s, asel_d, pmat, qmat, rmat)
    sdst_p = jnp.zeros((NPAD, SW), jnp.float32).at[:N].set(sdst)

    gat_k = functools.partial(
        pl.kernel,
        out_type=jax.ShapeDtypeStruct((N, HOD), jnp.float32),
        mesh=plsc.VectorSubcoreMesh(core_axis_name="c", subcore_axis_name="s"),
        scratch_types=_GAT_SCRATCH,
        compiler_params=_SC_PARAMS,
    )(_gat_body)
    return gat_k(edge_index, znode, sdst_p)

# --- scband reference (transcript-rebuilt; emitter-appended) ---
"""Pipeline reference for scband-multi-head-gatlayer-5626407158022 (READ-ONLY COPY).

The authoritative reference and input builder live on the scoring server;
editing this copy changes nothing except your own understanding.
"""

import jax, jax.numpy as jnp
import numpy as np

N = 10000
E = 320000
IN_DIM = 128
OUT_DIM = 16
HEADS = 8


def setup_inputs(seed: int = 0) -> dict:
    key = jax.random.key(seed)
    k1, k2, k3, k4 = jax.random.split(key, 4)
    h = jax.random.normal(k1, (N, IN_DIM), dtype=jnp.float32)
    edge_index = jax.random.randint(k2, (2, E), 0, N, dtype=jnp.int32)
    # learned params: per-head fc weight (in_dim, out_dim) and attn_fc weight (2*out_dim,)
    W = (jax.random.normal(k3, (HEADS, IN_DIM, OUT_DIM), dtype=jnp.float32) * 0.1)
    A = (jax.random.normal(k4, (HEADS, 2 * OUT_DIM), dtype=jnp.float32) * 0.1)
    return {"h": h, "edge_index": edge_index, "W": W, "A": A}


def reference(h, edge_index, W, A):
    src = edge_index[0]
    dst = edge_index[1]

    def gat_head(Wh, Ah):
        # fc: z = W h   (bias=False)
        z = h @ Wh                                  # [N, OUT_DIM]
        z_src = z[src]                              # gather [E, OUT_DIM]
        z_dst = z[dst]                              # gather [E, OUT_DIM]
        # edge attention: e = LeakyReLU(a^T [z_src || z_dst])
        e = jax.nn.leaky_relu(jnp.concatenate([z_src, z_dst], axis=1) @ Ah)  # [E]
        # edge softmax over incoming edges of each dst node
        m = jax.ops.segment_max(e, dst, num_segments=N)
        ex = jnp.exp(e - m[dst])
        den = jax.ops.segment_sum(ex, dst, num_segments=N)
        alpha = ex / den[dst]
        # aggregate: sum_j alpha_ij * z_j  (scatter-add into dst)
        return jax.ops.segment_sum(alpha[:, None] * z_src, dst, num_segments=N)

    head_outs = [gat_head(W[i], A[i]) for i in range(HEADS)]
    # merge == 'cat'
    return jnp.concatenate(head_outs, axis=1)   # [N, HEADS*OUT_DIM]

if __name__ == "__main__":
    import jax
    _d = setup_inputs()
    print(jax.jit(kernel)(*tuple(_d.values())))

</pallas_src>

<mosaic_0001>
#map = affine_map<(d0, d1) -> (0, 0)>
module attributes {stable_mosaic.version = 14 : i64} {
  func.func @_gat_body(%arg0: i32, %arg1: i32, %arg2: memref<2x320000xi32, #tpu.memory_space<hbm>>, %arg3: memref<10000x144xf32, #tpu.memory_space<hbm>>, %arg4: memref<10016x16xf32, #tpu.memory_space<hbm>>, %arg5: memref<10000x128xf32, #tpu.memory_space<hbm>>, %arg6: memref<10000xi32, #tpu.memory_space<vmem>>, %arg7: memref<10000xi32, #tpu.memory_space<vmem>>, %arg8: memref<10256xi32, #tpu.memory_space<vmem>>, %arg9: memref<10256xi32, #tpu.memory_space<vmem>>, %arg10: memref<112x144xf32, #tpu.memory_space<vmem>>, %arg11: memref<313x144xf32, #tpu.memory_space<vmem>>, %arg12: memref<313x16xf32, #tpu.memory_space<vmem>>) attributes {dimension_semantics = [#tpu.dimension_semantics<core_parallel>, #tpu.dimension_semantics<subcore_parallel>], iteration_bounds = array<i64: 2, 16>, scalar_prefetch = 0 : i64, scratch_operands = 7 : i64, tpu.core_type = #tpu.core_type<sc_vector_subcore>, window_params = [{transform_indices = #map}, {transform_indices = #map}, {transform_indices = #map}, {transform_indices = #map}]} {
    %mul3A = arith.constant 16 : i32
    %mul3A_0 = arith.muli %arg0, %mul3A : i32
    %add3A = arith.addi %mul3A_0, %arg1 : i32
    %mul3A_1 = arith.constant 313 : i32
    %mul3A_2 = arith.muli %add3A, %mul3A_1 : i32
    %iota3A = tpu.iota {dimensions = array<i32: 0>} : vector<16xi32>
    %broadcast_in_dim3A = arith.constant 0.000000e+00 : f32
    %broadcast_in_dim3A_3 = vector.broadcast %broadcast_in_dim3A : f32 to vector<16xf32>
    %broadcast_in_dim3A_4 = arith.constant 0 : i32
    %broadcast_in_dim3A_5 = vector.broadcast %broadcast_in_dim3A_4 : i32 to vector<16xi32>
    "tpu.region"() ({
      %run_scoped3A = tpu.sem_alloc : memref<!tpu.dma_semaphore, #tpu.memory_space<semaphore_mem>>
      %dma_start3A = arith.constant 0 : i32
      %dma_start3A_28 = tpu.memref_slice %arg4[%mul3A_2, %dma_start3A] : memref<10016x16xf32, #tpu.memory_space<hbm>> -> memref<313x16xf32, #tpu.memory_space<hbm>>
      %dma_start3A_29 = arith.constant 0 : i32
      %dma_start3A_30 = tpu.memref_slice %arg4[%mul3A_2, %dma_start3A_29] : memref<10016x16xf32, #tpu.memory_space<hbm>> -> memref<313x16xf32, #tpu.memory_space<hbm>>
      tpu.enqueue_dma source(%dma_start3A_30 : memref<313x16xf32, #tpu.memory_space<hbm>>) target(%arg12 : memref<313x16xf32, #tpu.memory_space<vmem>>) target_semaphore(%run_scoped3A : memref<!tpu.dma_semaphore, #tpu.memory_space<semaphore_mem>>)
      %dma_wait3A = arith.constant 0 : i32
      %dma_wait3A_31 = tpu.memref_slice %arg4[%mul3A_2, %dma_wait3A] : memref<10016x16xf32, #tpu.memory_space<hbm>> -> memref<313x16xf32, #tpu.memory_space<hbm>>
      %dma_wait3A_32 = arith.constant 0 : i32
      %dma_wait3A_33 = tpu.memref_slice %arg4[%mul3A_2, %dma_wait3A_32] : memref<10016x16xf32, #tpu.memory_space<hbm>> -> memref<313x16xf32, #tpu.memory_space<hbm>>
      tpu.wait_dma2 semaphore(%run_scoped3A : memref<!tpu.dma_semaphore, #tpu.memory_space<semaphore_mem>>) src(%dma_wait3A_33 : memref<313x16xf32, #tpu.memory_space<hbm>>) dst(%arg12 : memref<313x16xf32, #tpu.memory_space<vmem>>)
      tpu.yield
    }) : () -> ()
    %parallel_loop3A = arith.constant 0 : i32
    %parallel_loop3A_6 = arith.constant 313 : i32
    %parallel_loop3A_7 = arith.constant 1 : i32
    scf.for %parallel_loop3A_28 = %parallel_loop3A to %parallel_loop3A_6 step %parallel_loop3A_7  : i32 {
      %parallel_loop3A_29 = arith.index_cast %parallel_loop3A_28 : i32 to index
      %parallel_loop3A_30 = arith.constant 0 : index
      %parallel_loop3A_31 = tpu.vector_load %arg11[%parallel_loop3A_29, %parallel_loop3A_30] {strides = array<i32>} : memref<313x144xf32, #tpu.memory_space<vmem>>, vector<16xf32>,
      tpu.vector_store %arg11[%parallel_loop3A_29, %parallel_loop3A_30], %broadcast_in_dim3A_3 {strides = array<i32>} : memref<313x144xf32, #tpu.memory_space<vmem>>, vector<16xf32>,
      %parallel_loop3A_32 = arith.index_cast %parallel_loop3A_28 : i32 to index
      %parallel_loop3A_33 = arith.constant 16 : index
      %parallel_loop3A_34 = tpu.vector_load %arg11[%parallel_loop3A_32, %parallel_loop3A_33] {strides = array<i32>} : memref<313x144xf32, #tpu.memory_space<vmem>>, vector<16xf32>,
      tpu.vector_store %arg11[%parallel_loop3A_32, %parallel_loop3A_33], %broadcast_in_dim3A_3 {strides = array<i32>} : memref<313x144xf32, #tpu.memory_space<vmem>>, vector<16xf32>,
      %parallel_loop3A_35 = arith.index_cast %parallel_loop3A_28 : i32 to index
      %parallel_loop3A_36 = arith.constant 32 : index
      %parallel_loop3A_37 = tpu.vector_load %arg11[%parallel_loop3A_35, %parallel_loop3A_36] {strides = array<i32>} : memref<313x144xf32, #tpu.memory_space<vmem>>, vector<16xf32>,
      tpu.vector_store %arg11[%parallel_loop3A_35, %parallel_loop3A_36], %broadcast_in_dim3A_3 {strides = array<i32>} : memref<313x144xf32, #tpu.memory_space<vmem>>, vector<16xf32>,
      %parallel_loop3A_38 = arith.index_cast %parallel_loop3A_28 : i32 to index
      %parallel_loop3A_39 = arith.constant 48 : index
      %parallel_loop3A_40 = tpu.vector_load %arg11[%parallel_loop3A_38, %parallel_loop3A_39] {strides = array<i32>} : memref<313x144xf32, #tpu.memory_space<vmem>>, vector<16xf32>,
      tpu.vector_store %arg11[%parallel_loop3A_38, %parallel_loop3A_39], %broadcast_in_dim3A_3 {strides = array<i32>} : memref<313x144xf32, #tpu.memory_space<vmem>>, vector<16xf32>,
      %parallel_loop3A_41 = arith.index_cast %parallel_loop3A_28 : i32 to index
      %parallel_loop3A_42 = arith.constant 64 : index
      %parallel_loop3A_43 = tpu.vector_load %arg11[%parallel_loop3A_41, %parallel_loop3A_42] {strides = array<i32>} : memref<313x144xf32, #tpu.memory_space<vmem>>, vector<16xf32>,
      tpu.vector_store %arg11[%parallel_loop3A_41, %parallel_loop3A_42], %broadcast_in_dim3A_3 {strides = array<i32>} : memref<313x144xf32, #tpu.memory_space<vmem>>, vector<16xf32>,
      %parallel_loop3A_44 = arith.index_cast %parallel_loop3A_28 : i32 to index
      %parallel_loop3A_45 = arith.constant 80 : index
      %parallel_loop3A_46 = tpu.vector_load %arg11[%parallel_loop3A_44, %parallel_loop3A_45] {strides = array<i32>} : memref<313x144xf32, #tpu.memory_space<vmem>>, vector<16xf32>,
      tpu.vector_store %arg11[%parallel_loop3A_44, %parallel_loop3A_45], %broadcast_in_dim3A_3 {strides = array<i32>} : memref<313x144xf32, #tpu.memory_space<vmem>>, vector<16xf32>,
      %parallel_loop3A_47 = arith.index_cast %parallel_loop3A_28 : i32 to index
      %parallel_loop3A_48 = arith.constant 96 : index
      %parallel_loop3A_49 = tpu.vector_load %arg11[%parallel_loop3A_47, %parallel_loop3A_48] {strides = array<i32>} : memref<313x144xf32, #tpu.memory_space<vmem>>, vector<16xf32>,
      tpu.vector_store %arg11[%parallel_loop3A_47, %parallel_loop3A_48], %broadcast_in_dim3A_3 {strides = array<i32>} : memref<313x144xf32, #tpu.memory_space<vmem>>, vector<16xf32>,
      %parallel_loop3A_50 = arith.index_cast %parallel_loop3A_28 : i32 to index
      %parallel_loop3A_51 = arith.constant 112 : index
      %parallel_loop3A_52 = tpu.vector_load %arg11[%parallel_loop3A_50, %parallel_loop3A_51] {strides = array<i32>} : memref<313x144xf32, #tpu.memory_space<vmem>>, vector<16xf32>,
      tpu.vector_store %arg11[%parallel_loop3A_50, %parallel_loop3A_51], %broadcast_in_dim3A_3 {strides = array<i32>} : memref<313x144xf32, #tpu.memory_space<vmem>>, vector<16xf32>,
      %parallel_loop3A_53 = arith.index_cast %parallel_loop3A_28 : i32 to index
      %parallel_loop3A_54 = arith.constant 128 : index
      %parallel_loop3A_55 = tpu.vector_load %arg11[%parallel_loop3A_53, %parallel_loop3A_54] {strides = array<i32>} : memref<313x144xf32, #tpu.memory_space<vmem>>, vector<16xf32>,
      tpu.vector_store %arg11[%parallel_loop3A_53, %parallel_loop3A_54], %broadcast_in_dim3A_3 {strides = array<i32>} : memref<313x144xf32, #tpu.memory_space<vmem>>, vector<16xf32>,
    } {sc.loop_unroll_factor = 4 : i64, sc.parallel_access}
    %parallel_loop3A_8 = arith.constant 0 : i32
    %parallel_loop3A_9 = arith.constant 641 : i32
    %parallel_loop3A_10 = arith.constant 1 : i32
    scf.for %parallel_loop3A_28 = %parallel_loop3A_8 to %parallel_loop3A_9 step %parallel_loop3A_10  : i32 {
      %parallel_loop3A_29 = arith.constant 16 : i32
      %parallel_loop3A_30 = arith.muli %parallel_loop3A_28, %parallel_loop3A_29 : i32
      %parallel_loop3A_31 = arith.index_cast %parallel_loop3A_30 : i32 to index
      %parallel_loop3A_32 = tpu.vector_load %arg8[%parallel_loop3A_31] {strides = array<i32>} : memref<10256xi32, #tpu.memory_space<vmem>>, vector<16xi32>,
      tpu.vector_store %arg8[%parallel_loop3A_31], %broadcast_in_dim3A_5 {strides = array<i32>} : memref<10256xi32, #tpu.memory_space<vmem>>, vector<16xi32>,
    } {sc.loop_unroll_factor = 4 : i64, sc.parallel_access}
    %scan3A = arith.constant 0 : i32
    %scan3A_11 = arith.constant 0 : i32
    %scan3A_12 = arith.constant 32 : i32
    %scan3A_13 = arith.addi %scan3A_11, %scan3A_12 : i32
    %scan3A_14 = arith.constant 1 : i32
    %scan3A_15 = scf.for %scan3A_28 = %scan3A_11 to %scan3A_13 step %scan3A_14 iter_args(%scan3A_29 = %scan3A) -> (i32)  : i32 {
      %mul3A_30 = arith.constant 10000 : i32
      %mul3A_31 = arith.muli %scan3A_28, %mul3A_30 : i32
      %run_scoped3A = arith.constant 1 : i32
      "tpu.region"() ({
        %run_scoped3A_161 = tpu.sem_alloc : memref<!tpu.dma_semaphore, #tpu.memory_space<semaphore_mem>>
        %dma_start3A = tpu.memref_slice %arg2[%run_scoped3A, %mul3A_31] : memref<2x320000xi32, #tpu.memory_space<hbm>> -> memref<1x10000xi32, #tpu.memory_space<hbm>>
        %dma_start3A_162 = tpu.memref_squeeze %dma_start3A : memref<1x10000xi32, #tpu.memory_space<hbm>> -> memref<10000xi32, #tpu.memory_space<hbm>>
        %dma_start3A_163 = tpu.memref_slice %arg2[%run_scoped3A, %mul3A_31] : memref<2x320000xi32, #tpu.memory_space<hbm>> -> memref<1x10000xi32, #tpu.memory_space<hbm>>
        %dma_start3A_164 = tpu.memref_squeeze %dma_start3A_163 : memref<1x10000xi32, #tpu.memory_space<hbm>> -> memref<10000xi32, #tpu.memory_space<hbm>>
        tpu.enqueue_dma source(%dma_start3A_164 : memref<10000xi32, #tpu.memory_space<hbm>>) target(%arg6 : memref<10000xi32, #tpu.memory_space<vmem>>) target_semaphore(%run_scoped3A_161 : memref<!tpu.dma_semaphore, #tpu.memory_space<semaphore_mem>>)
        %dma_wait3A = tpu.memref_slice %arg2[%run_scoped3A, %mul3A_31] : memref<2x320000xi32, #tpu.memory_space<hbm>> -> memref<1x10000xi32, #tpu.memory_space<hbm>>
        %dma_wait3A_165 = tpu.memref_squeeze %dma_wait3A : memref<1x10000xi32, #tpu.memory_space<hbm>> -> memref<10000xi32, #tpu.memory_space<hbm>>
        %dma_wait3A_166 = tpu.memref_slice %arg2[%run_scoped3A, %mul3A_31] : memref<2x320000xi32, #tpu.memory_space<hbm>> -> memref<1x10000xi32, #tpu.memory_space<hbm>>
        %dma_wait3A_167 = tpu.memref_squeeze %dma_wait3A_166 : memref<1x10000xi32, #tpu.memory_space<hbm>> -> memref<10000xi32, #tpu.memory_space<hbm>>
        tpu.wait_dma2 semaphore(%run_scoped3A_161 : memref<!tpu.dma_semaphore, #tpu.memory_space<semaphore_mem>>) src(%dma_wait3A_167 : memref<10000xi32, #tpu.memory_space<hbm>>) dst(%arg6 : memref<10000xi32, #tpu.memory_space<vmem>>)
        tpu.yield
      }) : () -> ()
      %mul3A_32 = arith.constant 10000 : i32
      %mul3A_33 = arith.muli %scan3A_28, %mul3A_32 : i32
      %run_scoped3A_34 = arith.constant 0 : i32
      "tpu.region"() ({
        %run_scoped3A_161 = tpu.sem_alloc : memref<!tpu.dma_semaphore, #tpu.memory_space<semaphore_mem>>
        %dma_start3A = tpu.memref_slice %arg2[%run_scoped3A_34, %mul3A_33] : memref<2x320000xi32, #tpu.memory_space<hbm>> -> memref<1x10000xi32, #tpu.memory_space<hbm>>
        %dma_start3A_162 = tpu.memref_squeeze %dma_start3A : memref<1x10000xi32, #tpu.memory_space<hbm>> -> memref<10000xi32, #tpu.memory_space<hbm>>
        %dma_start3A_163 = tpu.memref_slice %arg2[%run_scoped3A_34, %mul3A_33] : memref<2x320000xi32, #tpu.memory_space<hbm>> -> memref<1x10000xi32, #tpu.memory_space<hbm>>
        %dma_start3A_164 = tpu.memref_squeeze %dma_start3A_163 : memref<1x10000xi32, #tpu.memory_space<hbm>> -> memref<10000xi32, #tpu.memory_space<hbm>>
        tpu.enqueue_dma source(%dma_start3A_164 : memref<10000xi32, #tpu.memory_space<hbm>>) target(%arg7 : memref<10000xi32, #tpu.memory_space<vmem>>) target_semaphore(%run_scoped3A_161 : memref<!tpu.dma_semaphore, #tpu.memory_space<semaphore_mem>>)
        %dma_wait3A = tpu.memref_slice %arg2[%run_scoped3A_34, %mul3A_33] : memref<2x320000xi32, #tpu.memory_space<hbm>> -> memref<1x10000xi32, #tpu.memory_space<hbm>>
        %dma_wait3A_165 = tpu.memref_squeeze %dma_wait3A : memref<1x10000xi32, #tpu.memory_space<hbm>> -> memref<10000xi32, #tpu.memory_space<hbm>>
        %dma_wait3A_166 = tpu.memref_slice %arg2[%run_scoped3A_34, %mul3A_33] : memref<2x320000xi32, #tpu.memory_space<hbm>> -> memref<1x10000xi32, #tpu.memory_space<hbm>>
        %dma_wait3A_167 = tpu.memref_squeeze %dma_wait3A_166 : memref<1x10000xi32, #tpu.memory_space<hbm>> -> memref<10000xi32, #tpu.memory_space<hbm>>
        tpu.wait_dma2 semaphore(%run_scoped3A_161 : memref<!tpu.dma_semaphore, #tpu.memory_space<semaphore_mem>>) src(%dma_wait3A_167 : memref<10000xi32, #tpu.memory_space<hbm>>) dst(%arg7 : memref<10000xi32, #tpu.memory_space<vmem>>)
        tpu.yield
      }) : () -> ()
      %parallel_loop3A_35 = arith.constant 0 : i32
      %parallel_loop3A_36 = arith.constant 625 : i32
      %parallel_loop3A_37 = arith.constant 1 : i32
      %parallel_loop3A_38 = scf.for %parallel_loop3A_161 = %parallel_loop3A_35 to %parallel_loop3A_36 step %parallel_loop3A_37 iter_args(%parallel_loop3A_162 = %scan3A_29) -> (i32)  : i32 {
        %parallel_loop3A_163 = arith.constant 16 : i32
        %parallel_loop3A_164 = arith.muli %parallel_loop3A_161, %parallel_loop3A_163 : i32
        %parallel_loop3A_165 = arith.index_cast %parallel_loop3A_164 : i32 to index
        %parallel_loop3A_166 = tpu.vector_load %arg6[%parallel_loop3A_165] {strides = array<i32>} : memref<10000xi32, #tpu.memory_space<vmem>>, vector<16xi32>,
        %parallel_loop3A_167 = vector.broadcast %mul3A_2 : i32 to vector<16xi32>
        %parallel_loop3A_168 = arith.subi %parallel_loop3A_166, %parallel_loop3A_167 : vector<16xi32>
        %parallel_loop3A_169 = arith.constant 0 : i32
        %parallel_loop3A_170 = vector.broadcast %parallel_loop3A_169 : i32 to vector<16xi32>
        %parallel_loop3A_171 = arith.cmpi sge, %parallel_loop3A_168, %parallel_loop3A_170 : vector<16xi32>
        %parallel_loop3A_172 = arith.constant 313 : i32
        %parallel_loop3A_173 = vector.broadcast %parallel_loop3A_172 : i32 to vector<16xi32>
        %parallel_loop3A_174 = arith.cmpi slt, %parallel_loop3A_168, %parallel_loop3A_173 : vector<16xi32>
        %parallel_loop3A_175 = arith.andi %parallel_loop3A_171, %parallel_loop3A_174 : vector<16xi1>
        %parallel_loop3A_176 = arith.constant 16 : i32
        %parallel_loop3A_177 = arith.muli %parallel_loop3A_161, %parallel_loop3A_176 : i32
        %parallel_loop3A_178 = arith.index_cast %parallel_loop3A_177 : i32 to index
        %parallel_loop3A_179 = tpu.vector_load %arg7[%parallel_loop3A_178] {strides = array<i32>} : memref<10000xi32, #tpu.memory_space<vmem>>, vector<16xi32>,
        %parallel_loop3A_180 = arith.index_cast %parallel_loop3A_162 : i32 to index
        %parallel_loop3A_181 = tpu.vector_load %arg8[%parallel_loop3A_180] masked %parallel_loop3A_175 {strides = array<i32>} : memref<10256xi32, #tpu.memory_space<vmem>>, vector<16xi32>, vector<16xi1>
        tpu.vector_store %arg8[%parallel_loop3A_180], %parallel_loop3A_179 masked %parallel_loop3A_175 {strides = array<i32>} : memref<10256xi32, #tpu.memory_space<vmem>>, vector<16xi32>, vector<16xi1>
        %parallel_loop3A_182 = arith.index_cast %parallel_loop3A_162 : i32 to index
        %parallel_loop3A_183 = tpu.vector_load %arg9[%parallel_loop3A_182] masked %parallel_loop3A_175 {strides = array<i32>} : memref<10256xi32, #tpu.memory_space<vmem>>, vector<16xi32>, vector<16xi1>
        tpu.vector_store %arg9[%parallel_loop3A_182], %parallel_loop3A_168 masked %parallel_loop3A_175 {strides = array<i32>} : memref<10256xi32, #tpu.memory_space<vmem>>, vector<16xi32>, vector<16xi1>
        %parallel_loop3A_184 = arith.extui %parallel_loop3A_175 : vector<16xi1> to vector<16xi32>
        %parallel_loop3A_185 = arith.constant true
        %parallel_loop3A_186 = vector.broadcast %parallel_loop3A_185 : i1 to vector<16xi1>
        %parallel_loop3A_187 = tpu.scan <sum>, %parallel_loop3A_184 masked %parallel_loop3A_186 : vector<16xi32>, vector<16xi1> -> vector<16xi32>
        %parallel_loop3A_188 = vector.extract %parallel_loop3A_187[15] : i32 from vector<16xi32>
        %parallel_loop3A_189 = arith.addi %parallel_loop3A_162, %parallel_loop3A_188 : i32
        scf.yield %parallel_loop3A_189 : i32
      } {sc.loop_unroll_factor = 1 : i64, sc.parallel_access}
      %jit3A = arith.constant 112 : i32
      %div3A = arith.divsi %parallel_loop3A_38, %jit3A : i32
      %sign3A = arith.constant 0 : i32
      %sign3A_39 = arith.cmpi sgt, %parallel_loop3A_38, %sign3A : i32
      %sign3A_40 = arith.extui %sign3A_39 : i1 to i32
      %sign3A_41 = arith.constant 0 : i32
      %sign3A_42 = arith.cmpi slt, %parallel_loop3A_38, %sign3A_41 : i32
      %sign3A_43 = arith.extui %sign3A_42 : i1 to i32
      %sign3A_44 = arith.subi %sign3A_40, %sign3A_43 : i32
      %sign3A_45 = arith.constant 0 : i32
      %sign3A_46 = arith.cmpi sgt, %jit3A, %sign3A_45 : i32
      %sign3A_47 = arith.extui %sign3A_46 : i1 to i32
      %sign3A_48 = arith.constant 0 : i32
      %sign3A_49 = arith.cmpi slt, %jit3A, %sign3A_48 : i32
      %sign3A_50 = arith.extui %sign3A_49 : i1 to i32
      %sign3A_51 = arith.subi %sign3A_47, %sign3A_50 : i32
      %ne3A = arith.cmpi ne, %sign3A_44, %sign3A_51 : i32
      %rem3A = arith.remsi %parallel_loop3A_38, %jit3A : i32
      %ne3A_52 = arith.constant 0 : i32
      %ne3A_53 = arith.cmpi ne, %rem3A, %ne3A_52 : i32
      %and3A = arith.andi %ne3A, %ne3A_53 : i1
      %sub3A = arith.constant 1 : i32
      %sub3A_54 = arith.subi %div3A, %sub3A : i32
      %select_n3A = arith.select %and3A, %sub3A_54, %div3A : i32
      %while3A = arith.constant 0 : i32
      %while3A_55 = arith.constant 0 : i32
      %while3A_56 = arith.subi %select_n3A, %while3A_55 : i32
      %while3A_57 = arith.addi %while3A_55, %while3A_56 : i32
      %while3A_58 = arith.constant 1 : i32
      %while3A_59 = arith.divsi %while3A_56, %while3A_58 : i32
      %while3A_60 = arith.muli %while3A_59, %while3A_58 : i32
      %while3A_61 = arith.addi %while3A_55, %while3A_60 : i32
      %while3A_62 = arith.constant 1 : i32
      scf.for %while3A_161 = %while3A_55 to %while3A_61 step %while3A_62  : i32 {
        %mul3A_162 = arith.constant 112 : i32
        %mul3A_163 = arith.muli %while3A_161, %mul3A_162 : i32
        "tpu.region"() ({
          %run_scoped3A_167 = tpu.sem_alloc : memref<!tpu.dma_semaphore, #tpu.memory_space<semaphore_mem>>
          %dma_start3A = arith.constant 0 : i32
          %dma_start3A_168 = arith.constant 0 : i32
          %dma_start3A_169 = tpu.memref_slice %arg10[%dma_start3A, %dma_start3A_168] : memref<112x144xf32, #tpu.memory_space<vmem>> -> memref<112x144xf32, #tpu.memory_space<vmem>>
          %dma_start3A_170 = tpu.memref_slice %arg8[%mul3A_163] : memref<10256xi32, #tpu.memory_space<vmem>> -> memref<112xi32, #tpu.memory_space<vmem>>
          %dma_start3A_171 = arith.constant 0 : i32
          %dma_start3A_172 = arith.constant 0 : i32
          %dma_start3A_173 = tpu.memref_slice %arg3[%dma_start3A_171, %dma_start3A_172] : memref<10000x144xf32, #tpu.memory_space<hbm>> -> memref<10000x144xf32, #tpu.memory_space<hbm>>
          tpu.enqueue_indirect_dma source(%dma_start3A_173 : memref<10000x144xf32, #tpu.memory_space<hbm>>) target(%dma_start3A_169 : memref<112x144xf32, #tpu.memory_space<vmem>>) offsets(%dma_start3A_170 : memref<112xi32, #tpu.memory_space<vmem>>) semaphore(%run_scoped3A_167 : memref<!tpu.dma_semaphore, #tpu.memory_space<semaphore_mem>>)
          %dma_wait3A = arith.constant 0 : i32
          %dma_wait3A_174 = arith.constant 0 : i32
          %dma_wait3A_175 = tpu.memref_slice %arg10[%dma_wait3A, %dma_wait3A_174] : memref<112x144xf32, #tpu.memory_space<vmem>> -> memref<112x144xf32, #tpu.memory_space<vmem>>
          %dma_wait3A_176 = tpu.memref_slice %arg8[%mul3A_163] : memref<10256xi32, #tpu.memory_space<vmem>> -> memref<112xi32, #tpu.memory_space<vmem>>
          %dma_wait3A_177 = arith.constant 0 : i32
          %dma_wait3A_178 = arith.constant 0 : i32
          %dma_wait3A_179 = tpu.memref_slice %arg3[%dma_wait3A_177, %dma_wait3A_178] : memref<10000x144xf32, #tpu.memory_space<hbm>> -> memref<10000x144xf32, #tpu.memory_space<hbm>>
          tpu.wait_indirect_dma semaphore(%run_scoped3A_167 : memref<!tpu.dma_semaphore, #tpu.memory_space<semaphore_mem>>) src(%dma_wait3A_179 : memref<10000x144xf32, #tpu.memory_space<hbm>>) dst(%dma_wait3A_175 : memref<112x144xf32, #tpu.memory_space<vmem>>)
          tpu.yield
        }) : () -> ()
        %parallel_loop3A_164 = arith.constant 0 : i32
        %parallel_loop3A_165 = arith.constant 112 : i32
        %parallel_loop3A_166 = arith.constant 1 : i32
        scf.for %parallel_loop3A_167 = %parallel_loop3A_164 to %parallel_loop3A_165 step %parallel_loop3A_166  : i32 {
          %parallel_loop3A_168 = arith.addi %mul3A_163, %parallel_loop3A_167 : i32
          %parallel_loop3A_169 = vector.broadcast %parallel_loop3A_168 : i32 to vector<16xi32>
          %parallel_loop3A_170 = tpu.vector_load_idx %arg9[%parallel_loop3A_169] : memref<10256xi32, #tpu.memory_space<vmem>>[vector<16xi32>], vector<16xi32>,
          %parallel_loop3A_171 = tpu.vector_load_idx %arg12[%parallel_loop3A_170, %iota3A] : memref<313x16xf32, #tpu.memory_space<vmem>>[vector<16xi32>, vector<16xi32>], vector<16xf32>,
          %parallel_loop3A_172 = arith.index_cast %parallel_loop3A_167 : i32 to index
          %parallel_loop3A_173 = arith.constant 128 : index
          %parallel_loop3A_174 = tpu.vector_load %arg10[%parallel_loop3A_172, %parallel_loop3A_173] {strides = array<i32>} : memref<112x144xf32, #tpu.memory_space<vmem>>, vector<16xf32>,
          %parallel_loop3A_175 = arith.addf %parallel_loop3A_174, %parallel_loop3A_171 : vector<16xf32>
          %parallel_loop3A_176 = arith.constant 0.000000e+00 : f32
          %parallel_loop3A_177 = vector.broadcast %parallel_loop3A_176 : f32 to vector<16xf32>
          %parallel_loop3A_178 = arith.maximumf %parallel_loop3A_175, %parallel_loop3A_177 : vector<16xf32>
          %parallel_loop3A_179 = arith.constant 0.000000e+00 : f32
          %parallel_loop3A_180 = vector.broadcast %parallel_loop3A_179 : f32 to vector<16xf32>
          %parallel_loop3A_181 = arith.minimumf %parallel_loop3A_175, %parallel_loop3A_180 : vector<16xf32>
          %parallel_loop3A_182 = arith.constant 0.00999999977 : f32
          %parallel_loop3A_183 = vector.broadcast %parallel_loop3A_182 : f32 to vector<16xf32>
          %parallel_loop3A_184 = arith.mulf %parallel_loop3A_181, %parallel_loop3A_183 : vector<16xf32>
          %parallel_loop3A_185 = arith.addf %parallel_loop3A_178, %parallel_loop3A_184 : vector<16xf32>
          %parallel_loop3A_186 = math.exp %parallel_loop3A_185 : vector<16xf32>
          %parallel_loop3A_187 = arith.index_cast %parallel_loop3A_167 : i32 to index
          %parallel_loop3A_188 = arith.constant 128 : index
          %parallel_loop3A_189 = tpu.vector_load %arg10[%parallel_loop3A_187, %parallel_loop3A_188] {strides = array<i32>} : memref<112x144xf32, #tpu.memory_space<vmem>>, vector<16xf32>,
          tpu.vector_store %arg10[%parallel_loop3A_187, %parallel_loop3A_188], %parallel_loop3A_186 {strides = array<i32>} : memref<112x144xf32, #tpu.memory_space<vmem>>, vector<16xf32>,
          %parallel_loop3A_190 = arith.constant 128 : i32
          %parallel_loop3A_191 = vector.broadcast %parallel_loop3A_190 : i32 to vector<16xi32>
          %parallel_loop3A_192 = arith.constant 0 : i32
          %parallel_loop3A_193 = tpu.memref_slice %arg10[%parallel_loop3A_167, %parallel_loop3A_192] : memref<112x144xf32, #tpu.memory_space<vmem>> -> memref<1x144xf32, #tpu.memory_space<vmem>>
          %parallel_loop3A_194 = tpu.memref_squeeze %parallel_loop3A_193 : memref<1x144xf32, #tpu.memory_space<vmem>> -> memref<144xf32, #tpu.memory_space<vmem>>
          %parallel_loop3A_195 = tpu.vector_load_idx %parallel_loop3A_194[%parallel_loop3A_191] : memref<144xf32, #tpu.memory_space<vmem>>[vector<16xi32>], vector<16xf32>,
          %parallel_loop3A_196 = arith.constant 0 : i32
          %parallel_loop3A_197 = vector.broadcast %parallel_loop3A_196 : i32 to vector<16xi32>
          %parallel_loop3A_198 = arith.addi %iota3A, %parallel_loop3A_197 : vector<16xi32>
          %parallel_loop3A_199 = arith.index_cast %parallel_loop3A_167 : i32 to index
          %parallel_loop3A_200 = arith.constant 0 : index
          %parallel_loop3A_201 = tpu.vector_load %arg10[%parallel_loop3A_199, %parallel_loop3A_200] {strides = array<i32>} : memref<112x144xf32, #tpu.memory_space<vmem>>, vector<16xf32>,
          %parallel_loop3A_202 = arith.mulf %parallel_loop3A_201, %parallel_loop3A_195 : vector<16xf32>
          tpu.vector_store_idx %arg11[%parallel_loop3A_170, %parallel_loop3A_198], %parallel_loop3A_202 {add = true} : memref<313x144xf32, #tpu.memory_space<vmem>>[vector<16xi32>, vector<16xi32>], vector<16xf32>,
          %parallel_loop3A_203 = arith.constant 129 : i32
          %parallel_loop3A_204 = vector.broadcast %parallel_loop3A_203 : i32 to vector<16xi32>
          %parallel_loop3A_205 = arith.constant 0 : i32
          %parallel_loop3A_206 = tpu.memref_slice %arg10[%parallel_loop3A_167, %parallel_loop3A_205] : memref<112x144xf32, #tpu.memory_space<vmem>> -> memref<1x144xf32, #tpu.memory_space<vmem>>
          %parallel_loop3A_207 = tpu.memref_squeeze %parallel_loop3A_206 : memref<1x144xf32, #tpu.memory_space<vmem>> -> memref<144xf32, #tpu.memory_space<vmem>>
          %parallel_loop3A_208 = tpu.vector_load_idx %parallel_loop3A_207[%parallel_loop3A_204] : memref<144xf32, #tpu.memory_space<vmem>>[vector<16xi32>], vector<16xf32>,
          %parallel_loop3A_209 = arith.constant 16 : i32
          %parallel_loop3A_210 = vector.broadcast %parallel_loop3A_209 : i32 to vector<16xi32>
          %parallel_loop3A_211 = arith.addi %iota3A, %parallel_loop3A_210 : vector<16xi32>
          %parallel_loop3A_212 = arith.index_cast %parallel_loop3A_167 : i32 to index
          %parallel_loop3A_213 = arith.constant 16 : index
          %parallel_loop3A_214 = tpu.vector_load %arg10[%parallel_loop3A_212, %parallel_loop3A_213] {strides = array<i32>} : memref<112x144xf32, #tpu.memory_space<vmem>>, vector<16xf32>,
          %parallel_loop3A_215 = arith.mulf %parallel_loop3A_214, %parallel_loop3A_208 : vector<16xf32>
          tpu.vector_store_idx %arg11[%parallel_loop3A_170, %parallel_loop3A_211], %parallel_loop3A_215 {add = true} : memref<313x144xf32, #tpu.memory_space<vmem>>[vector<16xi32>, vector<16xi32>], vector<16xf32>,
          %parallel_loop3A_216 = arith.constant 130 : i32
          %parallel_loop3A_217 = vector.broadcast %parallel_loop3A_216 : i32 to vector<16xi32>
          %parallel_loop3A_218 = arith.constant 0 : i32
          %parallel_loop3A_219 = tpu.memref_slice %arg10[%parallel_loop3A_167, %parallel_loop3A_218] : memref<112x144xf32, #tpu.memory_space<vmem>> -> memref<1x144xf32, #tpu.memory_space<vmem>>
          %parallel_loop3A_220 = tpu.memref_squeeze %parallel_loop3A_219 : memref<1x144xf32, #tpu.memory_space<vmem>> -> memref<144xf32, #tpu.memory_space<vmem>>
          %parallel_loop3A_221 = tpu.vector_load_idx %parallel_loop3A_220[%parallel_loop3A_217] : memref<144xf32, #tpu.memory_space<vmem>>[vector<16xi32>], vector<16xf32>,
          %parallel_loop3A_222 = arith.constant 32 : i32
          %parallel_loop3A_223 = vector.broadcast %parallel_loop3A_222 : i32 to vector<16xi32>
          %parallel_loop3A_224 = arith.addi %iota3A, %parallel_loop3A_223 : vector<16xi32>
          %parallel_loop3A_225 = arith.index_cast %parallel_loop3A_167 : i32 to index
          %parallel_loop3A_226 = arith.constant 32 : index
          %parallel_loop3A_227 = tpu.vector_load %arg10[%parallel_loop3A_225, %parallel_loop3A_226] {strides = array<i32>} : memref<112x144xf32, #tpu.memory_space<vmem>>, vector<16xf32>,
          %parallel_loop3A_228 = arith.mulf %parallel_loop3A_227, %parallel_loop3A_221 : vector<16xf32>
          tpu.vector_store_idx %arg11[%parallel_loop3A_170, %parallel_loop3A_224], %parallel_loop3A_228 {add = true} : memref<313x144xf32, #tpu.memory_space<vmem>>[vector<16xi32>, vector<16xi32>], vector<16xf32>,
          %parallel_loop3A_229 = arith.constant 131 : i32
          %parallel_loop3A_230 = vector.broadcast %parallel_loop3A_229 : i32 to vector<16xi32>
          %parallel_loop3A_231 = arith.constant 0 : i32
          %parallel_loop3A_232 = tpu.memref_slice %arg10[%parallel_loop3A_167, %parallel_loop3A_231] : memref<112x144xf32, #tpu.memory_space<vmem>> -> memref<1x144xf32, #tpu.memory_space<vmem>>
          %parallel_loop3A_233 = tpu.memref_squeeze %parallel_loop3A_232 : memref<1x144xf32, #tpu.memory_space<vmem>> -> memref<144xf32, #tpu.memory_space<vmem>>
          %parallel_loop3A_234 = tpu.vector_load_idx %parallel_loop3A_233[%parallel_loop3A_230] : memref<144xf32, #tpu.memory_space<vmem>>[vector<16xi32>], vector<16xf32>,
          %parallel_loop3A_235 = arith.constant 48 : i32
          %parallel_loop3A_236 = vector.broadcast %parallel_loop3A_235 : i32 to vector<16xi32>
          %parallel_loop3A_237 = arith.addi %iota3A, %parallel_loop3A_236 : vector<16xi32>
          %parallel_loop3A_238 = arith.index_cast %parallel_loop3A_167 : i32 to index
          %parallel_loop3A_239 = arith.constant 48 : index
          %parallel_loop3A_240 = tpu.vector_load %arg10[%parallel_loop3A_238, %parallel_loop3A_239] {strides = array<i32>} : memref<112x144xf32, #tpu.memory_space<vmem>>, vector<16xf32>,
          %parallel_loop3A_241 = arith.mulf %parallel_loop3A_240, %parallel_loop3A_234 : vector<16xf32>
          tpu.vector_store_idx %arg11[%parallel_loop3A_170, %parallel_loop3A_237], %parallel_loop3A_241 {add = true} : memref<313x144xf32, #tpu.memory_space<vmem>>[vector<16xi32>, vector<16xi32>], vector<16xf32>,
          %parallel_loop3A_242 = arith.constant 132 : i32
          %parallel_loop3A_243 = vector.broadcast %parallel_loop3A_242 : i32 to vector<16xi32>
          %parallel_loop3A_244 = arith.constant 0 : i32
          %parallel_loop3A_245 = tpu.memref_slice %arg10[%parallel_loop3A_167, %parallel_loop3A_244] : memref<112x144xf32, #tpu.memory_space<vmem>> -> memref<1x144xf32, #tpu.memory_space<vmem>>
          %parallel_loop3A_246 = tpu.memref_squeeze %parallel_loop3A_245 : memref<1x144xf32, #tpu.memory_space<vmem>> -> memref<144xf32, #tpu.memory_space<vmem>>
          %parallel_loop3A_247 = tpu.vector_load_idx %parallel_loop3A_246[%parallel_loop3A_243] : memref<144xf32, #tpu.memory_space<vmem>>[vector<16xi32>], vector<16xf32>,
          %parallel_loop3A_248 = arith.constant 64 : i32
          %parallel_loop3A_249 = vector.broadcast %parallel_loop3A_248 : i32 to vector<16xi32>
          %parallel_loop3A_250 = arith.addi %iota3A, %parallel_loop3A_249 : vector<16xi32>
          %parallel_loop3A_251 = arith.index_cast %parallel_loop3A_167 : i32 to index
          %parallel_loop3A_252 = arith.constant 64 : index
          %parallel_loop3A_253 = tpu.vector_load %arg10[%parallel_loop3A_251, %parallel_loop3A_252] {strides = array<i32>} : memref<112x144xf32, #tpu.memory_space<vmem>>, vector<16xf32>,
          %parallel_loop3A_254 = arith.mulf %parallel_loop3A_253, %parallel_loop3A_247 : vector<16xf32>
          tpu.vector_store_idx %arg11[%parallel_loop3A_170, %parallel_loop3A_250], %parallel_loop3A_254 {add = true} : memref<313x144xf32, #tpu.memory_space<vmem>>[vector<16xi32>, vector<16xi32>], vector<16xf32>,
          %parallel_loop3A_255 = arith.constant 133 : i32
          %parallel_loop3A_256 = vector.broadcast %parallel_loop3A_255 : i32 to vector<16xi32>
          %parallel_loop3A_257 = arith.constant 0 : i32
          %parallel_loop3A_258 = tpu.memref_slice %arg10[%parallel_loop3A_167, %parallel_loop3A_257] : memref<112x144xf32, #tpu.memory_space<vmem>> -> memref<1x144xf32, #tpu.memory_space<vmem>>
          %parallel_loop3A_259 = tpu.memref_squeeze %parallel_loop3A_258 : memref<1x144xf32, #tpu.memory_space<vmem>> -> memref<144xf32, #tpu.memory_space<vmem>>
          %parallel_loop3A_260 = tpu.vector_load_idx %parallel_loop3A_259[%parallel_loop3A_256] : memref<144xf32, #tpu.memory_space<vmem>>[vector<16xi32>], vector<16xf32>,
          %parallel_loop3A_261 = arith.constant 80 : i32
          %parallel_loop3A_262 = vector.broadcast %parallel_loop3A_261 : i32 to vector<16xi32>
          %parallel_loop3A_263 = arith.addi %iota3A, %parallel_loop3A_262 : vector<16xi32>
          %parallel_loop3A_264 = arith.index_cast %parallel_loop3A_167 : i32 to index
          %parallel_loop3A_265 = arith.constant 80 : index
          %parallel_loop3A_266 = tpu.vector_load %arg10[%parallel_loop3A_264, %parallel_loop3A_265] {strides = array<i32>} : memref<112x144xf32, #tpu.memory_space<vmem>>, vector<16xf32>,
          %parallel_loop3A_267 = arith.mulf %parallel_loop3A_266, %parallel_loop3A_260 : vector<16xf32>
          tpu.vector_store_idx %arg11[%parallel_loop3A_170, %parallel_loop3A_263], %parallel_loop3A_267 {add = true} : memref<313x144xf32, #tpu.memory_space<vmem>>[vector<16xi32>, vector<16xi32>], vector<16xf32>,
          %parallel_loop3A_268 = arith.constant 134 : i32
          %parallel_loop3A_269 = vector.broadcast %parallel_loop3A_268 : i32 to vector<16xi32>
          %parallel_loop3A_270 = arith.constant 0 : i32
          %parallel_loop3A_271 = tpu.memref_slice %arg10[%parallel_loop3A_167, %parallel_loop3A_270] : memref<112x144xf32, #tpu.memory_space<vmem>> -> memref<1x144xf32, #tpu.memory_space<vmem>>
          %parallel_loop3A_272 = tpu.memref_squeeze %parallel_loop3A_271 : memref<1x144xf32, #tpu.memory_space<vmem>> -> memref<144xf32, #tpu.memory_space<vmem>>
          %parallel_loop3A_273 = tpu.vector_load_idx %parallel_loop3A_272[%parallel_loop3A_269] : memref<144xf32, #tpu.memory_space<vmem>>[vector<16xi32>], vector<16xf32>,
          %parallel_loop3A_274 = arith.constant 96 : i32
          %parallel_loop3A_275 = vector.broadcast %parallel_loop3A_274 : i32 to vector<16xi32>
          %parallel_loop3A_276 = arith.addi %iota3A, %parallel_loop3A_275 : vector<16xi32>
          %parallel_loop3A_277 = arith.index_cast %parallel_loop3A_167 : i32 to index
          %parallel_loop3A_278 = arith.constant 96 : index
          %parallel_loop3A_279 = tpu.vector_load %arg10[%parallel_loop3A_277, %parallel_loop3A_278] {strides = array<i32>} : memref<112x144xf32, #tpu.memory_space<vmem>>, vector<16xf32>,
          %parallel_loop3A_280 = arith.mulf %parallel_loop3A_279, %parallel_loop3A_273 : vector<16xf32>
          tpu.vector_store_idx %arg11[%parallel_loop3A_170, %parallel_loop3A_276], %parallel_loop3A_280 {add = true} : memref<313x144xf32, #tpu.memory_space<vmem>>[vector<16xi32>, vector<16xi32>], vector<16xf32>,
          %parallel_loop3A_281 = arith.constant 135 : i32
          %parallel_loop3A_282 = vector.broadcast %parallel_loop3A_281 : i32 to vector<16xi32>
          %parallel_loop3A_283 = arith.constant 0 : i32
          %parallel_loop3A_284 = tpu.memref_slice %arg10[%parallel_loop3A_167, %parallel_loop3A_283] : memref<112x144xf32, #tpu.memory_space<vmem>> -> memref<1x144xf32, #tpu.memory_space<vmem>>
          %parallel_loop3A_285 = tpu.memref_squeeze %parallel_loop3A_284 : memref<1x144xf32, #tpu.memory_space<vmem>> -> memref<144xf32, #tpu.memory_space<vmem>>
          %parallel_loop3A_286 = tpu.vector_load_idx %parallel_loop3A_285[%parallel_loop3A_282] : memref<144xf32, #tpu.memory_space<vmem>>[vector<16xi32>], vector<16xf32>,
          %parallel_loop3A_287 = arith.constant 112 : i32
          %parallel_loop3A_288 = vector.broadcast %parallel_loop3A_287 : i32 to vector<16xi32>
          %parallel_loop3A_289 = arith.addi %iota3A, %parallel_loop3A_288 : vector<16xi32>
          %parallel_loop3A_290 = arith.index_cast %parallel_loop3A_167 : i32 to index
          %parallel_loop3A_291 = arith.constant 112 : index
          %parallel_loop3A_292 = tpu.vector_load %arg10[%parallel_loop3A_290, %parallel_loop3A_291] {strides = array<i32>} : memref<112x144xf32, #tpu.memory_space<vmem>>, vector<16xf32>,
          %parallel_loop3A_293 = arith.mulf %parallel_loop3A_292, %parallel_loop3A_286 : vector<16xf32>
          tpu.vector_store_idx %arg11[%parallel_loop3A_170, %parallel_loop3A_289], %parallel_loop3A_293 {add = true} : memref<313x144xf32, #tpu.memory_space<vmem>>[vector<16xi32>, vector<16xi32>], vector<16xf32>,
          %parallel_loop3A_294 = arith.constant 128 : i32
          %parallel_loop3A_295 = vector.broadcast %parallel_loop3A_294 : i32 to vector<16xi32>
          %parallel_loop3A_296 = arith.addi %iota3A, %parallel_loop3A_295 : vector<16xi32>
          tpu.vector_store_idx %arg11[%parallel_loop3A_170, %parallel_loop3A_296], %parallel_loop3A_186 {add = true} : memref<313x144xf32, #tpu.memory_space<vmem>>[vector<16xi32>, vector<16xi32>], vector<16xf32>,
        } {sc.loop_unroll_factor = 4 : i64, sc.parallel_access}
      }
      %while3A_63 = arith.constant 1 : i32
      scf.for %while3A_161 = %while3A_61 to %while3A_57 step %while3A_63  : i32 {
        %mul3A_162 = arith.constant 112 : i32
        %mul3A_163 = arith.muli %while3A_161, %mul3A_162 : i32
        "tpu.region"() ({
          %run_scoped3A_167 = tpu.sem_alloc : memref<!tpu.dma_semaphore, #tpu.memory_space<semaphore_mem>>
          %dma_start3A = arith.constant 0 : i32
          %dma_start3A_168 = arith.constant 0 : i32
          %dma_start3A_169 = tpu.memref_slice %arg10[%dma_start3A, %dma_start3A_168] : memref<112x144xf32, #tpu.memory_space<vmem>> -> memref<112x144xf32, #tpu.memory_space<vmem>>
          %dma_start3A_170 = tpu.memref_slice %arg8[%mul3A_163] : memref<10256xi32, #tpu.memory_space<vmem>> -> memref<112xi32, #tpu.memory_space<vmem>>
          %dma_start3A_171 = arith.constant 0 : i32
          %dma_start3A_172 = arith.constant 0 : i32
          %dma_start3A_173 = tpu.memref_slice %arg3[%dma_start3A_171, %dma_start3A_172] : memref<10000x144xf32, #tpu.memory_space<hbm>> -> memref<10000x144xf32, #tpu.memory_space<hbm>>
          tpu.enqueue_indirect_dma source(%dma_start3A_173 : memref<10000x144xf32, #tpu.memory_space<hbm>>) target(%dma_start3A_169 : memref<112x144xf32, #tpu.memory_space<vmem>>) offsets(%dma_start3A_170 : memref<112xi32, #tpu.memory_space<vmem>>) semaphore(%run_scoped3A_167 : memref<!tpu.dma_semaphore, #tpu.memory_space<semaphore_mem>>)
          %dma_wait3A = arith.constant 0 : i32
          %dma_wait3A_174 = arith.constant 0 : i32
          %dma_wait3A_175 = tpu.memref_slice %arg10[%dma_wait3A, %dma_wait3A_174] : memref<112x144xf32, #tpu.memory_space<vmem>> -> memref<112x144xf32, #tpu.memory_space<vmem>>
          %dma_wait3A_176 = tpu.memref_slice %arg8[%mul3A_163] : memref<10256xi32, #tpu.memory_space<vmem>> -> memref<112xi32, #tpu.memory_space<vmem>>
          %dma_wait3A_177 = arith.constant 0 : i32
          %dma_wait3A_178 = arith.constant 0 : i32
          %dma_wait3A_179 = tpu.memref_slice %arg3[%dma_wait3A_177, %dma_wait3A_178] : memref<10000x144xf32, #tpu.memory_space<hbm>> -> memref<10000x144xf32, #tpu.memory_space<hbm>>
          tpu.wait_indirect_dma semaphore(%run_scoped3A_167 : memref<!tpu.dma_semaphore, #tpu.memory_space<semaphore_mem>>) src(%dma_wait3A_179 : memref<10000x144xf32, #tpu.memory_space<hbm>>) dst(%dma_wait3A_175 : memref<112x144xf32, #tpu.memory_space<vmem>>)
          tpu.yield
        }) : () -> ()
        %parallel_loop3A_164 = arith.constant 0 : i32
        %parallel_loop3A_165 = arith.constant 112 : i32
        %parallel_loop3A_166 = arith.constant 1 : i32
        scf.for %parallel_loop3A_167 = %parallel_loop3A_164 to %parallel_loop3A_165 step %parallel_loop3A_166  : i32 {
          %parallel_loop3A_168 = arith.addi %mul3A_163, %parallel_loop3A_167 : i32
          %parallel_loop3A_169 = vector.broadcast %parallel_loop3A_168 : i32 to vector<16xi32>
          %parallel_loop3A_170 = tpu.vector_load_idx %arg9[%parallel_loop3A_169] : memref<10256xi32, #tpu.memory_space<vmem>>[vector<16xi32>], vector<16xi32>,
          %parallel_loop3A_171 = tpu.vector_load_idx %arg12[%parallel_loop3A_170, %iota3A] : memref<313x16xf32, #tpu.memory_space<vmem>>[vector<16xi32>, vector<16xi32>], vector<16xf32>,
          %parallel_loop3A_172 = arith.index_cast %parallel_loop3A_167 : i32 to index
          %parallel_loop3A_173 = arith.constant 128 : index
          %parallel_loop3A_174 = tpu.vector_load %arg10[%parallel_loop3A_172, %parallel_loop3A_173] {strides = array<i32>} : memref<112x144xf32, #tpu.memory_space<vmem>>, vector<16xf32>,
          %parallel_loop3A_175 = arith.addf %parallel_loop3A_174, %parallel_loop3A_171 : vector<16xf32>
          %parallel_loop3A_176 = arith.constant 0.000000e+00 : f32
          %parallel_loop3A_177 = vector.broadcast %parallel_loop3A_176 : f32 to vector<16xf32>
          %parallel_loop3A_178 = arith.maximumf %parallel_loop3A_175, %parallel_loop3A_177 : vector<16xf32>
          %parallel_loop3A_179 = arith.constant 0.000000e+00 : f32
          %parallel_loop3A_180 = vector.broadcast %parallel_loop3A_179 : f32 to vector<16xf32>
          %parallel_loop3A_181 = arith.minimumf %parallel_loop3A_175, %parallel_loop3A_180 : vector<16xf32>
          %parallel_loop3A_182 = arith.constant 0.00999999977 : f32
          %parallel_loop3A_183 = vector.broadcast %parallel_loop3A_182 : f32 to vector<16xf32>
          %parallel_loop3A_184 = arith.mulf %parallel_loop3A_181, %parallel_loop3A_183 : vector<16xf32>
          %parallel_loop3A_185 = arith.addf %parallel_loop3A_178, %parallel_loop3A_184 : vector<16xf32>
          %parallel_loop3A_186 = math.exp %parallel_loop3A_185 : vector<16xf32>
          %parallel_loop3A_187 = arith.index_cast %parallel_loop3A_167 : i32 to index
          %parallel_loop3A_188 = arith.constant 128 : index
          %parallel_loop3A_189 = tpu.vector_load %arg10[%parallel_loop3A_187, %parallel_loop3A_188] {strides = array<i32>} : memref<112x144xf32, #tpu.memory_space<vmem>>, vector<16xf32>,
          tpu.vector_store %arg10[%parallel_loop3A_187, %parallel_loop3A_188], %parallel_loop3A_186 {strides = array<i32>} : memref<112x144xf32, #tpu.memory_space<vmem>>, vector<16xf32>,
          %parallel_loop3A_190 = arith.constant 128 : i32
          %parallel_loop3A_191 = vector.broadcast %parallel_loop3A_190 : i32 to vector<16xi32>
          %parallel_loop3A_192 = arith.constant 0 : i32
          %parallel_loop3A_193 = tpu.memref_slice %arg10[%parallel_loop3A_167, %parallel_loop3A_192] : memref<112x144xf32, #tpu.memory_space<vmem>> -> memref<1x144xf32, #tpu.memory_space<vmem>>
          %parallel_loop3A_194 = tpu.memref_squeeze %parallel_loop3A_193 : memref<1x144xf32, #tpu.memory_space<vmem>> -> memref<144xf32, #tpu.memory_space<vmem>>
          %parallel_loop3A_195 = tpu.vector_load_idx %parallel_loop3A_194[%parallel_loop3A_191] : memref<144xf32, #tpu.memory_space<vmem>>[vector<16xi32>], vector<16xf32>,
          %parallel_loop3A_196 = arith.constant 0 : i32
          %parallel_loop3A_197 = vector.broadcast %parallel_loop3A_196 : i32 to vector<16xi32>
          %parallel_loop3A_198 = arith.addi %iota3A, %parallel_loop3A_197 : vector<16xi32>
          %parallel_loop3A_199 = arith.index_cast %parallel_loop3A_167 : i32 to index
          %parallel_loop3A_200 = arith.constant 0 : index
          %parallel_loop3A_201 = tpu.vector_load %arg10[%parallel_loop3A_199, %parallel_loop3A_200] {strides = array<i32>} : memref<112x144xf32, #tpu.memory_space<vmem>>, vector<16xf32>,
          %parallel_loop3A_202 = arith.mulf %parallel_loop3A_201, %parallel_loop3A_195 : vector<16xf32>
          tpu.vector_store_idx %arg11[%parallel_loop3A_170, %parallel_loop3A_198], %parallel_loop3A_202 {add = true} : memref<313x144xf32, #tpu.memory_space<vmem>>[vector<16xi32>, vector<16xi32>], vector<16xf32>,
          %parallel_loop3A_203 = arith.constant 129 : i32
          %parallel_loop3A_204 = vector.broadcast %parallel_loop3A_203 : i32 to vector<16xi32>
          %parallel_loop3A_205 = arith.constant 0 : i32
          %parallel_loop3A_206 = tpu.memref_slice %arg10[%parallel_loop3A_167, %parallel_loop3A_205] : memref<112x144xf32, #tpu.memory_space<vmem>> -> memref<1x144xf32, #tpu.memory_space<vmem>>
          %parallel_loop3A_207 = tpu.memref_squeeze %parallel_loop3A_206 : memref<1x144xf32, #tpu.memory_space<vmem>> -> memref<144xf32, #tpu.memory_space<vmem>>
          %parallel_loop3A_208 = tpu.vector_load_idx %parallel_loop3A_207[%parallel_loop3A_204] : memref<144xf32, #tpu.memory_space<vmem>>[vector<16xi32>], vector<16xf32>,
          %parallel_loop3A_209 = arith.constant 16 : i32
          %parallel_loop3A_210 = vector.broadcast %parallel_loop3A_209 : i32 to vector<16xi32>
          %parallel_loop3A_211 = arith.addi %iota3A, %parallel_loop3A_210 : vector<16xi32>
          %parallel_loop3A_212 = arith.index_cast %parallel_loop3A_167 : i32 to index
          %parallel_loop3A_213 = arith.constant 16 : index
          %parallel_loop3A_214 = tpu.vector_load %arg10[%parallel_loop3A_212, %parallel_loop3A_213] {strides = array<i32>} : memref<112x144xf32, #tpu.memory_space<vmem>>, vector<16xf32>,
          %parallel_loop3A_215 = arith.mulf %parallel_loop3A_214, %parallel_loop3A_208 : vector<16xf32>
          tpu.vector_store_idx %arg11[%parallel_loop3A_170, %parallel_loop3A_211], %parallel_loop3A_215 {add = true} : memref<313x144xf32, #tpu.memory_space<vmem>>[vector<16xi32>, vector<16xi32>], vector<16xf32>,
          %parallel_loop3A_216 = arith.constant 130 : i32
          %parallel_loop3A_217 = vector.broadcast %parallel_loop3A_216 : i32 to vector<16xi32>
          %parallel_loop3A_218 = arith.constant 0 : i32
          %parallel_loop3A_219 = tpu.memref_slice %arg10[%parallel_loop3A_167, %parallel_loop3A_218] : memref<112x144xf32, #tpu.memory_space<vmem>> -> memref<1x144xf32, #tpu.memory_space<vmem>>
          %parallel_loop3A_220 = tpu.memref_squeeze %parallel_loop3A_219 : memref<1x144xf32, #tpu.memory_space<vmem>> -> memref<144xf32, #tpu.memory_space<vmem>>
          %parallel_loop3A_221 = tpu.vector_load_idx %parallel_loop3A_220[%parallel_loop3A_217] : memref<144xf32, #tpu.memory_space<vmem>>[vector<16xi32>], vector<16xf32>,
          %parallel_loop3A_222 = arith.constant 32 : i32
          %parallel_loop3A_223 = vector.broadcast %parallel_loop3A_222 : i32 to vector<16xi32>
          %parallel_loop3A_224 = arith.addi %iota3A, %parallel_loop3A_223 : vector<16xi32>
          %parallel_loop3A_225 = arith.index_cast %parallel_loop3A_167 : i32 to index
          %parallel_loop3A_226 = arith.constant 32 : index
          %parallel_loop3A_227 = tpu.vector_load %arg10[%parallel_loop3A_225, %parallel_loop3A_226] {strides = array<i32>} : memref<112x144xf32, #tpu.memory_space<vmem>>, vector<16xf32>,
          %parallel_loop3A_228 = arith.mulf %parallel_loop3A_227, %parallel_loop3A_221 : vector<16xf32>
          tpu.vector_store_idx %arg11[%parallel_loop3A_170, %parallel_loop3A_224], %parallel_loop3A_228 {add = true} : memref<313x144xf32, #tpu.memory_space<vmem>>[vector<16xi32>, vector<16xi32>], vector<16xf32>,
          %parallel_loop3A_229 = arith.constant 131 : i32
          %parallel_loop3A_230 = vector.broadcast %parallel_loop3A_229 : i32 to vector<16xi32>
          %parallel_loop3A_231 = arith.constant 0 : i32
          %parallel_loop3A_232 = tpu.memref_slice %arg10[%parallel_loop3A_167, %parallel_loop3A_231] : memref<112x144xf32, #tpu.memory_space<vmem>> -> memref<1x144xf32, #tpu.memory_space<vmem>>
          %parallel_loop3A_233 = tpu.memref_squeeze %parallel_loop3A_232 : memref<1x144xf32, #tpu.memory_space<vmem>> -> memref<144xf32, #tpu.memory_space<vmem>>
          %parallel_loop3A_234 = tpu.vector_load_idx %parallel_loop3A_233[%parallel_loop3A_230] : memref<144xf32, #tpu.memory_space<vmem>>[vector<16xi32>], vector<16xf32>,
          %parallel_loop3A_235 = arith.constant 48 : i32
          %parallel_loop3A_236 = vector.broadcast %parallel_loop3A_235 : i32 to vector<16xi32>
          %parallel_loop3A_237 = arith.addi %iota3A, %parallel_loop3A_236 : vector<16xi32>
          %parallel_loop3A_238 = arith.index_cast %parallel_loop3A_167 : i32 to index
          %parallel_loop3A_239 = arith.constant 48 : index
          %parallel_loop3A_240 = tpu.vector_load %arg10[%parallel_loop3A_238, %parallel_loop3A_239] {strides = array<i32>} : memref<112x144xf32, #tpu.memory_space<vmem>>, vector<16xf32>,
          %parallel_loop3A_241 = arith.mulf %parallel_loop3A_240, %parallel_loop3A_234 : vector<16xf32>
          tpu.vector_store_idx %arg11[%parallel_loop3A_170, %parallel_loop3A_237], %parallel_loop3A_241 {add = true} : memref<313x144xf32, #tpu.memory_space<vmem>>[vector<16xi32>, vector<16xi32>], vector<16xf32>,
          %parallel_loop3A_242 = arith.constant 132 : i32
          %parallel_loop3A_243 = vector.broadcast %parallel_loop3A_242 : i32 to vector<16xi32>
          %parallel_loop3A_244 = arith.constant 0 : i32
          %parallel_loop3A_245 = tpu.memref_slice %arg10[%parallel_loop3A_167, %parallel_loop3A_244] : memref<112x144xf32, #tpu.memory_space<vmem>> -> memref<1x144xf32, #tpu.memory_space<vmem>>
          %parallel_loop3A_246 = tpu.memref_squeeze %parallel_loop3A_245 : memref<1x144xf32, #tpu.memory_space<vmem>> -> memref<144xf32, #tpu.memory_space<vmem>>
          %parallel_loop3A_247 = tpu.vector_load_idx %parallel_loop3A_246[%parallel_loop3A_243] : memref<144xf32, #tpu.memory_space<vmem>>[vector<16xi32>], vector<16xf32>,
          %parallel_loop3A_248 = arith.constant 64 : i32
          %parallel_loop3A_249 = vector.broadcast %parallel_loop3A_248 : i32 to vector<16xi32>
          %parallel_loop3A_250 = arith.addi %iota3A, %parallel_loop3A_249 : vector<16xi32>
          %parallel_loop3A_251 = arith.index_cast %parallel_loop3A_167 : i32 to index
          %parallel_loop3A_252 = arith.constant 64 : index
          %parallel_loop3A_253 = tpu.vector_load %arg10[%parallel_loop3A_251, %parallel_loop3A_252] {strides = array<i32>} : memref<112x144xf32, #tpu.memory_space<vmem>>, vector<16xf32>,
          %parallel_loop3A_254 = arith.mulf %parallel_loop3A_253, %parallel_loop3A_247 : vector<16xf32>
          tpu.vector_store_idx %arg11[%parallel_loop3A_170, %parallel_loop3A_250], %parallel_loop3A_254 {add = true} : memref<313x144xf32, #tpu.memory_space<vmem>>[vector<16xi32>, vector<16xi32>], vector<16xf32>,
          %parallel_loop3A_255 = arith.constant 133 : i32
          %parallel_loop3A_256 = vector.broadcast %parallel_loop3A_255 : i32 to vector<16xi32>
          %parallel_loop3A_257 = arith.constant 0 : i32
          %parallel_loop3A_258 = tpu.memref_slice %arg10[%parallel_loop3A_167, %parallel_loop3A_257] : memref<112x144xf32, #tpu.memory_space<vmem>> -> memref<1x144xf32, #tpu.memory_space<vmem>>
          %parallel_loop3A_259 = tpu.memref_squeeze %parallel_loop3A_258 : memref<1x144xf32, #tpu.memory_space<vmem>> -> memref<144xf32, #tpu.memory_space<vmem>>
          %parallel_loop3A_260 = tpu.vector_load_idx %parallel_loop3A_259[%parallel_loop3A_256] : memref<144xf32, #tpu.memory_space<vmem>>[vector<16xi32>], vector<16xf32>,
          %parallel_loop3A_261 = arith.constant 80 : i32
          %parallel_loop3A_262 = vector.broadcast %parallel_loop3A_261 : i32 to vector<16xi32>
          %parallel_loop3A_263 = arith.addi %iota3A, %parallel_loop3A_262 : vector<16xi32>
          %parallel_loop3A_264 = arith.index_cast %parallel_loop3A_167 : i32 to index
          %parallel_loop3A_265 = arith.constant 80 : index
          %parallel_loop3A_266 = tpu.vector_load %arg10[%parallel_loop3A_264, %parallel_loop3A_265] {strides = array<i32>} : memref<112x144xf32, #tpu.memory_space<vmem>>, vector<16xf32>,
          %parallel_loop3A_267 = arith.mulf %parallel_loop3A_266, %parallel_loop3A_260 : vector<16xf32>
          tpu.vector_store_idx %arg11[%parallel_loop3A_170, %parallel_loop3A_263], %parallel_loop3A_267 {add = true} : memref<313x144xf32, #tpu.memory_space<vmem>>[vector<16xi32>, vector<16xi32>], vector<16xf32>,
          %parallel_loop3A_268 = arith.constant 134 : i32
          %parallel_loop3A_269 = vector.broadcast %parallel_loop3A_268 : i32 to vector<16xi32>
          %parallel_loop3A_270 = arith.constant 0 : i32
          %parallel_loop3A_271 = tpu.memref_slice %arg10[%parallel_loop3A_167, %parallel_loop3A_270] : memref<112x144xf32, #tpu.memory_space<vmem>> -> memref<1x144xf32, #tpu.memory_space<vmem>>
          %parallel_loop3A_272 = tpu.memref_squeeze %parallel_loop3A_271 : memref<1x144xf32, #tpu.memory_space<vmem>> -> memref<144xf32, #tpu.memory_space<vmem>>
          %parallel_loop3A_273 = tpu.vector_load_idx %parallel_loop3A_272[%parallel_loop3A_269] : memref<144xf32, #tpu.memory_space<vmem>>[vector<16xi32>], vector<16xf32>,
          %parallel_loop3A_274 = arith.constant 96 : i32
          %parallel_loop3A_275 = vector.broadcast %parallel_loop3A_274 : i32 to vector<16xi32>
          %parallel_loop3A_276 = arith.addi %iota3A, %parallel_loop3A_275 : vector<16xi32>
          %parallel_loop3A_277 = arith.index_cast %parallel_loop3A_167 : i32 to index
          %parallel_loop3A_278 = arith.constant 96 : index
          %parallel_loop3A_279 = tpu.vector_load %arg10[%parallel_loop3A_277, %parallel_loop3A_278] {strides = array<i32>} : memref<112x144xf32, #tpu.memory_space<vmem>>, vector<16xf32>,
          %parallel_loop3A_280 = arith.mulf %parallel_loop3A_279, %parallel_loop3A_273 : vector<16xf32>
          tpu.vector_store_idx %arg11[%parallel_loop3A_170, %parallel_loop3A_276], %parallel_loop3A_280 {add = true} : memref<313x144xf32, #tpu.memory_space<vmem>>[vector<16xi32>, vector<16xi32>], vector<16xf32>,
          %parallel_loop3A_281 = arith.constant 135 : i32
          %parallel_loop3A_282 = vector.broadcast %parallel_loop3A_281 : i32 to vector<16xi32>
          %parallel_loop3A_283 = arith.constant 0 : i32
          %parallel_loop3A_284 = tpu.memref_slice %arg10[%parallel_loop3A_167, %parallel_loop3A_283] : memref<112x144xf32, #tpu.memory_space<vmem>> -> memref<1x144xf32, #tpu.memory_space<vmem>>
          %parallel_loop3A_285 = tpu.memref_squeeze %parallel_loop3A_284 : memref<1x144xf32, #tpu.memory_space<vmem>> -> memref<144xf32, #tpu.memory_space<vmem>>
          %parallel_loop3A_286 = tpu.vector_load_idx %parallel_loop3A_285[%parallel_loop3A_282] : memref<144xf32, #tpu.memory_space<vmem>>[vector<16xi32>], vector<16xf32>,
          %parallel_loop3A_287 = arith.constant 112 : i32
          %parallel_loop3A_288 = vector.broadcast %parallel_loop3A_287 : i32 to vector<16xi32>
          %parallel_loop3A_289 = arith.addi %iota3A, %parallel_loop3A_288 : vector<16xi32>
          %parallel_loop3A_290 = arith.index_cast %parallel_loop3A_167 : i32 to index
          %parallel_loop3A_291 = arith.constant 112 : index
          %parallel_loop3A_292 = tpu.vector_load %arg10[%parallel_loop3A_290, %parallel_loop3A_291] {strides = array<i32>} : memref<112x144xf32, #tpu.memory_space<vmem>>, vector<16xf32>,
          %parallel_loop3A_293 = arith.mulf %parallel_loop3A_292, %parallel_loop3A_286 : vector<16xf32>
          tpu.vector_store_idx %arg11[%parallel_loop3A_170, %parallel_loop3A_289], %parallel_loop3A_293 {add = true} : memref<313x144xf32, #tpu.memory_space<vmem>>[vector<16xi32>, vector<16xi32>], vector<16xf32>,
          %parallel_loop3A_294 = arith.constant 128 : i32
          %parallel_loop3A_295 = vector.broadcast %parallel_loop3A_294 : i32 to vector<16xi32>
          %parallel_loop3A_296 = arith.addi %iota3A, %parallel_loop3A_295 : vector<16xi32>
          tpu.vector_store_idx %arg11[%parallel_loop3A_170, %parallel_loop3A_296], %parallel_loop3A_186 {add = true} : memref<313x144xf32, #tpu.memory_space<vmem>>[vector<16xi32>, vector<16xi32>], vector<16xf32>,
        } {sc.loop_unroll_factor = 4 : i64, sc.parallel_access}
      }
      %mul3A_64 = arith.constant 112 : i32
      %mul3A_65 = arith.muli %select_n3A, %mul3A_64 : i32
      %add3A_66 = arith.constant 0 : i32
      %add3A_67 = arith.addi %mul3A_65, %add3A_66 : i32
      %get3A = arith.index_cast %add3A_67 : i32 to index
      %get3A_68 = tpu.vector_load %arg8[%get3A] {strides = array<i32>} : memref<10256xi32, #tpu.memory_space<vmem>>, vector<16xi32>,
      %swap3A = arith.constant 0 : index
      %swap3A_69 = tpu.vector_load %arg8[%swap3A] {strides = array<i32>} : memref<10256xi32, #tpu.memory_space<vmem>>, vector<16xi32>,
      tpu.vector_store %arg8[%swap3A], %get3A_68 {strides = array<i32>} : memref<10256xi32, #tpu.memory_space<vmem>>, vector<16xi32>,
      %add3A_70 = arith.constant 0 : i32
      %add3A_71 = arith.addi %mul3A_65, %add3A_70 : i32
      %get3A_72 = arith.index_cast %add3A_71 : i32 to index
      %get3A_73 = tpu.vector_load %arg9[%get3A_72] {strides = array<i32>} : memref<10256xi32, #tpu.memory_space<vmem>>, vector<16xi32>,
      %swap3A_74 = arith.constant 0 : index
      %swap3A_75 = tpu.vector_load %arg9[%swap3A_74] {strides = array<i32>} : memref<10256xi32, #tpu.memory_space<vmem>>, vector<16xi32>,
      tpu.vector_store %arg9[%swap3A_74], %get3A_73 {strides = array<i32>} : memref<10256xi32, #tpu.memory_space<vmem>>, vector<16xi32>,
      %add3A_76 = arith.constant 16 : i32
      %add3A_77 = arith.addi %mul3A_65, %add3A_76 : i32
      %get3A_78 = arith.index_cast %add3A_77 : i32 to index
      %get3A_79 = tpu.vector_load %arg8[%get3A_78] {strides = array<i32>} : memref<10256xi32, #tpu.memory_space<vmem>>, vector<16xi32>,
      %swap3A_80 = arith.constant 16 : index
      %swap3A_81 = tpu.vector_load %arg8[%swap3A_80] {strides = array<i32>} : memref<10256xi32, #tpu.memory_space<vmem>>, vector<16xi32>,
      tpu.vector_store %arg8[%swap3A_80], %get3A_79 {strides = array<i32>} : memref<10256xi32, #tpu.memory_space<vmem>>, vector<16xi32>,
      %add3A_82 = arith.constant 16 : i32
      %add3A_83 = arith.addi %mul3A_65, %add3A_82 : i32
      %get3A_84 = arith.index_cast %add3A_83 : i32 to index
      %get3A_85 = tpu.vector_load %arg9[%get3A_84] {strides = array<i32>} : memref<10256xi32, #tpu.memory_space<vmem>>, vector<16xi32>,
      %swap3A_86 = arith.constant 16 : index
      %swap3A_87 = tpu.vector_load %arg9[%swap3A_86] {strides = array<i32>} : memref<10256xi32, #tpu.memory_space<vmem>>, vector<16xi32>,
      tpu.vector_store %arg9[%swap3A_86], %get3A_85 {strides = array<i32>} : memref<10256xi32, #tpu.memory_space<vmem>>, vector<16xi32>,
      %add3A_88 = arith.constant 32 : i32
      %add3A_89 = arith.addi %mul3A_65, %add3A_88 : i32
      %get3A_90 = arith.index_cast %add3A_89 : i32 to index
      %get3A_91 = tpu.vector_load %arg8[%get3A_90] {strides = array<i32>} : memref<10256xi32, #tpu.memory_space<vmem>>, vector<16xi32>,
      %swap3A_92 = arith.constant 32 : index
      %swap3A_93 = tpu.vector_load %arg8[%swap3A_92] {strides = array<i32>} : memref<10256xi32, #tpu.memory_space<vmem>>, vector<16xi32>,
      tpu.vector_store %arg8[%swap3A_92], %get3A_91 {strides = array<i32>} : memref<10256xi32, #tpu.memory_space<vmem>>, vector<16xi32>,
      %add3A_94 = arith.constant 32 : i32
      %add3A_95 = arith.addi %mul3A_65, %add3A_94 : i32
      %get3A_96 = arith.index_cast %add3A_95 : i32 to index
      %get3A_97 = tpu.vector_load %arg9[%get3A_96] {strides = array<i32>} : memref<10256xi32, #tpu.memory_space<vmem>>, vector<16xi32>,
      %swap3A_98 = arith.constant 32 : index
      %swap3A_99 = tpu.vector_load %arg9[%swap3A_98] {strides = array<i32>} : memref<10256xi32, #tpu.memory_space<vmem>>, vector<16xi32>,
      tpu.vector_store %arg9[%swap3A_98], %get3A_97 {strides = array<i32>} : memref<10256xi32, #tpu.memory_space<vmem>>, vector<16xi32>,
      %add3A_100 = arith.constant 48 : i32
      %add3A_101 = arith.addi %mul3A_65, %add3A_100 : i32
      %get3A_102 = arith.index_cast %add3A_101 : i32 to index
      %get3A_103 = tpu.vector_load %arg8[%get3A_102] {strides = array<i32>} : memref<10256xi32, #tpu.memory_space<vmem>>, vector<16xi32>,
      %swap3A_104 = arith.constant 48 : index
      %swap3A_105 = tpu.vector_load %arg8[%swap3A_104] {strides = array<i32>} : memref<10256xi32, #tpu.memory_space<vmem>>, vector<16xi32>,
      tpu.vector_store %arg8[%swap3A_104], %get3A_103 {strides = array<i32>} : memref<10256xi32, #tpu.memory_space<vmem>>, vector<16xi32>,
      %add3A_106 = arith.constant 48 : i32
      %add3A_107 = arith.addi %mul3A_65, %add3A_106 : i32
      %get3A_108 = arith.index_cast %add3A_107 : i32 to index
      %get3A_109 = tpu.vector_load %arg9[%get3A_108] {strides = array<i32>} : memref<10256xi32, #tpu.memory_space<vmem>>, vector<16xi32>,
      %swap3A_110 = arith.constant 48 : index
      %swap3A_111 = tpu.vector_load %arg9[%swap3A_110] {strides = array<i32>} : memref<10256xi32, #tpu.memory_space<vmem>>, vector<16xi32>,
      tpu.vector_store %arg9[%swap3A_110], %get3A_109 {strides = array<i32>} : memref<10256xi32, #tpu.memory_space<vmem>>, vector<16xi32>,
      %add3A_112 = arith.constant 64 : i32
      %add3A_113 = arith.addi %mul3A_65, %add3A_112 : i32
      %get3A_114 = arith.index_cast %add3A_113 : i32 to index
      %get3A_115 = tpu.vector_load %arg8[%get3A_114] {strides = array<i32>} : memref<10256xi32, #tpu.memory_space<vmem>>, vector<16xi32>,
      %swap3A_116 = arith.constant 64 : index
      %swap3A_117 = tpu.vector_load %arg8[%swap3A_116] {strides = array<i32>} : memref<10256xi32, #tpu.memory_space<vmem>>, vector<16xi32>,
      tpu.vector_store %arg8[%swap3A_116], %get3A_115 {strides = array<i32>} : memref<10256xi32, #tpu.memory_space<vmem>>, vector<16xi32>,
      %add3A_118 = arith.constant 64 : i32
      %add3A_119 = arith.addi %mul3A_65, %add3A_118 : i32
      %get3A_120 = arith.index_cast %add3A_119 : i32 to index
      %get3A_121 = tpu.vector_load %arg9[%get3A_120] {strides = array<i32>} : memref<10256xi32, #tpu.memory_space<vmem>>, vector<16xi32>,
      %swap3A_122 = arith.constant 64 : index
      %swap3A_123 = tpu.vector_load %arg9[%swap3A_122] {strides = array<i32>} : memref<10256xi32, #tpu.memory_space<vmem>>, vector<16xi32>,
      tpu.vector_store %arg9[%swap3A_122], %get3A_121 {strides = array<i32>} : memref<10256xi32, #tpu.memory_space<vmem>>, vector<16xi32>,
      %add3A_124 = arith.constant 80 : i32
      %add3A_125 = arith.addi %mul3A_65, %add3A_124 : i32
      %get3A_126 = arith.index_cast %add3A_125 : i32 to index
      %get3A_127 = tpu.vector_load %arg8[%get3A_126] {strides = array<i32>} : memref<10256xi32, #tpu.memory_space<vmem>>, vector<16xi32>,
      %swap3A_128 = arith.constant 80 : index
      %swap3A_129 = tpu.vector_load %arg8[%swap3A_128] {strides = array<i32>} : memref<10256xi32, #tpu.memory_space<vmem>>, vector<16xi32>,
      tpu.vector_store %arg8[%swap3A_128], %get3A_127 {strides = array<i32>} : memref<10256xi32, #tpu.memory_space<vmem>>, vector<16xi32>,
      %add3A_130 = arith.constant 80 : i32
      %add3A_131 = arith.addi %mul3A_65, %add3A_130 : i32
      %get3A_132 = arith.index_cast %add3A_131 : i32 to index
      %get3A_133 = tpu.vector_load %arg9[%get3A_132] {strides = array<i32>} : memref<10256xi32, #tpu.memory_space<vmem>>, vector<16xi32>,
      %swap3A_134 = arith.constant 80 : index
      %swap3A_135 = tpu.vector_load %arg9[%swap3A_134] {strides = array<i32>} : memref<10256xi32, #tpu.memory_space<vmem>>, vector<16xi32>,
      tpu.vector_store %arg9[%swap3A_134], %get3A_133 {strides = array<i32>} : memref<10256xi32, #tpu.memory_space<vmem>>, vector<16xi32>,
      %add3A_136 = arith.constant 96 : i32
      %add3A_137 = arith.addi %mul3A_65, %add3A_136 : i32
      %get3A_138 = arith.index_cast %add3A_137 : i32 to index
      %get3A_139 = tpu.vector_load %arg8[%get3A_138] {strides = array<i32>} : memref<10256xi32, #tpu.memory_space<vmem>>, vector<16xi32>,
      %swap3A_140 = arith.constant 96 : index
      %swap3A_141 = tpu.vector_load %arg8[%swap3A_140] {strides = array<i32>} : memref<10256xi32, #tpu.memory_space<vmem>>, vector<16xi32>,
      tpu.vector_store %arg8[%swap3A_140], %get3A_139 {strides = array<i32>} : memref<10256xi32, #tpu.memory_space<vmem>>, vector<16xi32>,
      %add3A_142 = arith.constant 96 : i32
      %add3A_143 = arith.addi %mul3A_65, %add3A_142 : i32
      %get3A_144 = arith.index_cast %add3A_143 : i32 to index
      %get3A_145 = tpu.vector_load %arg9[%get3A_144] {strides = array<i32>} : memref<10256xi32, #tpu.memory_space<vmem>>, vector<16xi32>,
      %swap3A_146 = arith.constant 96 : index
      %swap3A_147 = tpu.vector_load %arg9[%swap3A_146] {strides = array<i32>} : memref<10256xi32, #tpu.memory_space<vmem>>, vector<16xi32>,
      tpu.vector_store %arg9[%swap3A_146], %get3A_145 {strides = array<i32>} : memref<10256xi32, #tpu.memory_space<vmem>>, vector<16xi32>,
      %add3A_148 = arith.constant 112 : i32
      %add3A_149 = arith.addi %mul3A_65, %add3A_148 : i32
      %get3A_150 = arith.index_cast %add3A_149 : i32 to index
      %get3A_151 = tpu.vector_load %arg8[%get3A_150] {strides = array<i32>} : memref<10256xi32, #tpu.memory_space<vmem>>, vector<16xi32>,
      %swap3A_152 = arith.constant 112 : index
      %swap3A_153 = tpu.vector_load %arg8[%swap3A_152] {strides = array<i32>} : memref<10256xi32, #tpu.memory_space<vmem>>, vector<16xi32>,
      tpu.vector_store %arg8[%swap3A_152], %get3A_151 {strides = array<i32>} : memref<10256xi32, #tpu.memory_space<vmem>>, vector<16xi32>,
      %add3A_154 = arith.constant 112 : i32
      %add3A_155 = arith.addi %mul3A_65, %add3A_154 : i32
      %get3A_156 = arith.index_cast %add3A_155 : i32 to index
      %get3A_157 = tpu.vector_load %arg9[%get3A_156] {strides = array<i32>} : memref<10256xi32, #tpu.memory_space<vmem>>, vector<16xi32>,
      %swap3A_158 = arith.constant 112 : index
      %swap3A_159 = tpu.vector_load %arg9[%swap3A_158] {strides = array<i32>} : memref<10256xi32, #tpu.memory_space<vmem>>, vector<16xi32>,
      tpu.vector_store %arg9[%swap3A_158], %get3A_157 {strides = array<i32>} : memref<10256xi32, #tpu.memory_space<vmem>>, vector<16xi32>,
      %sub3A_160 = arith.subi %parallel_loop3A_38, %mul3A_65 : i32
      scf.yield %sub3A_160 : i32
    }
    %scan3A_16 = arith.constant 32 : i32
    "tpu.region"() ({
      %run_scoped3A = tpu.sem_alloc : memref<!tpu.dma_semaphore, #tpu.memory_space<semaphore_mem>>
      %dma_start3A = arith.constant 0 : i32
      %dma_start3A_28 = arith.constant 0 : i32
      %dma_start3A_29 = tpu.memref_slice %arg10[%dma_start3A, %dma_start3A_28] : memref<112x144xf32, #tpu.memory_space<vmem>> -> memref<112x144xf32, #tpu.memory_space<vmem>>
      %dma_start3A_30 = arith.constant 0 : i32
      %dma_start3A_31 = tpu.memref_slice %arg8[%dma_start3A_30] : memref<10256xi32, #tpu.memory_space<vmem>> -> memref<112xi32, #tpu.memory_space<vmem>>
      %dma_start3A_32 = arith.constant 0 : i32
      %dma_start3A_33 = arith.constant 0 : i32
      %dma_start3A_34 = tpu.memref_slice %arg3[%dma_start3A_32, %dma_start3A_33] : memref<10000x144xf32, #tpu.memory_space<hbm>> -> memref<10000x144xf32, #tpu.memory_space<hbm>>
      tpu.enqueue_indirect_dma source(%dma_start3A_34 : memref<10000x144xf32, #tpu.memory_space<hbm>>) target(%dma_start3A_29 : memref<112x144xf32, #tpu.memory_space<vmem>>) offsets(%dma_start3A_31 : memref<112xi32, #tpu.memory_space<vmem>>) semaphore(%run_scoped3A : memref<!tpu.dma_semaphore, #tpu.memory_space<semaphore_mem>>)
      %dma_wait3A = arith.constant 0 : i32
      %dma_wait3A_35 = arith.constant 0 : i32
      %dma_wait3A_36 = tpu.memref_slice %arg10[%dma_wait3A, %dma_wait3A_35] : memref<112x144xf32, #tpu.memory_space<vmem>> -> memref<112x144xf32, #tpu.memory_space<vmem>>
      %dma_wait3A_37 = arith.constant 0 : i32
      %dma_wait3A_38 = tpu.memref_slice %arg8[%dma_wait3A_37] : memref<10256xi32, #tpu.memory_space<vmem>> -> memref<112xi32, #tpu.memory_space<vmem>>
      %dma_wait3A_39 = arith.constant 0 : i32
      %dma_wait3A_40 = arith.constant 0 : i32
      %dma_wait3A_41 = tpu.memref_slice %arg3[%dma_wait3A_39, %dma_wait3A_40] : memref<10000x144xf32, #tpu.memory_space<hbm>> -> memref<10000x144xf32, #tpu.memory_space<hbm>>
      tpu.wait_indirect_dma semaphore(%run_scoped3A : memref<!tpu.dma_semaphore, #tpu.memory_space<semaphore_mem>>) src(%dma_wait3A_41 : memref<10000x144xf32, #tpu.memory_space<hbm>>) dst(%dma_wait3A_36 : memref<112x144xf32, #tpu.memory_space<vmem>>)
      tpu.yield
    }) : () -> ()
    %parallel_loop3A_17 = arith.constant 0 : i32
    %parallel_loop3A_18 = arith.constant 1 : i32
    scf.for %parallel_loop3A_28 = %parallel_loop3A_17 to %scan3A_15 step %parallel_loop3A_18  : i32 {
      %parallel_loop3A_29 = arith.constant 0 : i32
      %parallel_loop3A_30 = arith.addi %parallel_loop3A_29, %parallel_loop3A_28 : i32
      %parallel_loop3A_31 = vector.broadcast %parallel_loop3A_30 : i32 to vector<16xi32>
      %parallel_loop3A_32 = tpu.vector_load_idx %arg9[%parallel_loop3A_31] : memref<10256xi32, #tpu.memory_space<vmem>>[vector<16xi32>], vector<16xi32>,
      %parallel_loop3A_33 = tpu.vector_load_idx %arg12[%parallel_loop3A_32, %iota3A] : memref<313x16xf32, #tpu.memory_space<vmem>>[vector<16xi32>, vector<16xi32>], vector<16xf32>,
      %parallel_loop3A_34 = arith.index_cast %parallel_loop3A_28 : i32 to index
      %parallel_loop3A_35 = arith.constant 128 : index
      %parallel_loop3A_36 = tpu.vector_load %arg10[%parallel_loop3A_34, %parallel_loop3A_35] {strides = array<i32>} : memref<112x144xf32, #tpu.memory_space<vmem>>, vector<16xf32>,
      %parallel_loop3A_37 = arith.addf %parallel_loop3A_36, %parallel_loop3A_33 : vector<16xf32>
      %parallel_loop3A_38 = arith.constant 0.000000e+00 : f32
      %parallel_loop3A_39 = vector.broadcast %parallel_loop3A_38 : f32 to vector<16xf32>
      %parallel_loop3A_40 = arith.maximumf %parallel_loop3A_37, %parallel_loop3A_39 : vector<16xf32>
      %parallel_loop3A_41 = arith.constant 0.000000e+00 : f32
      %parallel_loop3A_42 = vector.broadcast %parallel_loop3A_41 : f32 to vector<16xf32>
      %parallel_loop3A_43 = arith.minimumf %parallel_loop3A_37, %parallel_loop3A_42 : vector<16xf32>
      %parallel_loop3A_44 = arith.constant 0.00999999977 : f32
      %parallel_loop3A_45 = vector.broadcast %parallel_loop3A_44 : f32 to vector<16xf32>
      %parallel_loop3A_46 = arith.mulf %parallel_loop3A_43, %parallel_loop3A_45 : vector<16xf32>
      %parallel_loop3A_47 = arith.addf %parallel_loop3A_40, %parallel_loop3A_46 : vector<16xf32>
      %parallel_loop3A_48 = math.exp %parallel_loop3A_47 : vector<16xf32>
      %parallel_loop3A_49 = arith.index_cast %parallel_loop3A_28 : i32 to index
      %parallel_loop3A_50 = arith.constant 128 : index
      %parallel_loop3A_51 = tpu.vector_load %arg10[%parallel_loop3A_49, %parallel_loop3A_50] {strides = array<i32>} : memref<112x144xf32, #tpu.memory_space<vmem>>, vector<16xf32>,
      tpu.vector_store %arg10[%parallel_loop3A_49, %parallel_loop3A_50], %parallel_loop3A_48 {strides = array<i32>} : memref<112x144xf32, #tpu.memory_space<vmem>>, vector<16xf32>,
      %parallel_loop3A_52 = arith.constant 128 : i32
      %parallel_loop3A_53 = vector.broadcast %parallel_loop3A_52 : i32 to vector<16xi32>
      %parallel_loop3A_54 = arith.constant 0 : i32
      %parallel_loop3A_55 = tpu.memref_slice %arg10[%parallel_loop3A_28, %parallel_loop3A_54] : memref<112x144xf32, #tpu.memory_space<vmem>> -> memref<1x144xf32, #tpu.memory_space<vmem>>
      %parallel_loop3A_56 = tpu.memref_squeeze %parallel_loop3A_55 : memref<1x144xf32, #tpu.memory_space<vmem>> -> memref<144xf32, #tpu.memory_space<vmem>>
      %parallel_loop3A_57 = tpu.vector_load_idx %parallel_loop3A_56[%parallel_loop3A_53] : memref<144xf32, #tpu.memory_space<vmem>>[vector<16xi32>], vector<16xf32>,
      %parallel_loop3A_58 = arith.constant 0 : i32
      %parallel_loop3A_59 = vector.broadcast %parallel_loop3A_58 : i32 to vector<16xi32>
      %parallel_loop3A_60 = arith.addi %iota3A, %parallel_loop3A_59 : vector<16xi32>
      %parallel_loop3A_61 = arith.index_cast %parallel_loop3A_28 : i32 to index
      %parallel_loop3A_62 = arith.constant 0 : index
      %parallel_loop3A_63 = tpu.vector_load %arg10[%parallel_loop3A_61, %parallel_loop3A_62] {strides = array<i32>} : memref<112x144xf32, #tpu.memory_space<vmem>>, vector<16xf32>,
      %parallel_loop3A_64 = arith.mulf %parallel_loop3A_63, %parallel_loop3A_57 : vector<16xf32>
      tpu.vector_store_idx %arg11[%parallel_loop3A_32, %parallel_loop3A_60], %parallel_loop3A_64 {add = true} : memref<313x144xf32, #tpu.memory_space<vmem>>[vector<16xi32>, vector<16xi32>], vector<16xf32>,
      %parallel_loop3A_65 = arith.constant 129 : i32
      %parallel_loop3A_66 = vector.broadcast %parallel_loop3A_65 : i32 to vector<16xi32>
      %parallel_loop3A_67 = arith.constant 0 : i32
      %parallel_loop3A_68 = tpu.memref_slice %arg10[%parallel_loop3A_28, %parallel_loop3A_67] : memref<112x144xf32, #tpu.memory_space<vmem>> -> memref<1x144xf32, #tpu.memory_space<vmem>>
      %parallel_loop3A_69 = tpu.memref_squeeze %parallel_loop3A_68 : memref<1x144xf32, #tpu.memory_space<vmem>> -> memref<144xf32, #tpu.memory_space<vmem>>
      %parallel_loop3A_70 = tpu.vector_load_idx %parallel_loop3A_69[%parallel_loop3A_66] : memref<144xf32, #tpu.memory_space<vmem>>[vector<16xi32>], vector<16xf32>,
      %parallel_loop3A_71 = arith.constant 16 : i32
      %parallel_loop3A_72 = vector.broadcast %parallel_loop3A_71 : i32 to vector<16xi32>
      %parallel_loop3A_73 = arith.addi %iota3A, %parallel_loop3A_72 : vector<16xi32>
      %parallel_loop3A_74 = arith.index_cast %parallel_loop3A_28 : i32 to index
      %parallel_loop3A_75 = arith.constant 16 : index
      %parallel_loop3A_76 = tpu.vector_load %arg10[%parallel_loop3A_74, %parallel_loop3A_75] {strides = array<i32>} : memref<112x144xf32, #tpu.memory_space<vmem>>, vector<16xf32>,
      %parallel_loop3A_77 = arith.mulf %parallel_loop3A_76, %parallel_loop3A_70 : vector<16xf32>
      tpu.vector_store_idx %arg11[%parallel_loop3A_32, %parallel_loop3A_73], %parallel_loop3A_77 {add = true} : memref<313x144xf32, #tpu.memory_space<vmem>>[vector<16xi32>, vector<16xi32>], vector<16xf32>,
      %parallel_loop3A_78 = arith.constant 130 : i32
      %parallel_loop3A_79 = vector.broadcast %parallel_loop3A_78 : i32 to vector<16xi32>
      %parallel_loop3A_80 = arith.constant 0 : i32
      %parallel_loop3A_81 = tpu.memref_slice %arg10[%parallel_loop3A_28, %parallel_loop3A_80] : memref<112x144xf32, #tpu.memory_space<vmem>> -> memref<1x144xf32, #tpu.memory_space<vmem>>
      %parallel_loop3A_82 = tpu.memref_squeeze %parallel_loop3A_81 : memref<1x144xf32, #tpu.memory_space<vmem>> -> memref<144xf32, #tpu.memory_space<vmem>>
      %parallel_loop3A_83 = tpu.vector_load_idx %parallel_loop3A_82[%parallel_loop3A_79] : memref<144xf32, #tpu.memory_space<vmem>>[vector<16xi32>], vector<16xf32>,
      %parallel_loop3A_84 = arith.constant 32 : i32
      %parallel_loop3A_85 = vector.broadcast %parallel_loop3A_84 : i32 to vector<16xi32>
      %parallel_loop3A_86 = arith.addi %iota3A, %parallel_loop3A_85 : vector<16xi32>
      %parallel_loop3A_87 = arith.index_cast %parallel_loop3A_28 : i32 to index
      %parallel_loop3A_88 = arith.constant 32 : index
      %parallel_loop3A_89 = tpu.vector_load %arg10[%parallel_loop3A_87, %parallel_loop3A_88] {strides = array<i32>} : memref<112x144xf32, #tpu.memory_space<vmem>>, vector<16xf32>,
      %parallel_loop3A_90 = arith.mulf %parallel_loop3A_89, %parallel_loop3A_83 : vector<16xf32>
      tpu.vector_store_idx %arg11[%parallel_loop3A_32, %parallel_loop3A_86], %parallel_loop3A_90 {add = true} : memref<313x144xf32, #tpu.memory_space<vmem>>[vector<16xi32>, vector<16xi32>], vector<16xf32>,
      %parallel_loop3A_91 = arith.constant 131 : i32
      %parallel_loop3A_92 = vector.broadcast %parallel_loop3A_91 : i32 to vector<16xi32>
      %parallel_loop3A_93 = arith.constant 0 : i32
      %parallel_loop3A_94 = tpu.memref_slice %arg10[%parallel_loop3A_28, %parallel_loop3A_93] : memref<112x144xf32, #tpu.memory_space<vmem>> -> memref<1x144xf32, #tpu.memory_space<vmem>>
      %parallel_loop3A_95 = tpu.memref_squeeze %parallel_loop3A_94 : memref<1x144xf32, #tpu.memory_space<vmem>> -> memref<144xf32, #tpu.memory_space<vmem>>
      %parallel_loop3A_96 = tpu.vector_load_idx %parallel_loop3A_95[%parallel_loop3A_92] : memref<144xf32, #tpu.memory_space<vmem>>[vector<16xi32>], vector<16xf32>,
      %parallel_loop3A_97 = arith.constant 48 : i32
      %parallel_loop3A_98 = vector.broadcast %parallel_loop3A_97 : i32 to vector<16xi32>
      %parallel_loop3A_99 = arith.addi %iota3A, %parallel_loop3A_98 : vector<16xi32>
      %parallel_loop3A_100 = arith.index_cast %parallel_loop3A_28 : i32 to index
      %parallel_loop3A_101 = arith.constant 48 : index
      %parallel_loop3A_102 = tpu.vector_load %arg10[%parallel_loop3A_100, %parallel_loop3A_101] {strides = array<i32>} : memref<112x144xf32, #tpu.memory_space<vmem>>, vector<16xf32>,
      %parallel_loop3A_103 = arith.mulf %parallel_loop3A_102, %parallel_loop3A_96 : vector<16xf32>
      tpu.vector_store_idx %arg11[%parallel_loop3A_32, %parallel_loop3A_99], %parallel_loop3A_103 {add = true} : memref<313x144xf32, #tpu.memory_space<vmem>>[vector<16xi32>, vector<16xi32>], vector<16xf32>,
      %parallel_loop3A_104 = arith.constant 132 : i32
      %parallel_loop3A_105 = vector.broadcast %parallel_loop3A_104 : i32 to vector<16xi32>
      %parallel_loop3A_106 = arith.constant 0 : i32
      %parallel_loop3A_107 = tpu.memref_slice %arg10[%parallel_loop3A_28, %parallel_loop3A_106] : memref<112x144xf32, #tpu.memory_space<vmem>> -> memref<1x144xf32, #tpu.memory_space<vmem>>
      %parallel_loop3A_108 = tpu.memref_squeeze %parallel_loop3A_107 : memref<1x144xf32, #tpu.memory_space<vmem>> -> memref<144xf32, #tpu.memory_space<vmem>>
      %parallel_loop3A_109 = tpu.vector_load_idx %parallel_loop3A_108[%parallel_loop3A_105] : memref<144xf32, #tpu.memory_space<vmem>>[vector<16xi32>], vector<16xf32>,
      %parallel_loop3A_110 = arith.constant 64 : i32
      %parallel_loop3A_111 = vector.broadcast %parallel_loop3A_110 : i32 to vector<16xi32>
      %parallel_loop3A_112 = arith.addi %iota3A, %parallel_loop3A_111 : vector<16xi32>
      %parallel_loop3A_113 = arith.index_cast %parallel_loop3A_28 : i32 to index
      %parallel_loop3A_114 = arith.constant 64 : index
      %parallel_loop3A_115 = tpu.vector_load %arg10[%parallel_loop3A_113, %parallel_loop3A_114] {strides = array<i32>} : memref<112x144xf32, #tpu.memory_space<vmem>>, vector<16xf32>,
      %parallel_loop3A_116 = arith.mulf %parallel_loop3A_115, %parallel_loop3A_109 : vector<16xf32>
      tpu.vector_store_idx %arg11[%parallel_loop3A_32, %parallel_loop3A_112], %parallel_loop3A_116 {add = true} : memref<313x144xf32, #tpu.memory_space<vmem>>[vector<16xi32>, vector<16xi32>], vector<16xf32>,
      %parallel_loop3A_117 = arith.constant 133 : i32
      %parallel_loop3A_118 = vector.broadcast %parallel_loop3A_117 : i32 to vector<16xi32>
      %parallel_loop3A_119 = arith.constant 0 : i32
      %parallel_loop3A_120 = tpu.memref_slice %arg10[%parallel_loop3A_28, %parallel_loop3A_119] : memref<112x144xf32, #tpu.memory_space<vmem>> -> memref<1x144xf32, #tpu.memory_space<vmem>>
      %parallel_loop3A_121 = tpu.memref_squeeze %parallel_loop3A_120 : memref<1x144xf32, #tpu.memory_space<vmem>> -> memref<144xf32, #tpu.memory_space<vmem>>
      %parallel_loop3A_122 = tpu.vector_load_idx %parallel_loop3A_121[%parallel_loop3A_118] : memref<144xf32, #tpu.memory_space<vmem>>[vector<16xi32>], vector<16xf32>,
      %parallel_loop3A_123 = arith.constant 80 : i32
      %parallel_loop3A_124 = vector.broadcast %parallel_loop3A_123 : i32 to vector<16xi32>
      %parallel_loop3A_125 = arith.addi %iota3A, %parallel_loop3A_124 : vector<16xi32>
      %parallel_loop3A_126 = arith.index_cast %parallel_loop3A_28 : i32 to index
      %parallel_loop3A_127 = arith.constant 80 : index
      %parallel_loop3A_128 = tpu.vector_load %arg10[%parallel_loop3A_126, %parallel_loop3A_127] {strides = array<i32>} : memref<112x144xf32, #tpu.memory_space<vmem>>, vector<16xf32>,
      %parallel_loop3A_129 = arith.mulf %parallel_loop3A_128, %parallel_loop3A_122 : vector<16xf32>
      tpu.vector_store_idx %arg11[%parallel_loop3A_32, %parallel_loop3A_125], %parallel_loop3A_129 {add = true} : memref<313x144xf32, #tpu.memory_space<vmem>>[vector<16xi32>, vector<16xi32>], vector<16xf32>,
      %parallel_loop3A_130 = arith.constant 134 : i32
      %parallel_loop3A_131 = vector.broadcast %parallel_loop3A_130 : i32 to vector<16xi32>
      %parallel_loop3A_132 = arith.constant 0 : i32
      %parallel_loop3A_133 = tpu.memref_slice %arg10[%parallel_loop3A_28, %parallel_loop3A_132] : memref<112x144xf32, #tpu.memory_space<vmem>> -> memref<1x144xf32, #tpu.memory_space<vmem>>
      %parallel_loop3A_134 = tpu.memref_squeeze %parallel_loop3A_133 : memref<1x144xf32, #tpu.memory_space<vmem>> -> memref<144xf32, #tpu.memory_space<vmem>>
      %parallel_loop3A_135 = tpu.vector_load_idx %parallel_loop3A_134[%parallel_loop3A_131] : memref<144xf32, #tpu.memory_space<vmem>>[vector<16xi32>], vector<16xf32>,
      %parallel_loop3A_136 = arith.constant 96 : i32
      %parallel_loop3A_137 = vector.broadcast %parallel_loop3A_136 : i32 to vector<16xi32>
      %parallel_loop3A_138 = arith.addi %iota3A, %parallel_loop3A_137 : vector<16xi32>
      %parallel_loop3A_139 = arith.index_cast %parallel_loop3A_28 : i32 to index
      %parallel_loop3A_140 = arith.constant 96 : index
      %parallel_loop3A_141 = tpu.vector_load %arg10[%parallel_loop3A_139, %parallel_loop3A_140] {strides = array<i32>} : memref<112x144xf32, #tpu.memory_space<vmem>>, vector<16xf32>,
      %parallel_loop3A_142 = arith.mulf %parallel_loop3A_141, %parallel_loop3A_135 : vector<16xf32>
      tpu.vector_store_idx %arg11[%parallel_loop3A_32, %parallel_loop3A_138], %parallel_loop3A_142 {add = true} : memref<313x144xf32, #tpu.memory_space<vmem>>[vector<16xi32>, vector<16xi32>], vector<16xf32>,
      %parallel_loop3A_143 = arith.constant 135 : i32
      %parallel_loop3A_144 = vector.broadcast %parallel_loop3A_143 : i32 to vector<16xi32>
      %parallel_loop3A_145 = arith.constant 0 : i32
      %parallel_loop3A_146 = tpu.memref_slice %arg10[%parallel_loop3A_28, %parallel_loop3A_145] : memref<112x144xf32, #tpu.memory_space<vmem>> -> memref<1x144xf32, #tpu.memory_space<vmem>>
      %parallel_loop3A_147 = tpu.memref_squeeze %parallel_loop3A_146 : memref<1x144xf32, #tpu.memory_space<vmem>> -> memref<144xf32, #tpu.memory_space<vmem>>
      %parallel_loop3A_148 = tpu.vector_load_idx %parallel_loop3A_147[%parallel_loop3A_144] : memref<144xf32, #tpu.memory_space<vmem>>[vector<16xi32>], vector<16xf32>,
      %parallel_loop3A_149 = arith.constant 112 : i32
      %parallel_loop3A_150 = vector.broadcast %parallel_loop3A_149 : i32 to vector<16xi32>
      %parallel_loop3A_151 = arith.addi %iota3A, %parallel_loop3A_150 : vector<16xi32>
      %parallel_loop3A_152 = arith.index_cast %parallel_loop3A_28 : i32 to index
      %parallel_loop3A_153 = arith.constant 112 : index
      %parallel_loop3A_154 = tpu.vector_load %arg10[%parallel_loop3A_152, %parallel_loop3A_153] {strides = array<i32>} : memref<112x144xf32, #tpu.memory_space<vmem>>, vector<16xf32>,
      %parallel_loop3A_155 = arith.mulf %parallel_loop3A_154, %parallel_loop3A_148 : vector<16xf32>
      tpu.vector_store_idx %arg11[%parallel_loop3A_32, %parallel_loop3A_151], %parallel_loop3A_155 {add = true} : memref<313x144xf32, #tpu.memory_space<vmem>>[vector<16xi32>, vector<16xi32>], vector<16xf32>,
      %parallel_loop3A_156 = arith.constant 128 : i32
      %parallel_loop3A_157 = vector.broadcast %parallel_loop3A_156 : i32 to vector<16xi32>
      %parallel_loop3A_158 = arith.addi %iota3A, %parallel_loop3A_157 : vector<16xi32>
      tpu.vector_store_idx %arg11[%parallel_loop3A_32, %parallel_loop3A_158], %parallel_loop3A_48 {add = true} : memref<313x144xf32, #tpu.memory_space<vmem>>[vector<16xi32>, vector<16xi32>], vector<16xf32>,
    } {sc.loop_unroll_factor = 2 : i64, sc.parallel_access}
    %parallel_loop3A_19 = arith.constant 0 : i32
    %parallel_loop3A_20 = arith.constant 313 : i32
    %parallel_loop3A_21 = arith.constant 1 : i32
    scf.for %parallel_loop3A_28 = %parallel_loop3A_19 to %parallel_loop3A_20 step %parallel_loop3A_21  : i32 {
      %parallel_loop3A_29 = arith.constant 128 : i32
      %parallel_loop3A_30 = vector.broadcast %parallel_loop3A_29 : i32 to vector<16xi32>
      %parallel_loop3A_31 = arith.constant 0 : i32
      %parallel_loop3A_32 = tpu.memref_slice %arg11[%parallel_loop3A_28, %parallel_loop3A_31] : memref<313x144xf32, #tpu.memory_space<vmem>> -> memref<1x144xf32, #tpu.memory_space<vmem>>
      %parallel_loop3A_33 = tpu.memref_squeeze %parallel_loop3A_32 : memref<1x144xf32, #tpu.memory_space<vmem>> -> memref<144xf32, #tpu.memory_space<vmem>>
      %parallel_loop3A_34 = tpu.vector_load_idx %parallel_loop3A_33[%parallel_loop3A_30] : memref<144xf32, #tpu.memory_space<vmem>>[vector<16xi32>], vector<16xf32>,
      %parallel_loop3A_35 = arith.constant 0.000000e+00 : f32
      %parallel_loop3A_36 = vector.broadcast %parallel_loop3A_35 : f32 to vector<16xf32>
      %parallel_loop3A_37 = arith.cmpf oeq, %parallel_loop3A_34, %parallel_loop3A_36 : vector<16xf32>
      %parallel_loop3A_38 = arith.constant 1.000000e+00 : f32
      %parallel_loop3A_39 = vector.broadcast %parallel_loop3A_38 : f32 to vector<16xf32>
      %parallel_loop3A_40 = arith.select %parallel_loop3A_37, %parallel_loop3A_39, %parallel_loop3A_34 : vector<16xi1>, vector<16xf32>
      %parallel_loop3A_41 = arith.index_cast %parallel_loop3A_28 : i32 to index
      %parallel_loop3A_42 = arith.constant 0 : index
      %parallel_loop3A_43 = tpu.vector_load %arg11[%parallel_loop3A_41, %parallel_loop3A_42] {strides = array<i32>} : memref<313x144xf32, #tpu.memory_space<vmem>>, vector<16xf32>,
      %parallel_loop3A_44 = arith.divf %parallel_loop3A_43, %parallel_loop3A_40 : vector<16xf32>
      %parallel_loop3A_45 = arith.index_cast %parallel_loop3A_28 : i32 to index
      %parallel_loop3A_46 = arith.constant 0 : index
      %parallel_loop3A_47 = tpu.vector_load %arg11[%parallel_loop3A_45, %parallel_loop3A_46] {strides = array<i32>} : memref<313x144xf32, #tpu.memory_space<vmem>>, vector<16xf32>,
      tpu.vector_store %arg11[%parallel_loop3A_45, %parallel_loop3A_46], %parallel_loop3A_44 {strides = array<i32>} : memref<313x144xf32, #tpu.memory_space<vmem>>, vector<16xf32>,
      %parallel_loop3A_48 = arith.constant 129 : i32
      %parallel_loop3A_49 = vector.broadcast %parallel_loop3A_48 : i32 to vector<16xi32>
      %parallel_loop3A_50 = arith.constant 0 : i32
      %parallel_loop3A_51 = tpu.memref_slice %arg11[%parallel_loop3A_28, %parallel_loop3A_50] : memref<313x144xf32, #tpu.memory_space<vmem>> -> memref<1x144xf32, #tpu.memory_space<vmem>>
      %parallel_loop3A_52 = tpu.memref_squeeze %parallel_loop3A_51 : memref<1x144xf32, #tpu.memory_space<vmem>> -> memref<144xf32, #tpu.memory_space<vmem>>
      %parallel_loop3A_53 = tpu.vector_load_idx %parallel_loop3A_52[%parallel_loop3A_49] : memref<144xf32, #tpu.memory_space<vmem>>[vector<16xi32>], vector<16xf32>,
      %parallel_loop3A_54 = arith.constant 0.000000e+00 : f32
      %parallel_loop3A_55 = vector.broadcast %parallel_loop3A_54 : f32 to vector<16xf32>
      %parallel_loop3A_56 = arith.cmpf oeq, %parallel_loop3A_53, %parallel_loop3A_55 : vector<16xf32>
      %parallel_loop3A_57 = arith.constant 1.000000e+00 : f32
      %parallel_loop3A_58 = vector.broadcast %parallel_loop3A_57 : f32 to vector<16xf32>
      %parallel_loop3A_59 = arith.select %parallel_loop3A_56, %parallel_loop3A_58, %parallel_loop3A_53 : vector<16xi1>, vector<16xf32>
      %parallel_loop3A_60 = arith.index_cast %parallel_loop3A_28 : i32 to index
      %parallel_loop3A_61 = arith.constant 16 : index
      %parallel_loop3A_62 = tpu.vector_load %arg11[%parallel_loop3A_60, %parallel_loop3A_61] {strides = array<i32>} : memref<313x144xf32, #tpu.memory_space<vmem>>, vector<16xf32>,
      %parallel_loop3A_63 = arith.divf %parallel_loop3A_62, %parallel_loop3A_59 : vector<16xf32>
      %parallel_loop3A_64 = arith.index_cast %parallel_loop3A_28 : i32 to index
      %parallel_loop3A_65 = arith.constant 16 : index
      %parallel_loop3A_66 = tpu.vector_load %arg11[%parallel_loop3A_64, %parallel_loop3A_65] {strides = array<i32>} : memref<313x144xf32, #tpu.memory_space<vmem>>, vector<16xf32>,
      tpu.vector_store %arg11[%parallel_loop3A_64, %parallel_loop3A_65], %parallel_loop3A_63 {strides = array<i32>} : memref<313x144xf32, #tpu.memory_space<vmem>>, vector<16xf32>,
      %parallel_loop3A_67 = arith.constant 130 : i32
      %parallel_loop3A_68 = vector.broadcast %parallel_loop3A_67 : i32 to vector<16xi32>
      %parallel_loop3A_69 = arith.constant 0 : i32
      %parallel_loop3A_70 = tpu.memref_slice %arg11[%parallel_loop3A_28, %parallel_loop3A_69] : memref<313x144xf32, #tpu.memory_space<vmem>> -> memref<1x144xf32, #tpu.memory_space<vmem>>
      %parallel_loop3A_71 = tpu.memref_squeeze %parallel_loop3A_70 : memref<1x144xf32, #tpu.memory_space<vmem>> -> memref<144xf32, #tpu.memory_space<vmem>>
      %parallel_loop3A_72 = tpu.vector_load_idx %parallel_loop3A_71[%parallel_loop3A_68] : memref<144xf32, #tpu.memory_space<vmem>>[vector<16xi32>], vector<16xf32>,
      %parallel_loop3A_73 = arith.constant 0.000000e+00 : f32
      %parallel_loop3A_74 = vector.broadcast %parallel_loop3A_73 : f32 to vector<16xf32>
      %parallel_loop3A_75 = arith.cmpf oeq, %parallel_loop3A_72, %parallel_loop3A_74 : vector<16xf32>
      %parallel_loop3A_76 = arith.constant 1.000000e+00 : f32
      %parallel_loop3A_77 = vector.broadcast %parallel_loop3A_76 : f32 to vector<16xf32>
      %parallel_loop3A_78 = arith.select %parallel_loop3A_75, %parallel_loop3A_77, %parallel_loop3A_72 : vector<16xi1>, vector<16xf32>
      %parallel_loop3A_79 = arith.index_cast %parallel_loop3A_28 : i32 to index
      %parallel_loop3A_80 = arith.constant 32 : index
      %parallel_loop3A_81 = tpu.vector_load %arg11[%parallel_loop3A_79, %parallel_loop3A_80] {strides = array<i32>} : memref<313x144xf32, #tpu.memory_space<vmem>>, vector<16xf32>,
      %parallel_loop3A_82 = arith.divf %parallel_loop3A_81, %parallel_loop3A_78 : vector<16xf32>
      %parallel_loop3A_83 = arith.index_cast %parallel_loop3A_28 : i32 to index
      %parallel_loop3A_84 = arith.constant 32 : index
      %parallel_loop3A_85 = tpu.vector_load %arg11[%parallel_loop3A_83, %parallel_loop3A_84] {strides = array<i32>} : memref<313x144xf32, #tpu.memory_space<vmem>>, vector<16xf32>,
      tpu.vector_store %arg11[%parallel_loop3A_83, %parallel_loop3A_84], %parallel_loop3A_82 {strides = array<i32>} : memref<313x144xf32, #tpu.memory_space<vmem>>, vector<16xf32>,
      %parallel_loop3A_86 = arith.constant 131 : i32
      %parallel_loop3A_87 = vector.broadcast %parallel_loop3A_86 : i32 to vector<16xi32>
      %parallel_loop3A_88 = arith.constant 0 : i32
      %parallel_loop3A_89 = tpu.memref_slice %arg11[%parallel_loop3A_28, %parallel_loop3A_88] : memref<313x144xf32, #tpu.memory_space<vmem>> -> memref<1x144xf32, #tpu.memory_space<vmem>>
      %parallel_loop3A_90 = tpu.memref_squeeze %parallel_loop3A_89 : memref<1x144xf32, #tpu.memory_space<vmem>> -> memref<144xf32, #tpu.memory_space<vmem>>
      %parallel_loop3A_91 = tpu.vector_load_idx %parallel_loop3A_90[%parallel_loop3A_87] : memref<144xf32, #tpu.memory_space<vmem>>[vector<16xi32>], vector<16xf32>,
      %parallel_loop3A_92 = arith.constant 0.000000e+00 : f32
      %parallel_loop3A_93 = vector.broadcast %parallel_loop3A_92 : f32 to vector<16xf32>
      %parallel_loop3A_94 = arith.cmpf oeq, %parallel_loop3A_91, %parallel_loop3A_93 : vector<16xf32>
      %parallel_loop3A_95 = arith.constant 1.000000e+00 : f32
      %parallel_loop3A_96 = vector.broadcast %parallel_loop3A_95 : f32 to vector<16xf32>
      %parallel_loop3A_97 = arith.select %parallel_loop3A_94, %parallel_loop3A_96, %parallel_loop3A_91 : vector<16xi1>, vector<16xf32>
      %parallel_loop3A_98 = arith.index_cast %parallel_loop3A_28 : i32 to index
      %parallel_loop3A_99 = arith.constant 48 : index
      %parallel_loop3A_100 = tpu.vector_load %arg11[%parallel_loop3A_98, %parallel_loop3A_99] {strides = array<i32>} : memref<313x144xf32, #tpu.memory_space<vmem>>, vector<16xf32>,
      %parallel_loop3A_101 = arith.divf %parallel_loop3A_100, %parallel_loop3A_97 : vector<16xf32>
      %parallel_loop3A_102 = arith.index_cast %parallel_loop3A_28 : i32 to index
      %parallel_loop3A_103 = arith.constant 48 : index
      %parallel_loop3A_104 = tpu.vector_load %arg11[%parallel_loop3A_102, %parallel_loop3A_103] {strides = array<i32>} : memref<313x144xf32, #tpu.memory_space<vmem>>, vector<16xf32>,
      tpu.vector_store %arg11[%parallel_loop3A_102, %parallel_loop3A_103], %parallel_loop3A_101 {strides = array<i32>} : memref<313x144xf32, #tpu.memory_space<vmem>>, vector<16xf32>,
      %parallel_loop3A_105 = arith.constant 132 : i32
      %parallel_loop3A_106 = vector.broadcast %parallel_loop3A_105 : i32 to vector<16xi32>
      %parallel_loop3A_107 = arith.constant 0 : i32
      %parallel_loop3A_108 = tpu.memref_slice %arg11[%parallel_loop3A_28, %parallel_loop3A_107] : memref<313x144xf32, #tpu.memory_space<vmem>> -> memref<1x144xf32, #tpu.memory_space<vmem>>
      %parallel_loop3A_109 = tpu.memref_squeeze %parallel_loop3A_108 : memref<1x144xf32, #tpu.memory_space<vmem>> -> memref<144xf32, #tpu.memory_space<vmem>>
      %parallel_loop3A_110 = tpu.vector_load_idx %parallel_loop3A_109[%parallel_loop3A_106] : memref<144xf32, #tpu.memory_space<vmem>>[vector<16xi32>], vector<16xf32>,
      %parallel_loop3A_111 = arith.constant 0.000000e+00 : f32
      %parallel_loop3A_112 = vector.broadcast %parallel_loop3A_111 : f32 to vector<16xf32>
      %parallel_loop3A_113 = arith.cmpf oeq, %parallel_loop3A_110, %parallel_loop3A_112 : vector<16xf32>
      %parallel_loop3A_114 = arith.constant 1.000000e+00 : f32
      %parallel_loop3A_115 = vector.broadcast %parallel_loop3A_114 : f32 to vector<16xf32>
      %parallel_loop3A_116 = arith.select %parallel_loop3A_113, %parallel_loop3A_115, %parallel_loop3A_110 : vector<16xi1>, vector<16xf32>
      %parallel_loop3A_117 = arith.index_cast %parallel_loop3A_28 : i32 to index
      %parallel_loop3A_118 = arith.constant 64 : index
      %parallel_loop3A_119 = tpu.vector_load %arg11[%parallel_loop3A_117, %parallel_loop3A_118] {strides = array<i32>} : memref<313x144xf32, #tpu.memory_space<vmem>>, vector<16xf32>,
      %parallel_loop3A_120 = arith.divf %parallel_loop3A_119, %parallel_loop3A_116 : vector<16xf32>
      %parallel_loop3A_121 = arith.index_cast %parallel_loop3A_28 : i32 to index
      %parallel_loop3A_122 = arith.constant 64 : index
      %parallel_loop3A_123 = tpu.vector_load %arg11[%parallel_loop3A_121, %parallel_loop3A_122] {strides = array<i32>} : memref<313x144xf32, #tpu.memory_space<vmem>>, vector<16xf32>,
      tpu.vector_store %arg11[%parallel_loop3A_121, %parallel_loop3A_122], %parallel_loop3A_120 {strides = array<i32>} : memref<313x144xf32, #tpu.memory_space<vmem>>, vector<16xf32>,
      %parallel_loop3A_124 = arith.constant 133 : i32
      %parallel_loop3A_125 = vector.broadcast %parallel_loop3A_124 : i32 to vector<16xi32>
      %parallel_loop3A_126 = arith.constant 0 : i32
      %parallel_loop3A_127 = tpu.memref_slice %arg11[%parallel_loop3A_28, %parallel_loop3A_126] : memref<313x144xf32, #tpu.memory_space<vmem>> -> memref<1x144xf32, #tpu.memory_space<vmem>>
      %parallel_loop3A_128 = tpu.memref_squeeze %parallel_loop3A_127 : memref<1x144xf32, #tpu.memory_space<vmem>> -> memref<144xf32, #tpu.memory_space<vmem>>
      %parallel_loop3A_129 = tpu.vector_load_idx %parallel_loop3A_128[%parallel_loop3A_125] : memref<144xf32, #tpu.memory_space<vmem>>[vector<16xi32>], vector<16xf32>,
      %parallel_loop3A_130 = arith.constant 0.000000e+00 : f32
      %parallel_loop3A_131 = vector.broadcast %parallel_loop3A_130 : f32 to vector<16xf32>
      %parallel_loop3A_132 = arith.cmpf oeq, %parallel_loop3A_129, %parallel_loop3A_131 : vector<16xf32>
      %parallel_loop3A_133 = arith.constant 1.000000e+00 : f32
      %parallel_loop3A_134 = vector.broadcast %parallel_loop3A_133 : f32 to vector<16xf32>
      %parallel_loop3A_135 = arith.select %parallel_loop3A_132, %parallel_loop3A_134, %parallel_loop3A_129 : vector<16xi1>, vector<16xf32>
      %parallel_loop3A_136 = arith.index_cast %parallel_loop3A_28 : i32 to index
      %parallel_loop3A_137 = arith.constant 80 : index
      %parallel_loop3A_138 = tpu.vector_load %arg11[%parallel_loop3A_136, %parallel_loop3A_137] {strides = array<i32>} : memref<313x144xf32, #tpu.memory_space<vmem>>, vector<16xf32>,
      %parallel_loop3A_139 = arith.divf %parallel_loop3A_138, %parallel_loop3A_135 : vector<16xf32>
      %parallel_loop3A_140 = arith.index_cast %parallel_loop3A_28 : i32 to index
      %parallel_loop3A_141 = arith.constant 80 : index
      %parallel_loop3A_142 = tpu.vector_load %arg11[%parallel_loop3A_140, %parallel_loop3A_141] {strides = array<i32>} : memref<313x144xf32, #tpu.memory_space<vmem>>, vector<16xf32>,
      tpu.vector_store %arg11[%parallel_loop3A_140, %parallel_loop3A_141], %parallel_loop3A_139 {strides = array<i32>} : memref<313x144xf32, #tpu.memory_space<vmem>>, vector<16xf32>,
      %parallel_loop3A_143 = arith.constant 134 : i32
      %parallel_loop3A_144 = vector.broadcast %parallel_loop3A_143 : i32 to vector<16xi32>
      %parallel_loop3A_145 = arith.constant 0 : i32
      %parallel_loop3A_146 = tpu.memref_slice %arg11[%parallel_loop3A_28, %parallel_loop3A_145] : memref<313x144xf32, #tpu.memory_space<vmem>> -> memref<1x144xf32, #tpu.memory_space<vmem>>
      %parallel_loop3A_147 = tpu.memref_squeeze %parallel_loop3A_146 : memref<1x144xf32, #tpu.memory_space<vmem>> -> memref<144xf32, #tpu.memory_space<vmem>>
      %parallel_loop3A_148 = tpu.vector_load_idx %parallel_loop3A_147[%parallel_loop3A_144] : memref<144xf32, #tpu.memory_space<vmem>>[vector<16xi32>], vector<16xf32>,
      %parallel_loop3A_149 = arith.constant 0.000000e+00 : f32
      %parallel_loop3A_150 = vector.broadcast %parallel_loop3A_149 : f32 to vector<16xf32>
      %parallel_loop3A_151 = arith.cmpf oeq, %parallel_loop3A_148, %parallel_loop3A_150 : vector<16xf32>
      %parallel_loop3A_152 = arith.constant 1.000000e+00 : f32
      %parallel_loop3A_153 = vector.broadcast %parallel_loop3A_152 : f32 to vector<16xf32>
      %parallel_loop3A_154 = arith.select %parallel_loop3A_151, %parallel_loop3A_153, %parallel_loop3A_148 : vector<16xi1>, vector<16xf32>
      %parallel_loop3A_155 = arith.index_cast %parallel_loop3A_28 : i32 to index
      %parallel_loop3A_156 = arith.constant 96 : index
      %parallel_loop3A_157 = tpu.vector_load %arg11[%parallel_loop3A_155, %parallel_loop3A_156] {strides = array<i32>} : memref<313x144xf32, #tpu.memory_space<vmem>>, vector<16xf32>,
      %parallel_loop3A_158 = arith.divf %parallel_loop3A_157, %parallel_loop3A_154 : vector<16xf32>
      %parallel_loop3A_159 = arith.index_cast %parallel_loop3A_28 : i32 to index
      %parallel_loop3A_160 = arith.constant 96 : index
      %parallel_loop3A_161 = tpu.vector_load %arg11[%parallel_loop3A_159, %parallel_loop3A_160] {strides = array<i32>} : memref<313x144xf32, #tpu.memory_space<vmem>>, vector<16xf32>,
      tpu.vector_store %arg11[%parallel_loop3A_159, %parallel_loop3A_160], %parallel_loop3A_158 {strides = array<i32>} : memref<313x144xf32, #tpu.memory_space<vmem>>, vector<16xf32>,
      %parallel_loop3A_162 = arith.constant 135 : i32
      %parallel_loop3A_163 = vector.broadcast %parallel_loop3A_162 : i32 to vector<16xi32>
      %parallel_loop3A_164 = arith.constant 0 : i32
      %parallel_loop3A_165 = tpu.memref_slice %arg11[%parallel_loop3A_28, %parallel_loop3A_164] : memref<313x144xf32, #tpu.memory_space<vmem>> -> memref<1x144xf32, #tpu.memory_space<vmem>>
      %parallel_loop3A_166 = tpu.memref_squeeze %parallel_loop3A_165 : memref<1x144xf32, #tpu.memory_space<vmem>> -> memref<144xf32, #tpu.memory_space<vmem>>
      %parallel_loop3A_167 = tpu.vector_load_idx %parallel_loop3A_166[%parallel_loop3A_163] : memref<144xf32, #tpu.memory_space<vmem>>[vector<16xi32>], vector<16xf32>,
      %parallel_loop3A_168 = arith.constant 0.000000e+00 : f32
      %parallel_loop3A_169 = vector.broadcast %parallel_loop3A_168 : f32 to vector<16xf32>
      %parallel_loop3A_170 = arith.cmpf oeq, %parallel_loop3A_167, %parallel_loop3A_169 : vector<16xf32>
      %parallel_loop3A_171 = arith.constant 1.000000e+00 : f32
      %parallel_loop3A_172 = vector.broadcast %parallel_loop3A_171 : f32 to vector<16xf32>
      %parallel_loop3A_173 = arith.select %parallel_loop3A_170, %parallel_loop3A_172, %parallel_loop3A_167 : vector<16xi1>, vector<16xf32>
      %parallel_loop3A_174 = arith.index_cast %parallel_loop3A_28 : i32 to index
      %parallel_loop3A_175 = arith.constant 112 : index
      %parallel_loop3A_176 = tpu.vector_load %arg11[%parallel_loop3A_174, %parallel_loop3A_175] {strides = array<i32>} : memref<313x144xf32, #tpu.memory_space<vmem>>, vector<16xf32>,
      %parallel_loop3A_177 = arith.divf %parallel_loop3A_176, %parallel_loop3A_173 : vector<16xf32>
      %parallel_loop3A_178 = arith.index_cast %parallel_loop3A_28 : i32 to index
      %parallel_loop3A_179 = arith.constant 112 : index
      %parallel_loop3A_180 = tpu.vector_load %arg11[%parallel_loop3A_178, %parallel_loop3A_179] {strides = array<i32>} : memref<313x144xf32, #tpu.memory_space<vmem>>, vector<16xf32>,
      tpu.vector_store %arg11[%parallel_loop3A_178, %parallel_loop3A_179], %parallel_loop3A_177 {strides = array<i32>} : memref<313x144xf32, #tpu.memory_space<vmem>>, vector<16xf32>,
    } {sc.loop_unroll_factor = 2 : i64, sc.parallel_access}
    %lt3A = arith.constant 31 : i32
    %lt3A_22 = arith.cmpi slt, %add3A, %lt3A : i32
    %convert_element_type3A = arith.extui %lt3A_22 : i1 to i32
    %cond3A = arith.constant 0 : i32
    %cond3A_23 = arith.cmpi ne, %convert_element_type3A, %cond3A : i32
    scf.if %cond3A_23 {
      "tpu.region"() ({
        %run_scoped3A = tpu.sem_alloc : memref<!tpu.dma_semaphore, #tpu.memory_space<semaphore_mem>>
        %dma_start3A = arith.constant 0 : i32
        %dma_start3A_28 = arith.constant 0 : i32
        %dma_start3A_29 = tpu.memref_slice %arg11[%dma_start3A, %dma_start3A_28] : memref<313x144xf32, #tpu.memory_space<vmem>> -> memref<313x128xf32, #tpu.memory_space<vmem>>
        %dma_start3A_30 = arith.constant 0 : i32
        %dma_start3A_31 = tpu.memref_slice %arg5[%mul3A_2, %dma_start3A_30] : memref<10000x128xf32, #tpu.memory_space<hbm>> -> memref<313x128xf32, #tpu.memory_space<hbm>>
        %dma_start3A_32 = arith.constant 0 : i32
        %dma_start3A_33 = tpu.memref_slice %arg5[%mul3A_2, %dma_start3A_32] : memref<10000x128xf32, #tpu.memory_space<hbm>> -> memref<313x128xf32, #tpu.memory_space<hbm>>
        %dma_start3A_34 = arith.constant 0 : i32
        %dma_start3A_35 = arith.constant 0 : i32
        %dma_start3A_36 = tpu.memref_slice %arg11[%dma_start3A_34, %dma_start3A_35] : memref<313x144xf32, #tpu.memory_space<vmem>> -> memref<313x128xf32, #tpu.memory_space<vmem>>
        tpu.enqueue_dma source(%dma_start3A_36 : memref<313x128xf32, #tpu.memory_space<vmem>>) target(%dma_start3A_33 : memref<313x128xf32, #tpu.memory_space<hbm>>) target_semaphore(%run_scoped3A : memref<!tpu.dma_semaphore, #tpu.memory_space<semaphore_mem>>)
        %dma_wait3A = arith.constant 0 : i32
        %dma_wait3A_37 = arith.constant 0 : i32
        %dma_wait3A_38 = tpu.memref_slice %arg11[%dma_wait3A, %dma_wait3A_37] : memref<313x144xf32, #tpu.memory_space<vmem>> -> memref<313x128xf32, #tpu.memory_space<vmem>>
        %dma_wait3A_39 = arith.constant 0 : i32
        %dma_wait3A_40 = tpu.memref_slice %arg5[%mul3A_2, %dma_wait3A_39] : memref<10000x128xf32, #tpu.memory_space<hbm>> -> memref<313x128xf32, #tpu.memory_space<hbm>>
        %dma_wait3A_41 = arith.constant 0 : i32
        %dma_wait3A_42 = tpu.memref_slice %arg5[%mul3A_2, %dma_wait3A_41] : memref<10000x128xf32, #tpu.memory_space<hbm>> -> memref<313x128xf32, #tpu.memory_space<hbm>>
        %dma_wait3A_43 = arith.constant 0 : i32
        %dma_wait3A_44 = arith.constant 0 : i32
        %dma_wait3A_45 = tpu.memref_slice %arg11[%dma_wait3A_43, %dma_wait3A_44] : memref<313x144xf32, #tpu.memory_space<vmem>> -> memref<313x128xf32, #tpu.memory_space<vmem>>
        tpu.wait_dma2 semaphore(%run_scoped3A : memref<!tpu.dma_semaphore, #tpu.memory_space<semaphore_mem>>) src(%dma_wait3A_45 : memref<313x128xf32, #tpu.memory_space<vmem>>) dst(%dma_wait3A_42 : memref<313x128xf32, #tpu.memory_space<hbm>>)
        tpu.yield
      }) : () -> ()
    } else {
    }
    %eq3A = arith.constant 31 : i32
    %eq3A_24 = arith.cmpi eq, %add3A, %eq3A : i32
    %convert_element_type3A_25 = arith.extui %eq3A_24 : i1 to i32
    %cond3A_26 = arith.constant 0 : i32
    %cond3A_27 = arith.cmpi ne, %convert_element_type3A_25, %cond3A_26 : i32
    scf.if %cond3A_27 {
      "tpu.region"() ({
        %run_scoped3A = tpu.sem_alloc : memref<!tpu.dma_semaphore, #tpu.memory_space<semaphore_mem>>
        %dma_start3A = arith.constant 0 : i32
        %dma_start3A_28 = arith.constant 0 : i32
        %dma_start3A_29 = tpu.memref_slice %arg11[%dma_start3A, %dma_start3A_28] : memref<313x144xf32, #tpu.memory_space<vmem>> -> memref<297x128xf32, #tpu.memory_space<vmem>>
        %dma_start3A_30 = arith.constant 0 : i32
        %dma_start3A_31 = tpu.memref_slice %arg5[%mul3A_2, %dma_start3A_30] : memref<10000x128xf32, #tpu.memory_space<hbm>> -> memref<297x128xf32, #tpu.memory_space<hbm>>
        %dma_start3A_32 = arith.constant 0 : i32
        %dma_start3A_33 = tpu.memref_slice %arg5[%mul3A_2, %dma_start3A_32] : memref<10000x128xf32, #tpu.memory_space<hbm>> -> memref<297x128xf32, #tpu.memory_space<hbm>>
        %dma_start3A_34 = arith.constant 0 : i32
        %dma_start3A_35 = arith.constant 0 : i32
        %dma_start3A_36 = tpu.memref_slice %arg11[%dma_start3A_34, %dma_start3A_35] : memref<313x144xf32, #tpu.memory_space<vmem>> -> memref<297x128xf32, #tpu.memory_space<vmem>>
        tpu.enqueue_dma source(%dma_start3A_36 : memref<297x128xf32, #tpu.memory_space<vmem>>) target(%dma_start3A_33 : memref<297x128xf32, #tpu.memory_space<hbm>>) target_semaphore(%run_scoped3A : memref<!tpu.dma_semaphore, #tpu.memory_space<semaphore_mem>>)
        %dma_wait3A = arith.constant 0 : i32
        %dma_wait3A_37 = arith.constant 0 : i32
        %dma_wait3A_38 = tpu.memref_slice %arg11[%dma_wait3A, %dma_wait3A_37] : memref<313x144xf32, #tpu.memory_space<vmem>> -> memref<297x128xf32, #tpu.memory_space<vmem>>
        %dma_wait3A_39 = arith.constant 0 : i32
        %dma_wait3A_40 = tpu.memref_slice %arg5[%mul3A_2, %dma_wait3A_39] : memref<10000x128xf32, #tpu.memory_space<hbm>> -> memref<297x128xf32, #tpu.memory_space<hbm>>
        %dma_wait3A_41 = arith.constant 0 : i32
        %dma_wait3A_42 = tpu.memref_slice %arg5[%mul3A_2, %dma_wait3A_41] : memref<10000x128xf32, #tpu.memory_space<hbm>> -> memref<297x128xf32, #tpu.memory_space<hbm>>
        %dma_wait3A_43 = arith.constant 0 : i32
        %dma_wait3A_44 = arith.constant 0 : i32
        %dma_wait3A_45 = tpu.memref_slice %arg11[%dma_wait3A_43, %dma_wait3A_44] : memref<313x144xf32, #tpu.memory_space<vmem>> -> memref<297x128xf32, #tpu.memory_space<vmem>>
        tpu.wait_dma2 semaphore(%run_scoped3A : memref<!tpu.dma_semaphore, #tpu.memory_space<semaphore_mem>>) src(%dma_wait3A_45 : memref<297x128xf32, #tpu.memory_space<vmem>>) dst(%dma_wait3A_42 : memref<297x128xf32, #tpu.memory_space<hbm>>)
        tpu.yield
      }) : () -> ()
    } else {
    }
    return
  }
}

module attributes {stable_mosaic.version = 14 : i64} {
  func.func @_proj_body(%arg0: i32, %arg1: memref<1000x128xf32, #tpu.memory_space<vmem>>, %arg2: memref<128x128xf32, #tpu.memory_space<vmem>>, %arg3: memref<128x8xf32, #tpu.memory_space<vmem>>, %arg4: memref<128x8xf32, #tpu.memory_space<vmem>>, %arg5: memref<128x144xf32, #tpu.memory_space<vmem>>, %arg6: memref<8x144xf32, #tpu.memory_space<vmem>>, %arg7: memref<8x16xf32, #tpu.memory_space<vmem>>, %arg8: memref<1000x144xf32, #tpu.memory_space<vmem>>, %arg9: memref<1000x16xf32, #tpu.memory_space<vmem>>) attributes {dimension_semantics = [#tpu.dimension_semantics<arbitrary>], iteration_bounds = array<i64: 10>, scalar_prefetch = 0 : i64, scratch_operands = 0 : i64, tpu.core_type = #tpu.core_type<tc>, window_params = [{transform_indices = @transform_0, window_bounds = array<i64: 1000, 128>}, {pipeline_mode = #tpu.pipeline_mode<synchronous>, transform_indices = @transform_1, window_bounds = array<i64: 128, 128>}, {pipeline_mode = #tpu.pipeline_mode<synchronous>, transform_indices = @transform_2, window_bounds = array<i64: 128, 8>}, {pipeline_mode = #tpu.pipeline_mode<synchronous>, transform_indices = @transform_3, window_bounds = array<i64: 128, 8>}, {pipeline_mode = #tpu.pipeline_mode<synchronous>, transform_indices = @transform_4, window_bounds = array<i64: 128, 144>}, {pipeline_mode = #tpu.pipeline_mode<synchronous>, transform_indices = @transform_5, window_bounds = array<i64: 8, 144>}, {pipeline_mode = #tpu.pipeline_mode<synchronous>, transform_indices = @transform_6, window_bounds = array<i64: 8, 16>}, {transform_indices = @transform_7, window_bounds = array<i64: 1000, 144>}, {transform_indices = @transform_8, window_bounds = array<i64: 1000, 16>}]} {
    %get3A = arith.constant 0 : index
    %get3A_0 = arith.constant 0 : index
    %get3A_1 = vector.load %arg1[%get3A, %get3A_0] : memref<1000x128xf32, #tpu.memory_space<vmem>>, vector<1000x128xf32>
    %get3A_2 = arith.constant 0 : index
    %get3A_3 = arith.constant 0 : index
    %get3A_4 = vector.load %arg2[%get3A_2, %get3A_3] : memref<128x128xf32, #tpu.memory_space<vmem>>, vector<128x128xf32>
    %dot_general3A = arith.constant dense<0.000000e+00> : vector<1000x128xf32>
    %dot_general3A_5 = tpu.matmul %get3A_1, %get3A_4, %dot_general3A {dimension_numbers = #tpu.dot_dimension_numbers<[1], [0], [0], [1], [0, 0, 1, 1], [], []>, precision = #tpu.contract_precision<fp32>, transpose_lhs_hint = false} : vector<1000x128xf32>, vector<128x128xf32>, vector<1000x128xf32> -> vector<1000x128xf32>
    %get3A_6 = arith.constant 0 : index
    %get3A_7 = arith.constant 0 : index
    %get3A_8 = vector.load %arg3[%get3A_6, %get3A_7] : memref<128x8xf32, #tpu.memory_space<vmem>>, vector<128x8xf32>
    %dot_general3A_9 = arith.constant dense<0.000000e+00> : vector<1000x8xf32>
    %dot_general3A_10 = tpu.matmul %dot_general3A_5, %get3A_8, %dot_general3A_9 {dimension_numbers = #tpu.dot_dimension_numbers<[1], [0], [0], [1], [0, 0, 1, 1], [], []>, precision = #tpu.contract_precision<fp32>, transpose_lhs_hint = false} : vector<1000x128xf32>, vector<128x8xf32>, vector<1000x8xf32> -> vector<1000x8xf32>
    %get3A_11 = arith.constant 0 : index
    %get3A_12 = arith.constant 0 : index
    %get3A_13 = vector.load %arg4[%get3A_11, %get3A_12] : memref<128x8xf32, #tpu.memory_space<vmem>>, vector<128x8xf32>
    %dot_general3A_14 = arith.constant dense<0.000000e+00> : vector<1000x8xf32>
    %dot_general3A_15 = tpu.matmul %dot_general3A_5, %get3A_13, %dot_general3A_14 {dimension_numbers = #tpu.dot_dimension_numbers<[1], [0], [0], [1], [0, 0, 1, 1], [], []>, precision = #tpu.contract_precision<fp32>, transpose_lhs_hint = false} : vector<1000x128xf32>, vector<128x8xf32>, vector<1000x8xf32> -> vector<1000x8xf32>
    %get3A_16 = arith.constant 0 : index
    %get3A_17 = arith.constant 0 : index
    %get3A_18 = vector.load %arg5[%get3A_16, %get3A_17] : memref<128x144xf32, #tpu.memory_space<vmem>>, vector<128x144xf32>
    %dot_general3A_19 = arith.constant dense<0.000000e+00> : vector<1000x144xf32>
    %dot_general3A_20 = tpu.matmul %dot_general3A_5, %get3A_18, %dot_general3A_19 {dimension_numbers = #tpu.dot_dimension_numbers<[1], [0], [0], [1], [0, 0, 1, 1], [], []>, precision = #tpu.contract_precision<fp32>, transpose_lhs_hint = false} : vector<1000x128xf32>, vector<128x144xf32>, vector<1000x144xf32> -> vector<1000x144xf32>
    %get3A_21 = arith.constant 0 : index
    %get3A_22 = arith.constant 0 : index
    %get3A_23 = vector.load %arg6[%get3A_21, %get3A_22] : memref<8x144xf32, #tpu.memory_space<vmem>>, vector<8x144xf32>
    %dot_general3A_24 = arith.constant dense<0.000000e+00> : vector<1000x144xf32>
    %dot_general3A_25 = tpu.matmul %dot_general3A_10, %get3A_23, %dot_general3A_24 {dimension_numbers = #tpu.dot_dimension_numbers<[1], [0], [0], [1], [0, 0, 1, 1], [], []>, precision = #tpu.contract_precision<fp32>, transpose_lhs_hint = false} : vector<1000x8xf32>, vector<8x144xf32>, vector<1000x144xf32> -> vector<1000x144xf32>
    %add3A = arith.addf %dot_general3A_20, %dot_general3A_25 : vector<1000x144xf32>
    %swap3A = arith.constant 0 : index
    %swap3A_26 = arith.constant 0 : index
    %swap3A_27 = vector.load %arg8[%swap3A, %swap3A_26] : memref<1000x144xf32, #tpu.memory_space<vmem>>, vector<1000x144xf32>
    tpu.vector_store %arg8[%swap3A, %swap3A_26], %add3A {strides = array<i32>} : memref<1000x144xf32, #tpu.memory_space<vmem>>, vector<1000x144xf32>,
    %get3A_28 = arith.constant 0 : index
    %get3A_29 = arith.constant 0 : index
    %get3A_30 = vector.load %arg7[%get3A_28, %get3A_29] : memref<8x16xf32, #tpu.memory_space<vmem>>, vector<8x16xf32>
    %dot_general3A_31 = arith.constant dense<0.000000e+00> : vector<1000x16xf32>
    %dot_general3A_32 = tpu.matmul %dot_general3A_15, %get3A_30, %dot_general3A_31 {dimension_numbers = #tpu.dot_dimension_numbers<[1], [0], [0], [1], [0, 0, 1, 1], [], []>, precision = #tpu.contract_precision<fp32>, transpose_lhs_hint = false} : vector<1000x8xf32>, vector<8x16xf32>, vector<1000x16xf32> -> vector<1000x16xf32>
    %swap3A_33 = arith.constant 0 : index
    %swap3A_34 = arith.constant 0 : index
    %swap3A_35 = vector.load %arg9[%swap3A_33, %swap3A_34] : memref<1000x16xf32, #tpu.memory_space<vmem>>, vector<1000x16xf32>
    tpu.vector_store %arg9[%swap3A_33, %swap3A_34], %dot_general3A_32 {strides = array<i32>} : memref<1000x16xf32, #tpu.memory_space<vmem>>, vector<1000x16xf32>,
    return
  }
  func.func @transform_0(%arg0: i32) -> (i32, i32) {
    %c0_i32 = arith.constant 0 : i32
    %c0_i32_0 = arith.constant 0 : i32
    return %arg0, %c0_i32 : i32, i32
  }
  func.func @transform_1(%arg0: i32) -> (i32, i32) {
    %c0_i32 = arith.constant 0 : i32
    %c0_i32_0 = arith.constant 0 : i32
    %c0_i32_1 = arith.constant 0 : i32
    return %c0_i32, %c0_i32_0 : i32, i32
  }
  func.func @transform_2(%arg0: i32) -> (i32, i32) {
    %c0_i32 = arith.constant 0 : i32
    %c0_i32_0 = arith.constant 0 : i32
    %c0_i32_1 = arith.constant 0 : i32
    return %c0_i32, %c0_i32_0 : i32, i32
  }
  func.func @transform_3(%arg0: i32) -> (i32, i32) {
    %c0_i32 = arith.constant 0 : i32
    %c0_i32_0 = arith.constant 0 : i32
    %c0_i32_1 = arith.constant 0 : i32
    return %c0_i32, %c0_i32_0 : i32, i32
  }
  func.func @transform_4(%arg0: i32) -> (i32, i32) {
    %c0_i32 = arith.constant 0 : i32
    %c0_i32_0 = arith.constant 0 : i32
    %c0_i32_1 = arith.constant 0 : i32
    return %c0_i32, %c0_i32_0 : i32, i32
  }
  func.func @transform_5(%arg0: i32) -> (i32, i32) {
    %c0_i32 = arith.constant 0 : i32
    %c0_i32_0 = arith.constant 0 : i32
    %c0_i32_1 = arith.constant 0 : i32
    return %c0_i32, %c0_i32_0 : i32, i32
  }
  func.func @transform_6(%arg0: i32) -> (i32, i32) {
    %c0_i32 = arith.constant 0 : i32
    %c0_i32_0 = arith.constant 0 : i32
    %c0_i32_1 = arith.constant 0 : i32
    return %c0_i32, %c0_i32_0 : i32, i32
  }
  func.func @transform_7(%arg0: i32) -> (i32, i32) {
    %c0_i32 = arith.constant 0 : i32
    %c0_i32_0 = arith.constant 0 : i32
    return %arg0, %c0_i32 : i32, i32
  }
  func.func @transform_8(%arg0: i32) -> (i32, i32) {
    %c0_i32 = arith.constant 0 : i32
    %c0_i32_0 = arith.constant 0 : i32
    return %arg0, %c0_i32 : i32, i32
  }
}

</mosaic_0001>

<sc_bundles>
// kernel: kernel.4.cloned.1.call-start
scs
__scs_entry_jumppad:
0x0: {  	(pc) =	sbr.rel $0x88, $3  }
0x1: {  	(tag) =	ssettag $0x0;
	lr =	simm.s32 $0x1  }
0x2: {  	[smem:$0x3F9D] =	sst lr;
	_ =	strace $0xD0000000  }
0x3: {  	_ = 	snop  }
0x4: {  	_ = 	snop  }
0x5: {  	_ = 	snop  }
0x6: {  	_ = 	snop  }
0x7: {  	_ = 	snop  }
__scs_overlays_trampoline_lowered:
0x8: {  	[smem:$0x3FAC] =	sst s0  }
0x9: {  	[smem:$0x3FAD] =	sst s1  }
0xa: {  	[smem:$0x3FAE] =	sst s2  }
0xb: {  	[smem:$0x3FAF] =	sst s3  }
0xc: {  	[smem:$0x3FB0] =	sst s4  }
0xd: {  	[smem:$0x3FB1] =	sst s5  }
0xe: {  	[smem:$0x3FB2] =	sst s6  }
0xf: {  	[smem:$0x3FB3] =	sst s7  }
0x10: {  	[smem:$0x3FB4] =	sst s8  }
0x11: {  	[smem:$0x3FB5] =	sst s9;
	s0 =	simm.s32 @!p0 $0x0  }
0x12: {  	s1 =	sld [smem:$0x3F9B];
	s0 =	simm.s32 @p0 $0x1  }
0x13: {  	[smem:$0x3FB6] =	sst s0;
	s0 =	simm.s32 @!p1 $0x0  }
0x14: {  	s2 =	sld [smem:$0x3F9A];
	s0 =	simm.s32 @p1 $0x1  }
0x15: {  	[smem:$0x3FB7] =	sst s0;
	s0 =	simm.s32 @!p2 $0x0  }
0x16: {  	s3 =	sld [smem:$0x3FDB];
	s0 =	simm.s32 @p2 $0x1  }
0x17: {  	s4 =	simm.s32 $0x1BF5;
	[smem:$0x3FB9] =	sst s0  }
0x18: {  	s0 =	sld [smem:$0x3F9C];
	_ =	swait.ge [sflag:s4], $0x0  }
0x19: {  	s7 =	sld [smem:$0x3F9D]  }
0x1a: {  	s8 =	sadd.s32 $0xFFFFE003, lr  }
0x1b: {  	s9 =	sadd.s32 $0xFFFFFEF7, lr;
	s5 =	simm.s32 $0xFFFFFFFF;
	p2 =	slt.u32 s8, $0xFFFFF086  }
0x1c: {  	p1 =	slt.u32 s9, $0xF7A;
	s5 =	simm.s32 @!p2 $0x0  }
0x1d: {  	s5 =	simm.s32 @p1 $0x1;
	p0 =	seq.s32 s7, s2  }
0x1e: {  	s7 =	smul.u32 @!p0 $0xF7A, s2;
	p2 =	seq.s32 @!p0 s5, $0x0  }
0x1f: {  	s9 =	smul.u32 $0xF7A, s1;
	s8 =	simm.s32 @!p0 $0x1BF5;
	p2 =	por !p2, p0  }
0x20: {  	[sflag:s8] =	ssyncset.s32 @!p0 $0xFFFFF086;
	s6 =	sadd.s32 @!p0 s3, s7;
	s7 =	simm.s32 @!p0 $0x108  }
0x21: {  	s3 =	sadd.s32 s3, s9;
	s6 =	sadd.s32 @!p0 $0x88, s6;
	s7 =	simm.s32 @p2 $0x1082  }
0x22: {  	[simem:s7], [sflag:s8] =	dma.local @!p0 [hbm:s6], $0xF7A  }
0x23: {  	s9 =	sor.u32 $0xD0000000, s2;
	s6 =	simm.s32 $0x108;
	_ =	swait.ge @!p0 [sflag:s8], $0x0  }
0x24: {  	s3 =	sadd.s32 $0x88, s3;
	s6 =	simm.s32 @!p1 $0x1082;
	[sflag:s4] =	ssyncset.s32 $0xFFFFF086  }
0x25: {  	[simem:s6], [sflag:s4] =	dma.local [hbm:s3], $0xF7A  }
0x26: {  	[smem:$0x3F9D] =	sst s1;
	(tag) =	ssettag s2;
	_ =	strace s9  }
0x27: {  	s1 =	sld [smem:$0x3FAD]  }
0x28: {  	s2 =	sld [smem:$0x3FAE]  }
0x29: {  	s4 =	sld [smem:$0x3FB0]  }
0x2a: {  	p0 =	seq.s32 s5, $0x0;
	s5 =	sld [smem:$0x3FB1]  }
0x2b: {  	s6 =	sld [smem:$0x3FB2]  }
0x2c: {  	s7 =	sld [smem:$0x3FB3]  }
0x2d: {  	s3 =	simm.s32 $0x108;
	s8 =	sld [smem:$0x3FB4]  }
0x2e: {  	s3 =	simm.s32 @!p0 $0x1082;
	s9 =	sld [smem:$0x3FB5]  }
0x2f: {  	lr =	sadd.s32 s0, s3;
	s0 =	sld [smem:$0x3FAC]  }
0x30: {  	s3 =	sld [smem:$0x3FAF]  }
0x31: {  	[smem:$0x3FB8] =	sst s10  }
0x32: {  	s10 =	sld [smem:$0x3FB6];
	_ =	sdelay $0x3  }
0x33: {  	p0 =	seq.s32 s10, $0x1;
	s10 =	sld [smem:$0x3FB8];
	_ =	sdelay $0x3  }
0x34: {  	[smem:$0x3FB8] =	sst s10  }
0x35: {  	s10 =	sld [smem:$0x3FB7];
	_ =	sdelay $0x3  }
0x36: {  	p1 =	seq.s32 s10, $0x1;
	s10 =	sld [smem:$0x3FB8];
	_ =	sdelay $0x3  }
0x37: {  	[smem:$0x3FB8] =	sst s10  }
0x38: {  	s10 =	sld [smem:$0x3FB9]  }
0x39: {  	_ = 	snop;
	(pc) =	sbr.ind lr, $3  }
0x3a: {  	_ = 	snop  }
0x3b: {  	_ = 	snop  }
0x3c: {  	p2 =	seq.s32 s10, $0x1;
	s10 =	sld [smem:$0x3FB8]  }
0x3d: {  	_ =	shalt  }
0x3e: {  	_ =	shalt  }
0x3f: {  	_ =	shalt  }
0x40: {  	_ =	shalt  }
0x41: {  	_ =	shalt  }
0x42: {  	_ =	shalt  }
0x43: {  	_ =	shalt  }
0x44: {  	_ =	shalt  }
0x45: {  	_ =	shalt  }
0x46: {  	_ =	shalt  }
0x47: {  	_ =	shalt  }
0x48: {  	_ =	shalt  }
0x49: {  	_ =	shalt  }
0x4a: {  	_ =	shalt  }
0x4b: {  	_ =	shalt  }
0x4c: {  	_ =	shalt  }
0x4d: {  	_ =	shalt  }
0x4e: {  	_ =	shalt  }
0x4f: {  	_ =	shalt  }
0x50: {  	_ =	shalt  }
0x51: {  	_ =	shalt  }
0x52: {  	_ =	shalt  }
0x53: {  	_ =	shalt  }
0x54: {  	_ =	shalt  }
0x55: {  	_ =	shalt  }
0x56: {  	_ =	shalt  }
0x57: {  	_ =	shalt  }
0x58: {  	_ =	shalt  }
0x59: {  	_ =	shalt  }
0x5a: {  	_ =	shalt  }
0x5b: {  	_ =	shalt  }
0x5c: {  	_ =	shalt  }
0x5d: {  	_ =	shalt  }
0x5e: {  	_ =	shalt  }
0x5f: {  	_ =	shalt  }
0x60: {  	_ =	shalt  }
0x61: {  	_ =	shalt  }
0x62: {  	_ =	shalt  }
0x63: {  	_ =	shalt  }
0x64: {  	_ =	shalt  }
0x65: {  	_ =	shalt  }
0x66: {  	_ =	shalt  }
0x67: {  	_ =	shalt  }
0x68: {  	_ =	shalt  }
0x69: {  	_ =	shalt  }
0x6a: {  	_ =	shalt  }
0x6b: {  	_ =	shalt  }
0x6c: {  	_ =	shalt  }
0x6d: {  	_ =	shalt  }
0x6e: {  	_ =	shalt  }
0x6f: {  	_ =	shalt  }
0x70: {  	_ =	shalt  }
0x71: {  	_ =	shalt  }
0x72: {  	_ =	shalt  }
0x73: {  	_ =	shalt  }
0x74: {  	_ =	shalt  }
0x75: {  	_ =	shalt  }
0x76: {  	_ =	shalt  }
0x77: {  	_ =	shalt  }
0x78: {  	_ =	shalt  }
0x79: {  	_ =	shalt  }
0x7a: {  	_ =	shalt  }
0x7b: {  	_ =	shalt  }
0x7c: {  	_ =	shalt  }
0x7d: {  	_ =	shalt  }
0x7e: {  	_ =	shalt  }
0x7f: {  	_ =	shalt  }
0x80: {  	_ =	shalt  }
0x81: {  	_ =	shalt  }
0x82: {  	_ =	shalt  }
0x83: {  	_ =	shalt  }
0x84: {  	_ =	shalt  }
0x85: {  	_ =	shalt  }
0x86: {  	_ =	shalt  }
0x87: {  	_ =	shalt  }
.Lfunc_end0:
.L_simem_size_0:
called_computation_lowered:
.L_overlay_start_0:
0x88: {  	s2 =	sld [smem:$0x3FD9]  }
0x89: {  	s3 =	sld [smem:$0x3FFE];
	_ =	sdelay $0x1  }
0x8a: {  	s1 =	srdreg.scid  }
0x8b: {  	s0 =	sand.u32 $0x1, s1  }
0x8c: {  	s17 =	sshll.u32 s0, $0xA;
	s2 =	sadd.s32 s3, s2  }
0x8d: {  	s2 =	sadd.s32 s2, s17  }
0x8e: {  	[smem:$0x3FC4] =	sst s2  }
0x8f: {  	_ = 	snop  }
0x90: {  	s2 =	sld [smem:$0x3FD0];
	(tm) =	ssettm $0x1  }
0x91: {  	s18 =	sld [smem:$0x3FFB];
	_ =	sdelay $0x3  }
0x92: {  	_ =	strace s18  }
0x93: {  	s3 =	sld [smem:$0x3FFC];
	_ =	sdelay $0x3  }
0x94: {  	_ =	strace s3  }
0x95: {  	s3 =	sld [smem:$0x3FFD];
	_ =	sdelay $0x3  }
0x96: {  	_ =	strace s3  }
0x97: {  	_ =	strace $0x8FFFFFFF  }
0x98: {  	s19 =	sld [smem:$0x3FDB];
	_ =	sdelay $0x1  }
0x99: {  	s4 =	simm.s32 $_scs_section_size  }
0x9a: {  	s5 =	simm.s32 $_size__tile_overlayer_lowered;
	s6 =	simm.s32 $_tile_overlayer_lowered  }
0x9b: {  	s22 =	simm.s32 $0x1BFF;
	s21 =	sshll.u32 s6, $0x1;
	s3 =	sadd.s32 s4, s19  }
0x9c: {  	s7 =	simm.s32 $0x0;
	s20 =	sshll.u32 s5, $0x1;
	s5 =	sadd.s32 s21, s3  }
0x9d: {  	[timem:s7], [sflag:s22] =	dma.local [hbm:s5], s20  }
0x9e: {  	_ =	swait.ge [sflag:s22], s20  }
0x9f: {  	s4 =	ssub.s32 $0x0, s20;
	[sflag:s22] =	ssyncset.done $0x0  }
0xa0: {  	[sflag:s22] =	ssyncadd.s32 s4;
	_ =	sdelay $0x1  }
0xa1: {  	s23 =	simm.s32 $0x1B8B  }
0xa2: {  	_ =	swait.ge [sflag:s23], $0x1  }
0xa3: {  	[sflag:s23] =	ssyncset.done $0x0  }
0xa4: {  	s25 =	simm.s32 $0x1B8E;
	s24 =	sld [smem:$0x3FFE];
	[sflag:s23] =	ssyncadd.s32 $0xFFFFFFFF  }
0xa5: {  	s26 =	simm.s32 $execute0_lowered;
	[smem:$0x3FD2] =	sst s25  }
0xa6: {  	s5 =	sshll.u32 s26, $0x1;
	_ =	strace $0x80000046;
	[dreg:$0x1] =	wrdreg $0xFFFFFFFF  }
0xa7: {  	s28 =	simm.s32 $_size_execute0_lowered;
	s3 =	sadd.s32 s3, s5;
	[dreg:$0x0] =	wrdreg $0x0  }
0xa8: {  	s5 =	sshll.u32 s28, $0x1;
	[dreg:$0x2] =	wrdreg s3  }
0xa9: {  	[dreg:$0x3] =	wrdreg s5  }
0xaa: {  	[dreg:$0x4] =	wrdreg $0xC0  }
0xab: {  	_ =	task [dreg:s7], $0x5FFFF  }
0xac: {  	[dreg:$0x1] =	wrdreg $0xFFFFFFFF  }
0xad: {  	[dreg:$0x0] =	wrdreg $0x60  }
0xae: {  	[dreg:$0x2] =	wrdreg s24  }
0xaf: {  	[dreg:$0x3] =	wrdreg s2  }
0xb0: {  	[dreg:$0x4] =	wrdreg $0x9  }
0xb1: {  	_ =	task.clear_ibuf [dreg:s7], $0x5FFFF;
	_ =	strace $0x90000046  }
0xb2: {  	s29 =	simm.s32 $0x9;
	_ =	strace $0x80000048  }
0xb3: {  	_ =	swait.ge [sflag:s29], $0x1  }
0xb4: {  	[sflag:s29] =	ssyncadd.s32 $0xFFFFFFFF  }
0xb5: {  	_ =	strace $0x90000048  }
0xb6: {  	_ =	sfence  }
0xb7: {  	s30 =	sld [smem:$0x0];
	_ =	sdelay $0x2  }
0xb8: {  	s31 =	sshll.u32 s1, $0xD;
	s1 =	sshrl.u32 s1, $0x2  }
0xb9: {  	s3 =	sand.u32 $0x4000, s31;
	s1 =	sadd.s32 s1, s30  }
0xba: {  	s0 =	sor.u32 s3, s0;
	s1 =	sshll.u32 s1, $0x11  }
0xbb: {  	s0 =	sor.u32 s1, s0  }
0xbc: {  	s0 =	sadd.s32 $0x8F2B, s0  }
0xbd: {  	[sflag:s0] =	ssyncadd.remote.s32 $0x1  }
0xbe: {  	_ =	sfence.sel $0xFFFF  }
0xbf: {  	[dreg:$0x0] =	wrdreg $0xFFFFFFFF;
	(pc) =	sbr.abs _section_cstart, $3  }
0xc0: {  	[dreg:$0x1] =	wrdreg $0xFFFFFFFF  }
0xc1: {  	_ =	task.clear_ibuf [dreg:s7], $0x2FFFF;
	_ =	strace $0x9FFFFFFF  }
0xc2: {  	(tm) =	ssettm $0x7FFFFFFF  }
0xc3: {  	_ =	shalt  }
tec
execute0_lowered:
.L_overlay_start_1:
0x0: {  	(tag) =	ssettag $0x1  }
0x1: {  	s0 =	srdreg.scid;
	s5 =	rddreg [dreg:$0x0]  }
0x2: {  	s7 =	rddreg [dreg:$0x1];
	s2 =	simm.s32 $0x0;
	s11 =	simm.s32 $0x2710  }
0x3: {  	s12 =	simm.s32 $0x70;
	s13 =	simm.s32 $0x9E40;
	s3 =	sand.u32 $0x1, s0  }
0x4: {  	s14 =	simm.s32 $0x7630;
	s0 =	stileid.u32;
	s1 =	sshll.u32 s3, $0x4  }
0x5: {  	v14 =	vlaneseq.u32;
	s15 =	simm.s32 $0xDD40;
	s16 =	simm.s32 $0x4E20;
	s17 =	sor.u32 s0, s1  }
0x6: {  	[smem:$0x7FF] =	sst s2;
	v15 =	vor.u32 $0x10, v14;
	s6 =	ssub.s32 $0x2, s3;
	s4 =	smul.u32 $0xFFFFFEC7, s17  }
0x7: {  	v0 =	vimm.f32 $0.0e+00;
	v10 =	vor.u32 $0x20, v14;
	s1 =	rddreg [dreg:$0x2];
	_ =	strace $0x80000047;
	[tilespmem:$0x1FFA0] =	vst v15;
	s8 =	smul.u32 $0x272, s17  }
.Ltmp0:
0x8: {  	v51 =	vimm.s32 $0x0;
	v16 =	vimm.s32 $0x81;
	s18 =	simm.s32 $0x0;
	v11 =	vor.u32 $0x40, v14;
	s9 =	sshrl.u32 s6, $0x1;
	[tilespmem:$0x1FFB0] =	vst v10;
	(pc) =	sbr.rel .LBB2_1-.Ltmp0, $4  }
0x9: {  	v61 =	vimm.s32 $0x82;
	v62 =	vimm.s32 $0x83;
	v56 =	vor.u32 $0x70, v14;
	s3 =	sadd.s32 $0x31000, s5;
	[tilespmem:$0x1FFC0] =	vst v11;
	s10 =	smul.u32 $0x1390, s17;
	s9 =	ssub.s32 s6, s9  }
0xa: {  	v63 =	vimm.s32 $0x84;
	v57 =	vor.u32 $0x80, v14;
	[tilespmem:$0x1FFE0] =	vst v56;
	p0 =	seq.s32 s17, $0x1F;
	s17 =	simm.s32 $0x18CC0;
	v17 =	vmov s4;
	s4 =	sadd.s32 $0x5000, s5  }
0xb: {  	v12 =	vimm.s32 $0x85;
	v19 =	vimm.s32 $0x86;
	v53 =	vimm.s32 $0x87;
	[tilespmem:$0x1FFF0] =	vst v57;
	s5 =	sadd.s32 s5, s8;
	s6 =	sadd.s32 s7, s10;
	s7 =	sadd.s32 $0x25E70, s7  }
0xc: {  	v52 =	vor.u32 $0x30, v14;
	v58 =	vor.u32 $0x50, v14;
	v59 =	vor.u32 $0x60, v14;
	s8 =	smax.u32 s9, $0x1;
	s9 =	simm.s32 $0x18D50;
	s10 =	simm.s32 $0x1;
	[tilespmem:$0x1FFD0] =	vst v17  }
.LBB2_35:
0xd: {  	s18 =	sadd.s32 $0x1, s18  }
0xe: {  	p1 =	sne.s32 s18, s8  }
.Ltmp1:
0xf: {  	_ = 	snop;
	(pc) =	sbr.rel @!p1 .LBB2_36-.Ltmp1, $1  }
0x10: {  	_ =	sdelay $0x3  }
.LBB2_1:
0x11: {  	[tilespmem:s9], [sflag:$0x1] =	stream.linear.gather [hbm4b:s5+s2], $0x1390, $0x38;
	[tilespmem:$0x1A0E0] =	vst v63  }
0x12: {  	_ =	swait.ge [sflag:s10], $0x1390  }
0x13: {  	[sflag:s10] =	ssyncset.done $0x0  }
0x14: {  	s19 =	simm.s32 $0xDE60;
	[sflag:s10] =	ssyncadd.s32 $0xFFFFEC70  }
0x15: {  	[tilespmem:s19+$0xFFFFFEE0] =	vst v0  }
0x16: {  	[tilespmem:s19+$0x110] =	vst v0  }
0x17: {  	[tilespmem:s19+$0x100] =	vst v0  }
0x18: {  	[tilespmem:s19+$0xF0] =	vst v0  }
0x19: {  	[tilespmem:s19+$0xE0] =	vst v0  }
0x1a: {  	[tilespmem:s19+$0xD0] =	vst v0  }
0x1b: {  	[tilespmem:s19+$0xC0] =	vst v0  }
0x1c: {  	[tilespmem:s19+$0xB0] =	vst v0  }
0x1d: {  	[tilespmem:s19+$0xA0] =	vst v0  }
0x1e: {  	[tilespmem:s19+$0x90] =	vst v0  }
0x1f: {  	[tilespmem:s19+$0x80] =	vst v0  }
0x20: {  	[tilespmem:s19+$0x70] =	vst v0  }
0x21: {  	[tilespmem:s19+$0x60] =	vst v0  }
0x22: {  	[tilespmem:s19+$0x50] =	vst v0  }
0x23: {  	[tilespmem:s19+$0x40] =	vst v0  }
0x24: {  	[tilespmem:s19+$0x30] =	vst v0  }
0x25: {  	[tilespmem:s19+$0x20] =	vst v0  }
0x26: {  	[tilespmem:s19+$0x10] =	vst v0  }
0x27: {  	[tilespmem:s19+$0x0] =	vst v0  }
0x28: {  	[tilespmem:s19+$0xFFFFFFF0] =	vst v0  }
0x29: {  	[tilespmem:s19+$0xFFFFFFE0] =	vst v0  }
0x2a: {  	[tilespmem:s19+$0xFFFFFFD0] =	vst v0  }
0x2b: {  	[tilespmem:s19+$0xFFFFFFC0] =	vst v0  }
0x2c: {  	[tilespmem:s19+$0xFFFFFFB0] =	vst v0  }
0x2d: {  	[tilespmem:s19+$0xFFFFFFA0] =	vst v0  }
0x2e: {  	[tilespmem:s19+$0xFFFFFF90] =	vst v0  }
0x2f: {  	[tilespmem:s19+$0xFFFFFF80] =	vst v0  }
0x30: {  	[tilespmem:s19+$0xFFFFFF70] =	vst v0  }
0x31: {  	[tilespmem:s19+$0xFFFFFF60] =	vst v0  }
0x32: {  	[tilespmem:s19+$0xFFFFFF50] =	vst v0  }
0x33: {  	[tilespmem:s19+$0xFFFFFF40] =	vst v0  }
0x34: {  	[tilespmem:s19+$0xFFFFFF30] =	vst v0  }
0x35: {  	[tilespmem:s19+$0xFFFFFF20] =	vst v0  }
0x36: {  	[tilespmem:s19+$0xFFFFFF10] =	vst v0  }
0x37: {  	s20 =	simm.s32 $0x0;
	[tilespmem:s19+$0xFFFFFF00] =	vst v0  }
.LBB2_2:
0x38: {  	s20 =	sadd.s32 $0x4, s20;
	[tilespmem:s19+$0xFFFFFEF0] =	vst v0;
	s19 =	sadd.s32 $0x240, s19  }
0x39: {  	[tilespmem:s19+$0xFFFFFEE0] =	vst v0;
	p1 =	slt.u32 s20, $0x134  }
0x3a: {  	[tilespmem:s19+$0x110] =	vst v0  }
0x3b: {  	[tilespmem:s19+$0x100] =	vst v0  }
0x3c: {  	[tilespmem:s19+$0xF0] =	vst v0  }
0x3d: {  	[tilespmem:s19+$0xE0] =	vst v0  }
0x3e: {  	[tilespmem:s19+$0xD0] =	vst v0  }
0x3f: {  	[tilespmem:s19+$0xC0] =	vst v0  }
0x40: {  	[tilespmem:s19+$0xB0] =	vst v0  }
0x41: {  	[tilespmem:s19+$0xA0] =	vst v0  }
0x42: {  	[tilespmem:s19+$0x90] =	vst v0  }
0x43: {  	[tilespmem:s19+$0x80] =	vst v0  }
0x44: {  	[tilespmem:s19+$0x70] =	vst v0  }
0x45: {  	[tilespmem:s19+$0x60] =	vst v0  }
0x46: {  	[tilespmem:s19+$0x50] =	vst v0  }
0x47: {  	[tilespmem:s19+$0x40] =	vst v0  }
0x48: {  	[tilespmem:s19+$0x30] =	vst v0  }
0x49: {  	[tilespmem:s19+$0x20] =	vst v0  }
0x4a: {  	[tilespmem:s19+$0x10] =	vst v0  }
0x4b: {  	[tilespmem:s19+$0x0] =	vst v0  }
0x4c: {  	[tilespmem:s19+$0xFFFFFFF0] =	vst v0  }
0x4d: {  	[tilespmem:s19+$0xFFFFFFE0] =	vst v0  }
0x4e: {  	[tilespmem:s19+$0xFFFFFFD0] =	vst v0  }
0x4f: {  	[tilespmem:s19+$0xFFFFFFC0] =	vst v0  }
0x50: {  	[tilespmem:s19+$0xFFFFFFB0] =	vst v0  }
0x51: {  	[tilespmem:s19+$0xFFFFFFA0] =	vst v0  }
0x52: {  	[tilespmem:s19+$0xFFFFFF90] =	vst v0  }
0x53: {  	[tilespmem:s19+$0xFFFFFF80] =	vst v0  }
0x54: {  	[tilespmem:s19+$0xFFFFFF70] =	vst v0  }
0x55: {  	[tilespmem:s19+$0xFFFFFF60] =	vst v0  }
0x56: {  	[tilespmem:s19+$0xFFFFFF50] =	vst v0  }
.Ltmp2:
0x57: {  	[tilespmem:s19+$0xFFFFFF40] =	vst v0;
	(pc) =	sbr.rel @p1 .LBB2_2-.Ltmp2, $4  }
0x58: {  	[tilespmem:s19+$0xFFFFFF30] =	vst v0  }
0x59: {  	[tilespmem:s19+$0xFFFFFF20] =	vst v0  }
0x5a: {  	[tilespmem:s19+$0xFFFFFF10] =	vst v0  }
0x5b: {  	[tilespmem:s19+$0xFFFFFF00] =	vst v0  }
0x5c: {  	[tilespmem:s19+$0xFFFFFEF0] =	vst v0  }
0x5d: {  	[tilespmem:$0x18CC0] =	vst v0  }
0x5e: {  	[tilespmem:$0x18CD0] =	vst v0  }
0x5f: {  	[tilespmem:$0x18CE0] =	vst v0  }
0x60: {  	[tilespmem:$0x18CF0] =	vst v0  }
0x61: {  	[tilespmem:$0x18D00] =	vst v0  }
0x62: {  	[tilespmem:$0x18D10] =	vst v0  }
0x63: {  	[tilespmem:$0x18D20] =	vst v0  }
0x64: {  	[tilespmem:$0x18D30] =	vst v0  }
0x65: {  	s19 =	simm.s32 $0x4E40;
	[tilespmem:$0x18D40] =	vst v0  }
0x66: {  	[tilespmem:s19+$0xFFFFFFE0] =	vst v51  }
0x67: {  	[tilespmem:s19+$0x10] =	vst v51  }
0x68: {  	s20 =	simm.s32 $0x0;
	[tilespmem:s19+$0x0] =	vst v51  }
.LBB2_4:
0x69: {  	s20 =	sadd.s32 $0x4, s20  }
0x6a: {  	[tilespmem:s19+$0xFFFFFFF0] =	vst v51;
	s19 =	sadd.s32 $0x40, s19;
	p1 =	slt.u32 s20, $0x27C  }
.Ltmp3:
0x6b: {  	[tilespmem:s19+$0xFFFFFFE0] =	vst v51;
	(pc) =	sbr.rel @p1 .LBB2_4-.Ltmp3, $3  }
0x6c: {  	_ =	sdelay $0x1  }
0x6d: {  	[tilespmem:s19+$0x10] =	vst v51  }
0x6e: {  	[tilespmem:s19+$0x0] =	vst v51  }
.Ltmp4:
0x6f: {  	(pc) =	sbr.rel .LBB2_6-.Ltmp4, $3  }
0x70: {  	_ =	sdelay $0x1  }
0x71: {  	[tilespmem:s19+$0xFFFFFFF0] =	vst v51  }
0x72: {  	s21 =	simm.s32 $0x0;
	s23 =	simm.s32 $0x0;
	s22 =	simm.s32 $0x0;
	[tilespmem:$0x7620] =	vst v51  }
.LBB2_12:
0x73: {  	s23 =	smul.u32 $0x70, s20;
	_ =	sdelay $0x1  }
0x74: {  	v0 =	vld [tilespmem:s23+$0x4E20];
	_ =	sdelay $0x4  }
0x75: {  	[tilespmem:$0x4E20] =	vst v0  }
0x76: {  	v0 =	vld [tilespmem:s23+$0x7630];
	_ =	sdelay $0x4  }
0x77: {  	[tilespmem:$0x7630] =	vst v0  }
0x78: {  	v0 =	vld [tilespmem:s23+$0x4E30];
	_ =	sdelay $0x4  }
0x79: {  	[tilespmem:$0x4E30] =	vst v0  }
0x7a: {  	v0 =	vld [tilespmem:s23+$0x7640];
	_ =	sdelay $0x4  }
0x7b: {  	[tilespmem:$0x7640] =	vst v0  }
0x7c: {  	v0 =	vld [tilespmem:s23+$0x4E40];
	_ =	sdelay $0x4  }
0x7d: {  	[tilespmem:$0x4E40] =	vst v0  }
0x7e: {  	v0 =	vld [tilespmem:s23+$0x7650];
	_ =	sdelay $0x4  }
0x7f: {  	[tilespmem:$0x7650] =	vst v0  }
0x80: {  	v0 =	vld [tilespmem:s23+$0x4E50];
	_ =	sdelay $0x4  }
0x81: {  	[tilespmem:$0x4E50] =	vst v0  }
0x82: {  	v0 =	vld [tilespmem:s23+$0x7660];
	_ =	sdelay $0x4  }
0x83: {  	[tilespmem:$0x7660] =	vst v0  }
0x84: {  	v0 =	vld [tilespmem:s23+$0x4E60];
	_ =	sdelay $0x4  }
0x85: {  	[tilespmem:$0x4E60] =	vst v0  }
0x86: {  	v0 =	vld [tilespmem:s23+$0x7670];
	_ =	sdelay $0x4  }
0x87: {  	[tilespmem:$0x7670] =	vst v0  }
0x88: {  	v0 =	vld [tilespmem:s23+$0x4E70];
	_ =	sdelay $0x4  }
0x89: {  	[tilespmem:$0x4E70] =	vst v0  }
0x8a: {  	v0 =	vld [tilespmem:s23+$0x7680];
	_ =	sdelay $0x4  }
0x8b: {  	[tilespmem:$0x7680] =	vst v0  }
0x8c: {  	v0 =	vld [tilespmem:s23+$0x4E80];
	_ =	sdelay $0x4  }
0x8d: {  	[tilespmem:$0x4E80] =	vst v0  }
0x8e: {  	v0 =	vld [tilespmem:s23+$0x7690];
	_ =	sdelay $0x4  }
0x8f: {  	[tilespmem:$0x7690] =	vst v0  }
0x90: {  	v0 =	vld [tilespmem:s23+$0x4E90];
	_ =	sdelay $0x4  }
0x91: {  	s22 =	sadd.s32 $0x1, s22;
	[tilespmem:$0x4E90] =	vst v0  }
0x92: {  	p1 =	sne.s32 s22, $0x20;
	v0 =	vld [tilespmem:s23+$0x76A0]  }
.Ltmp5:
0x93: {  	v17 =	vld [tilespmem:$0x1FFD0];
	(pc) =	sbr.rel @!p1 .LBB2_13-.Ltmp5, $2  }
0x94: {  	_ =	sdelay $0x2  }
0x95: {  	v51 =	vimm.s32 $0x0;
	s23 =	ssub.s32 s19, s23;
	[tilespmem:$0x76A0] =	vst v0  }
.LBB2_6:
0x96: {  	s19 =	smul.u32 $0x2710, s22;
	_ =	sdelay $0x1  }
0x97: {  	s19 =	sshrl.u32 s19, $0x3  }
0x98: {  	s19 =	sadd.s32 s3, s19  }
0x99: {  	s20 =	sadd.s32 $0x9C40, s19  }
0x9a: {  	[tilespmem:s21], [sflag:$0x1] =	stream.linear.gather [hbm4b:s20+s21], $0x2710, $0x38;
	[tilespmem:$0x1A0E0] =	vst v63  }
0x9b: {  	_ =	swait.ge [sflag:s10], $0x2710  }
0x9c: {  	[sflag:s10] =	ssyncset.done $0x0  }
0x9d: {  	[sflag:s10] =	ssyncadd.s32 $0xFFFFD8F0  }
0x9e: {  	[tilespmem:s11], [sflag:$0x1] =	stream.linear.gather [hbm4b:s19+s21], $0x2710, $0x38;
	[tilespmem:$0x1A0E0] =	vst v63  }
0x9f: {  	_ =	swait.ge [sflag:s10], $0x2710  }
0xa0: {  	[sflag:s10] =	ssyncset.done $0x0  }
0xa1: {  	s29 =	simm.s32 $0x0;
	[sflag:s10] =	ssyncadd.s32 $0xFFFFD8F0  }
0xa2: {  	v20 =	vld [tilespmem:s29+$0x0];
	_ =	sdelay $0x1  }
0xa3: {  	s30 =	simm.s32 $0x10  }
0xa4: {  	s24 =	simm.s32 $0x20;
	v21 =	vld [tilespmem:s30+$0x0]  }
0xa5: {  	v22 =	vld [tilespmem:s24+$0x0]  }
0xa6: {  	v28 =	vadd.s32 v17, v20  }
0xa7: {  	vm0 =	vlt.u32 v28, $0x139  }
0xa8: {  	v20 =	vsel vm0, $0x1, v51  }
0xa9: {  	v21 =	vadd.s32 v17, v21;
	(xrf0) =	vadd.scan.msk.s32 $0xffff, v20  }
0xaa: {  	vm1 =	vlt.u32 v21, $0x139;
	v20 =	vadd.s32 v17, v22  }
0xab: {  	v23 =	vsel vm1, $0x1, v51;
	vm2 =	vlt.u32 v20, $0x139  }
0xac: {  	(xrf0) =	vadd.scan.msk.s32 $0xffff, v23;
	v23 =	vsel vm2, $0x1, v51  }
0xad: {  	(xrf0) =	vadd.scan.msk.s32 $0xffff, v23;
	_ =	sdelay $0x1  }
0xae: {  	v23, _, _ =	vpop (xrf0)  }
0xaf: {  	(v2sf) =	vpush v23, $0xF;
	_ =	sdelay $0x1  }
0xb0: {  	s25 =	simm.s32 $0x30;
	v25, _, _ =	vpop (xrf0)  }
0xb1: {  	v22 =	vld [tilespmem:s25+$0x0];
	(v2sf) =	vpush v25, $0xF;
	v30, _, _ =	vpop (xrf0)  }
0xb2: {  	(v2sf) =	vpush v30, $0xF  }
0xb3: {  	v26 =	vld [tilespmem:s29+$0x2710];
	_ =	sdelay $0x1  }
0xb4: {  	vm0 =	vmmov vm0  }
0xb5: {  	s31 =	simm.s32 $0x40;
	v24 =	vld [tilespmem:s30+$0x2710];
	vm0 =	vmmov vm0;
	v22 =	vadd.s32 v17, v22  }
0xb6: {  	v27 =	vld [tilespmem:s31+$0x0];
	vm0 =	vmmov vm0;
	vm3 =	vlt.u32 v22, $0x139  }
0xb7: {  	[tilespmem:s23+$0x4E20] =	vst.msk vm0, v26;
	v26 =	vld [tilespmem:s31+$0x2710];
	v29 =	vsel vm3, $0x1, v51  }
0xb8: {  	vm1 =	vmmov vm1;
	v23 =	vld [tilespmem:s24+$0x2710];
	(xrf0) =	vadd.scan.msk.s32 $0xffff, v29  }
0xb9: {  	vm1 =	vmmov vm1;
	vm4 =	vmmov vm2;
	v25 =	vld [tilespmem:s25+$0x2710]  }
0xba: {  	s19 =	simm.s32 $0x140;
	vm2 =	vmmov vm1;
	[tilespmem:s23+$0x7630] =	vst.msk vm0, v28;
	vm1 =	vmmov vm4;
	vm0 =	vmmov vm3  }
.LBB2_7:
0xbb: {  	s20 =	sshra.s32 s19, $0x2;
	p1 =	sne.s32 s19, $0x9C00;
	s19 =	sadd.s32 $0x40, s19;
	v28 =	vadd.s32 v17, v27  }
.Ltmp6:
0xbc: {  	v27 =	vld [tilespmem:s20+$0x0];
	vm3 =	vlt.u32 v28, $0x139;
	s24 =	spop (v2sf);
	v29 =	vmov v26;
	(pc) =	sbr.rel @p1 .LBB2_7-.Ltmp6, $4  }
0xbd: {  	v26 =	vld [tilespmem:s20+$0x2710];
	v0 =	vsel vm3, $0x1, v51;
	s23 =	sadd.s32 s23, s24  }
0xbe: {  	(xrf0) =	vadd.scan.msk.s32 $0xffff, v0;
	v30, _, _ =	vpop (xrf0);
	[tilespmem:s23+$0x4E20] =	vst.msk vm2, v24;
	v24 =	vmov v23;
	v23 =	vmov v25  }
0xbf: {  	v25 =	vmovc v29;
	(v2sf) =	vpush v30, $0xF;
	[tilespmem:s23+$0x7630] =	vst.msk vm2, v21;
	v21 =	vmovc v20;
	v20 =	vmov v22;
	v22 =	vmov v28  }
0xc0: {  	vm2 =	vmmov vm1;
	vm1 =	vmmov vm0;
	vm0 =	vmmov vm3  }
0xc1: {  	v27 =	vadd.s32 v17, v27  }
0xc2: {  	vm3 =	vlt.u32 v27, $0x139  }
0xc3: {  	v28 =	vsel vm3, $0x1, v51  }
0xc4: {  	(xrf0) =	vadd.scan.msk.s32 $0xffff, v28;
	_ =	sdelay $0x4  }
0xc5: {  	v55, _, _ =	vpop (xrf0)  }
0xc6: {  	(v2sf) =	vpush v55, $0xF;
	v60, _, _ =	vpop (xrf0)  }
0xc7: {  	(v2sf) =	vpush v60, $0xF;
	_ =	sdelay $0xa  }
0xc8: {  	s19 =	spop (v2sf)  }
0xc9: {  	s20 =	spop (v2sf);
	s23 =	sadd.s32 s23, s19  }
0xca: {  	s20 =	sadd.s32 s23, s20;
	s28 =	spop (v2sf)  }
0xcb: {  	s24 =	sadd.s32 s20, s28;
	s29 =	spop (v2sf)  }
0xcc: {  	s25 =	sadd.s32 s24, s29;
	s30 =	spop (v2sf)  }
0xcd: {  	s19 =	sadd.s32 s25, s30  }
0xce: {  	s26 =	smulhi.u32 $0x92492493, s19;
	s28 =	sshra.s32 s19, $0x1F  }
0xcf: {  	s28 =	smul.u32 $0x92492493, s28  }
0xd0: {  	s26 =	ssub.s32 s26, s19  }
0xd1: {  	s26 =	sadd.s32 s28, s26  }
0xd2: {  	s26 =	sadd.s32 s19, s26  }
0xd3: {  	s31 =	sshrl.u32 s26, $0x1F;
	s26 =	sshra.s32 s26, $0x6  }
0xd4: {  	s26 =	sadd.s32 s31, s26  }
0xd5: {  	s28 =	smul.u32 $0xFFFFFF90, s26  }
0xd6: {  	s29 =	ssub.s32 $0x0, s19  }
0xd7: {  	vm1 =	vmmov vm1;
	p2 =	slt.s32 s19, $0x1;
	p1 =	sne.s32 s28, s29  }
0xd8: {  	[tilespmem:s20+$0x4E20] =	vst.msk vm1, v23;
	p1 =	por !p2, !p1  }
0xd9: {  	[tilespmem:s20+$0x7630] =	vst.msk vm1, v20;
	s20 =	simm.s32 $0x1;
	p1 =	por !p1, !p1  }
0xda: {  	s20 =	simm.s32 @!p1 $0x0  }
0xdb: {  	s20 =	ssub.s32 s26, s20  }
0xdc: {  	vm0 =	vmmov vm0;
	[tilespmem:s23+$0x4E20] =	vst.msk vm2, v24;
	p1 =	slt.s32 s20, $0x1  }
.Ltmp7:
0xdd: {  	vm0 =	vmmov vm0;
	vm13 =	vmmov vm3;
	[tilespmem:s23+$0x7630] =	vst.msk vm2, v21;
	(pc) =	sbr.rel @p1 .LBB2_12-.Ltmp7, $4  }
0xde: {  	vm14 =	vmmov vm13;
	[tilespmem:s24+$0x4E20] =	vst.msk vm0, v25  }
0xdf: {  	vm15 =	vmmov vm14;
	[tilespmem:s24+$0x7630] =	vst.msk vm0, v22  }
0xe0: {  	[tilespmem:s25+$0x4E20] =	vst.msk vm15, v26  }
0xe1: {  	s23 =	simm.s32 $0x0;
	s24 =	simm.s32 $0x0;
	[tilespmem:s25+$0x7630] =	vst.msk vm15, v27  }
.LBB2_9:
0xe2: {  	s25 =	sadd.s32 $0xFFFFFFFC, s23  }
0xe3: {  	s26 =	sadd.s32 $0x6, s25  }
0xe4: {  	v20 =	vmov s26  }
0xe5: {  	s29 =	smul.u32 $0x70, s24;
	v20 =	vand.u32 $0xFFFFFFFE, v20  }
0xe6: {  	s28 =	sadd.s32 $0x4, s25;
	v20 =	vbroadcast v20, $0x0  }
0xe7: {  	s26 =	sadd.s32 $0x4E20, s29;
	v21 =	vmov s28;
	s28 =	sadd.s32 $0x5, s25  }
0xe8: {  	[tilespmem:s13], [sflag:$0x1] =	stream.indirect.gather [hbm4b:s4+s12], $0x90, s26, s12, $0xb8;
	v22 =	vmov s28;
	v21 =	vand.u32 $0xFFFFFFFC, v21;
	[tilespmem:$0x1A0E0] =	vst v63  }
0xe9: {  	_ =	swait.ge [sflag:s10], $0x3F00;
	v22 =	vand.u32 $0xFFFFFFFD, v22;
	v21 =	vbroadcast v21, $0x0  }
0xea: {  	[sflag:s10] =	ssyncset.done $0x0;
	v22 =	vbroadcast v22, $0x0  }
0xeb: {  	[sflag:s10] =	ssyncadd.s32 $0xFFFFC100  }
0xec: {  	s25 =	sadd.s32 $0x7, s25;
	v20 =	vld.idx.msk [tilespmem:v20+s14+$0x0], $0xffff  }
0xed: {  	v23 =	vmov s25;
	_ =	sdelay $0x1  }
0xee: {  	v25 =	vld.idx.msk [tilespmem:v21+s14+$0x0], $0xffff  }
0xef: {  	v26 =	vld.idx.msk [tilespmem:v22+s14+$0x0], $0xffff  }
0xf0: {  	v21 =	vshll.u32 v20, $0x4  }
0xf1: {  	v28 =	vld.idx.msk [tilespmem:v23+s14+$0x0], $0xffff;
	v21 =	vor.u32 v14, v21;
	_ =	sdelay $0x1  }
0xf2: {  	v22 =	vshll.u32 v25, $0x4  }
0xf3: {  	s30 =	simm.s32 $0x9F60;
	v22 =	vor.u32 v14, v22;
	v23 =	vshll.u32 v26, $0x4  }
0xf4: {  	v27 =	vld [tilespmem:s30+$0x80];
	v23 =	vor.u32 v14, v23  }
0xf5: {  	v24 =	vshll.u32 v28, $0x4;
	v21 =	vld.idx.msk [tilespmem:v21+s9+$0x0], $0xffff  }
0xf6: {  	v29 =	vld [tilespmem:s30+$0xFFFFFF60];
	v24 =	vor.u32 v14, v24  }
0xf7: {  	v30 =	vld [tilespmem:s30+$0x110]  }
0xf8: {  	v22 =	vld.idx.msk [tilespmem:v22+s9+$0x0], $0xffff  }
0xf9: {  	v23 =	vld.idx.msk [tilespmem:v23+s9+$0x0], $0xffff  }
0xfa: {  	v21 =	vadd.f32 v27, v21;
	v27 =	vld [tilespmem:s30+$0xFFFFFFF0]  }
0xfb: {  	v24 =	vld.idx.msk [tilespmem:v24+s9+$0x0], $0xffff  }
0xfc: {  	v31 =	vmin.f32 v21, $0.0e+00  }
0xfd: {  	v31 =	vmul.f32 $9.999999770e-03, v31  }
0xfe: {  	v22 =	vadd.f32 v29, v22;
	v21 =	vmax.f32 v21, $0.0e+00  }
0xff: {  	v21 =	vadd.f32 v31, v21;
	v23 =	vadd.f32 v27, v23  }
0x100: {  	v24 =	vadd.f32 v30, v24;
	v27 =	vmin.f32 v22, $0.0e+00  }
0x101: {  	v27 =	vmul.f32 $9.999999770e-03, v27;
	v21 =	vmul.f32 $1.442695020e+00, v21;
	v29 =	vmin.f32 v23, $0.0e+00  }
0x102: {  	v30 =	vmin.f32 v24, $0.0e+00;
	v22 =	vmax.f32 v22, $0.0e+00;
	v29 =	vmul.f32 $9.999999770e-03, v29  }
0x103: {  	v22 =	vadd.f32 v27, v22;
	(erf) = vpow2.f32 v21;
	v21 =	vmax.f32 v23, $0.0e+00  }
0x104: {  	v23 =	vmul.f32 $9.999999770e-03, v30;
	v21 =	vadd.f32 v29, v21  }
0x105: {  	v24 =	vmax.f32 v24, $0.0e+00;
	v22 =	vmul.f32 $1.442695020e+00, v22  }
0x106: {  	v23 =	vadd.f32 v23, v24;
	v21 =	vmul.f32 $1.442695020e+00, v21  }
0x107: {  	(erf) = vpow2.f32 v22  }
0x108: {  	v23 =	vmul.f32 $1.442695020e+00, v23;
	(erf) = vpow2.f32 v21;
	_ =	sdelay $0x1  }
0x109: {  	v1 =	vimm.s32 $0x80;
	(erf) = vpow2.f32 v23;
	_ =	sdelay $0x2  }
0x10a: {  	v33 =	vld [tilespmem:s30+$0x90];
	v23 =	vpop (erf)  }
0x10b: {  	v29 =	vld [tilespmem:s30+$0x0];
	[tilespmem:s30+$0x80] =	vst v23  }
0x10c: {  	v24 =	vmul.u32 $0x90, v20;
	v27 =	vld.idx.msk [tilespmem:v1+s30+$0x0], $0xffff  }
0x10d: {  	v31 =	vld [tilespmem:s30+$0xFFFFFF70];
	v7 =	vpop (erf)  }
0x10e: {  	v30 =	vld [tilespmem:s30+$0xFFFFFEE0];
	v32 =	vor.u32 v14, v24;
	[tilespmem:s30+$0xFFFFFF60] =	vst v7;
	v0 =	vpop (erf)  }
0x10f: {  	v2 =	vimm.s32 $0x81;
	v34 =	vld.idx.msk [tilespmem:v1+s30+$0xFFFFFEE0], $0xffff;
	[tilespmem:$0x1FF90] =	vst v0  }
0x110: {  	v25 =	vmul.u32 $0x90, v25;
	v17 =	vpop (erf);
	[tilespmem:s30+$0xFFFFFFF0] =	vst v0  }
0x111: {  	v29 =	vmul.f32 v29, v27;
	[tilespmem:s30+$0x110] =	vst v17;
	v35 =	vld.idx.msk [tilespmem:v1+s30+$0xFFFFFF70], $0xffff  }
0x112: {  	v27 =	vmul.u32 $0x90, v26;
	v26 =	vmul.u32 $0x90, v28;
	v28 =	vor.u32 v14, v25;
	v36 =	vld.idx.msk [tilespmem:v1+s30+$0x90], $0xffff  }
0x113: {  	[tilespmem:v32+s15+$0x0] =	vst.idx.add.f32.msk $0xffff, v29  }
0x114: {  	v29 =	vor.u32 v14, v27;
	v32 =	vld.idx.msk [tilespmem:v2+s30+$0x0], $0xffff  }
0x115: {  	v37 =	vor.u32 v14, v26;
	v38 =	vld [tilespmem:s30+$0x10];
	v30 =	vmul.f32 v30, v34;
	_ =	sdelay $0x1  }
0x116: {  	v41 =	vadd.s32 v15, v24;
	[tilespmem:v28+s15+$0x0] =	vst.idx.add.f32.msk $0xffff, v30;
	v31 =	vmul.f32 v31, v35  }
0x117: {  	v28 =	vmul.f32 v33, v36;
	v42 =	vld [tilespmem:s30+$0xFFFFFEF0]  }
0x118: {  	[tilespmem:v29+s15+$0x0] =	vst.idx.add.f32.msk $0xffff, v31  }
0x119: {  	v29 =	vmul.f32 v38, v32;
	[tilespmem:v37+s15+$0x0] =	vst.idx.add.f32.msk $0xffff, v28  }
0x11a: {  	v28 =	vld.idx.msk [tilespmem:v2+s30+$0xFFFFFEE0], $0xffff  }
0x11b: {  	[tilespmem:v41+s15+$0x0] =	vst.idx.add.f32.msk $0xffff, v29  }
0x11c: {  	v29 =	vld.idx.msk [tilespmem:v61+s30+$0x0], $0xffff  }
0x11d: {  	v30 =	vld [tilespmem:s30+$0x20]  }
0x11e: {  	v46 =	vadd.s32 v15, v25  }
0x11f: {  	v43 =	vadd.s32 v10, v24;
	v31 =	vld.idx.msk [tilespmem:v2+s30+$0xFFFFFF70], $0xffff  }
0x120: {  	v44 =	vld [tilespmem:s30+$0xFFFFFF80]  }
0x121: {  	v45 =	vld.idx.msk [tilespmem:v2+s30+$0x90], $0xffff;
	v28 =	vmul.f32 v42, v28  }
0x122: {  	v47 =	vadd.s32 v15, v27;
	v29 =	vmul.f32 v30, v29;
	v30 =	vld [tilespmem:s30+$0xA0]  }
0x123: {  	[tilespmem:v46+s15+$0x0] =	vst.idx.add.f32.msk $0xffff, v28  }
0x124: {  	v48 =	vadd.s32 v15, v26;
	[tilespmem:v43+s15+$0x0] =	vst.idx.add.f32.msk $0xffff, v29  }
0x125: {  	v31 =	vmul.f32 v44, v31;
	v29 =	vld.idx.msk [tilespmem:v62+s30+$0x0], $0xffff  }
0x126: {  	v49 =	vld [tilespmem:s30+$0x30]  }
0x127: {  	[tilespmem:v47+s15+$0x0] =	vst.idx.add.f32.msk $0xffff, v31;
	v28 =	vmul.f32 v30, v45  }
0x128: {  	v50 =	vld [tilespmem:s30+$0xFFFFFF00];
	v30 =	vadd.s32 v52, v24  }
0x129: {  	[tilespmem:v48+s15+$0x0] =	vst.idx.add.f32.msk $0xffff, v28  }
0x12a: {  	v28 =	vld.idx.msk [tilespmem:v61+s30+$0xFFFFFEE0], $0xffff  }
0x12b: {  	v29 =	vmul.f32 v49, v29;
	v55 =	vld.idx.msk [tilespmem:v61+s30+$0x90], $0xffff  }
0x12c: {  	v60 =	vld [tilespmem:s30+$0xB0]  }
0x12d: {  	[tilespmem:v30+s15+$0x0] =	vst.idx.add.f32.msk $0xffff, v29;
	v29 =	vadd.s32 v10, v25  }
0x12e: {  	v0 =	vadd.s32 v10, v26;
	v30 =	vld.idx.msk [tilespmem:v63+s30+$0x0], $0xffff  }
0x12f: {  	v33 =	vld [tilespmem:s30+$0x40]  }
0x130: {  	v31 =	vld.idx.msk [tilespmem:v61+s30+$0xFFFFFF70], $0xffff;
	v28 =	vmul.f32 v50, v28  }
0x131: {  	v54 =	vadd.s32 v11, v24;
	v51 =	vld [tilespmem:s30+$0xFFFFFF90];
	v38 =	vmul.f32 v60, v55  }
0x132: {  	[tilespmem:v29+s15+$0x0] =	vst.idx.add.f32.msk $0xffff, v28  }
0x133: {  	s31 =	sadd.s32 $0x0, s23;
	[tilespmem:v0+s15+$0x0] =	vst.idx.add.f32.msk $0xffff, v38  }
0x134: {  	s28 =	sadd.s32 $0x6, s31;
	v29 =	vld.idx.msk [tilespmem:v62+s30+$0xFFFFFEE0], $0xffff;
	v30 =	vmul.f32 v33, v30  }
0x135: {  	v46 =	vmov s28;
	s28 =	sadd.s32 $0x5, s31;
	v28 =	vadd.s32 v10, v27;
	v3 =	vld [tilespmem:s30+$0xFFFFFF10]  }
0x136: {  	v49 =	vmov s28;
	[tilespmem:v54+s15+$0x0] =	vst.idx.add.f32.msk $0xffff, v30  }
0x137: {  	v35 =	vand.u32 $0xFFFFFFFD, v49;
	v30 =	vmul.f32 v51, v31;
	v31 =	vld.idx.msk [tilespmem:v12+s30+$0x0], $0xffff  }
0x138: {  	v35 =	vbroadcast v35, $0x0;
	v39 =	vld [tilespmem:s30+$0x50]  }
0x139: {  	v42 =	vld.idx.msk [tilespmem:v62+s30+$0x90], $0xffff  }
0x13a: {  	[tilespmem:v28+s15+$0x0] =	vst.idx.add.f32.msk $0xffff, v30;
	v28 =	vadd.s32 v58, v24  }
0x13b: {  	v44 =	vld [tilespmem:s30+$0xC0]  }
0x13c: {  	v30 =	vld.idx.msk [tilespmem:v62+s30+$0xFFFFFF70], $0xffff  }
0x13d: {  	v41 =	vadd.s32 v52, v25;
	v40 =	vld [tilespmem:s30+$0xFFFFFFA0];
	v31 =	vmul.f32 v39, v31  }
0x13e: {  	v34 =	vld.idx.msk [tilespmem:v35+s14+$0x0], $0xffff  }
0x13f: {  	v43 =	vadd.s32 v52, v27;
	[tilespmem:v28+s15+$0x0] =	vst.idx.add.f32.msk $0xffff, v31  }
0x140: {  	v29 =	vmul.f32 v3, v29;
	v31 =	vld.idx.msk [tilespmem:v19+s30+$0x0], $0xffff  }
0x141: {  	v28 =	vadd.s32 v52, v26;
	v45 =	vld [tilespmem:s30+$0x60]  }
0x142: {  	[tilespmem:v41+s15+$0x0] =	vst.idx.add.f32.msk $0xffff, v29;
	v30 =	vmul.f32 v40, v30  }
0x143: {  	s25 =	sadd.s32 $0x7, s31;
	v29 =	vadd.s32 v59, v24;
	v33 =	vld.idx.msk [tilespmem:v63+s30+$0xFFFFFEE0], $0xffff  }
0x144: {  	v39 =	vmov s25;
	s25 =	simm.s32 $0xA1A0;
	[tilespmem:v43+s15+$0x0] =	vst.idx.add.f32.msk $0xffff, v30;
	v30 =	vmul.f32 v44, v42  }
0x145: {  	v0 =	vld [tilespmem:s25+$0xFFFFFFF0]  }
0x146: {  	[tilespmem:v28+s15+$0x0] =	vst.idx.add.f32.msk $0xffff, v30;
	v30 =	vmul.f32 v45, v31  }
0x147: {  	v3 =	vld [tilespmem:s25+$0x110]  }
0x148: {  	[tilespmem:v29+s15+$0x0] =	vst.idx.add.f32.msk $0xffff, v30;
	v30 =	vand.u32 $0xFFFFFFFE, v46  }
0x149: {  	v43 =	vld [tilespmem:s25+$0x80];
	v30 =	vbroadcast v30, $0x0  }
0x14a: {  	s29 =	sadd.s32 $0x4, s31;
	v51 =	vld [tilespmem:s30+$0xFFFFFFB0]  }
0x14b: {  	v60 =	vshll.u32 v34, $0x4;
	v35 =	vld.idx.msk [tilespmem:v39+s14+$0x0], $0xffff;
	v29 =	vmov s29  }
0x14c: {  	v39 =	vor.u32 v14, v60;
	v28 =	vld.idx.msk [tilespmem:v63+s30+$0xFFFFFF70], $0xffff;
	v29 =	vand.u32 $0xFFFFFFFC, v29  }
0x14d: {  	v31 =	vld [tilespmem:s30+$0xFFFFFF20];
	v29 =	vbroadcast v29, $0x0  }
0x14e: {  	v38 =	vld.idx.msk [tilespmem:v63+s30+$0x90], $0xffff  }
0x14f: {  	v40 =	vadd.s32 v11, v27;
	v30 =	vld.idx.msk [tilespmem:v30+s14+$0x0], $0xffff  }
0x150: {  	v54 =	vld [tilespmem:s30+$0xD0]  }
0x151: {  	v39 =	vld.idx.msk [tilespmem:v39+s9+$0x0], $0xffff  }
0x152: {  	v47 =	vadd.s32 v11, v25;
	v48 =	vld.idx.msk [tilespmem:v53+s30+$0x0], $0xffff;
	v28 =	vmul.f32 v51, v28  }
0x153: {  	v29 =	vld.idx.msk [tilespmem:v29+s14+$0x0], $0xffff  }
0x154: {  	[tilespmem:v40+s15+$0x0] =	vst.idx.add.f32.msk $0xffff, v28;
	v28 =	vshll.u32 v30, $0x4  }
0x155: {  	v41 =	vshll.u32 v35, $0x4;
	v50 =	vld [tilespmem:s30+$0x70];
	v31 =	vmul.f32 v31, v33;
	v28 =	vor.u32 v14, v28  }
0x156: {  	v46 =	vld [tilespmem:s25+$0xFFFFFF60];
	v41 =	vor.u32 v14, v41  }
0x157: {  	v45 =	vadd.s32 v56, v24;
	[tilespmem:v47+s15+$0x0] =	vst.idx.add.f32.msk $0xffff, v31  }
0x158: {  	v31 =	vadd.s32 v11, v26;
	v40 =	vld [tilespmem:s30+$0xFFFFFFC0];
	v55 =	vshll.u32 v29, $0x4  }
0x159: {  	v33 =	vmul.f32 v54, v38;
	v38 =	vld [tilespmem:s30+$0xFFFFFF30];
	v37 =	vor.u32 v14, v55  }
0x15a: {  	v32 =	vmul.f32 v50, v48;
	v28 =	vld.idx.msk [tilespmem:v28+s9+$0x0], $0xffff  }
0x15b: {  	v41 =	vld.idx.msk [tilespmem:v41+s9+$0x0], $0xffff  }
0x15c: {  	[tilespmem:v45+s15+$0x0] =	vst.idx.add.f32.msk $0xffff, v32  }
0x15d: {  	[tilespmem:v31+s15+$0x0] =	vst.idx.add.f32.msk $0xffff, v33  }
0x15e: {  	v24 =	vadd.s32 v57, v24;
	v37 =	vld.idx.msk [tilespmem:v37+s9+$0x0], $0xffff  }
0x15f: {  	v31 =	vld.idx.msk [tilespmem:v12+s30+$0xFFFFFEE0], $0xffff;
	v28 =	vadd.f32 v43, v28  }
0x160: {  	v33 =	vld.idx.msk [tilespmem:v12+s30+$0xFFFFFF70], $0xffff  }
0x161: {  	v48 =	vadd.s32 v58, v25;
	v42 =	vld.idx.msk [tilespmem:v12+s30+$0x90], $0xffff;
	v47 =	vmin.f32 v28, $0.0e+00  }
0x162: {  	v54 =	vadd.s32 v58, v27;
	v44 =	vld [tilespmem:s30+$0xE0];
	v3 =	vadd.f32 v3, v41;
	v51 =	vmul.f32 $9.999999770e-03, v47  }
0x163: {  	v0 =	vadd.f32 v0, v39;
	[tilespmem:v24+s15+$0x0] =	vst.idx.add.f32.msk $0xffff, v23;
	v23 =	vmax.f32 v28, $0.0e+00;
	v28 =	vadd.f32 v46, v37  }
0x164: {  	v36 =	vld [tilespmem:s25+$0xFFFFFEE0];
	v41 =	vmin.f32 v3, $0.0e+00;
	v24 =	vmul.f32 v38, v31;
	v23 =	vadd.f32 v51, v23  }
0x165: {  	v31 =	vmul.f32 v40, v33;
	v40 =	vmin.f32 v0, $0.0e+00;
	v33 =	vld [tilespmem:s25+$0xFFFFFF70];
	v37 =	vmin.f32 v28, $0.0e+00  }
0x166: {  	[tilespmem:v48+s15+$0x0] =	vst.idx.add.f32.msk $0xffff, v24;
	v24 =	vmax.f32 v28, $0.0e+00;
	v28 =	vmul.f32 $9.999999770e-03, v37;
	v23 =	vmul.f32 $1.442695020e+00, v23  }
0x167: {  	v55 =	vadd.s32 v58, v26;
	v60 =	vmul.f32 v44, v42;
	[tilespmem:v54+s15+$0x0] =	vst.idx.add.f32.msk $0xffff, v31;
	v31 =	vmul.f32 $9.999999770e-03, v40  }
0x168: {  	v42 =	vld.idx.msk [tilespmem:v19+s30+$0xFFFFFEE0], $0xffff;
	v24 =	vadd.f32 v28, v24;
	(erf) = vpow2.f32 v23;
	v23 =	vmax.f32 v0, $0.0e+00  }
0x169: {  	v37 =	vmul.f32 $9.999999770e-03, v41;
	v23 =	vadd.f32 v31, v23;
	v31 =	vld [tilespmem:s30+$0xFFFFFF40]  }
0x16a: {  	v44 =	vld.idx.msk [tilespmem:v19+s30+$0xFFFFFF70], $0xffff;
	v28 =	vmax.f32 v3, $0.0e+00;
	v24 =	vmul.f32 $1.442695020e+00, v24  }
0x16b: {  	v45 =	vld [tilespmem:s30+$0xFFFFFFD0];
	v43 =	vadd.s32 v59, v25;
	v28 =	vadd.f32 v37, v28;
	v23 =	vmul.f32 $1.442695020e+00, v23  }
0x16c: {  	[tilespmem:v55+s15+$0x0] =	vst.idx.add.f32.msk $0xffff, v60;
	(erf) = vpow2.f32 v24  }
0x16d: {  	v28 =	vmul.f32 $1.442695020e+00, v28;
	v24 =	vld.idx.msk [tilespmem:v19+s30+$0x90], $0xffff;
	(erf) = vpow2.f32 v23  }
0x16e: {  	v23 =	vld [tilespmem:s30+$0xF0];
	v31 =	vmul.f32 v31, v42  }
0x16f: {  	v55 =	vld [tilespmem:s25+$0x0];
	(erf) = vpow2.f32 v28;
	v28 =	vadd.s32 v59, v27  }
0x170: {  	v46 =	vadd.s32 v59, v26;
	[tilespmem:v43+s15+$0x0] =	vst.idx.add.f32.msk $0xffff, v31  }
0x171: {  	v0 =	vimm.s32 $0x87;
	v31 =	vld [tilespmem:s25+$0x90];
	v40 =	vpop (erf)  }
0x172: {  	v48 =	vmul.u32 $0x90, v30;
	v47 =	vmul.f32 v45, v44;
	v30 =	vld.idx.msk [tilespmem:v53+s30+$0xFFFFFEE0], $0xffff;
	[tilespmem:s25+$0x80] =	vst v40  }
0x173: {  	v23 =	vmul.f32 v23, v24;
	v54 =	vld.idx.msk [tilespmem:v1+s25+$0x0], $0xffff  }
0x174: {  	[tilespmem:v28+s15+$0x0] =	vst.idx.add.f32.msk $0xffff, v47  }
0x175: {  	v41 =	vpop (erf);
	[tilespmem:v46+s15+$0x0] =	vst.idx.add.f32.msk $0xffff, v23  }
0x176: {  	v28 =	vor.u32 v14, v48;
	[tilespmem:s25+$0xFFFFFF60] =	vst v41;
	v53 =	vld.idx.msk [tilespmem:v0+s30+$0xFFFFFF70], $0xffff;
	v24 =	vpop (erf)  }
0x177: {  	v29 =	vmul.u32 $0x90, v29;
	v32 =	vld.idx.msk [tilespmem:v1+s25+$0xFFFFFEE0], $0xffff;
	[tilespmem:s25+$0xFFFFFFF0] =	vst v24  }
0x178: {  	v23 =	vpop (erf);
	v60 =	vld.idx.msk [tilespmem:v1+s25+$0xFFFFFF70], $0xffff  }
0x179: {  	v49 =	vmul.u32 $0x90, v34;
	v46 =	vor.u32 v14, v29;
	v37 =	vmul.f32 v55, v54;
	[tilespmem:s25+$0x110] =	vst v23;
	v54 =	vld [tilespmem:s30+$0xFFFFFF50]  }
0x17a: {  	v51 =	vmul.u32 $0x90, v35;
	v45 =	vld.idx.msk [tilespmem:v1+s25+$0x90], $0xffff  }
0x17b: {  	[tilespmem:v28+s15+$0x0] =	vst.idx.add.f32.msk $0xffff, v37;
	v28 =	vor.u32 v14, v49  }
0x17c: {  	v47 =	vor.u32 v14, v51;
	v32 =	vmul.f32 v36, v32;
	v37 =	vld.idx.msk [tilespmem:v2+s25+$0x0], $0xffff  }
0x17d: {  	v50 =	vld [tilespmem:s25+$0x10]  }
0x17e: {  	[tilespmem:v46+s15+$0x0] =	vst.idx.add.f32.msk $0xffff, v32;
	v33 =	vmul.f32 v33, v60  }
0x17f: {  	v55 =	vadd.s32 v15, v48;
	v34 =	vld [tilespmem:s25+$0xFFFFFEF0];
	v31 =	vmul.f32 v31, v45  }
0x180: {  	[tilespmem:v28+s15+$0x0] =	vst.idx.add.f32.msk $0xffff, v33  }
0x181: {  	[tilespmem:v47+s15+$0x0] =	vst.idx.add.f32.msk $0xffff, v31  }
0x182: {  	v28 =	vmul.f32 v50, v37;
	v33 =	vld.idx.msk [tilespmem:v2+s25+$0xFFFFFF70], $0xffff  }
0x183: {  	v3 =	vld [tilespmem:s25+$0xFFFFFF80]  }
0x184: {  	[tilespmem:v55+s15+$0x0] =	vst.idx.add.f32.msk $0xffff, v28  }
0x185: {  	v28 =	vld.idx.msk [tilespmem:v61+s25+$0x0], $0xffff  }
0x186: {  	v50 =	vadd.s32 v15, v49;
	v60 =	vld [tilespmem:s25+$0x20]  }
0x187: {  	v31 =	vld.idx.msk [tilespmem:v2+s25+$0xFFFFFEE0], $0xffff  }
0x188: {  	v1 =	vadd.s32 v10, v48;
	v45 =	vld.idx.msk [tilespmem:v2+s25+$0x90], $0xffff  }
0x189: {  	v47 =	vld [tilespmem:s25+$0xA0];
	v33 =	vmul.f32 v3, v33  }
0x18a: {  	v55 =	vld [tilespmem:s30+$0xFFFFFFE0]  }
0x18b: {  	v46 =	vadd.s32 v15, v29;
	[tilespmem:v50+s15+$0x0] =	vst.idx.add.f32.msk $0xffff, v33;
	v28 =	vmul.f32 v60, v28  }
0x18c: {  	v33 =	vld.idx.msk [tilespmem:v61+s25+$0xFFFFFF70], $0xffff  }
0x18d: {  	v60 =	vadd.s32 v15, v51;
	[tilespmem:v1+s15+$0x0] =	vst.idx.add.f32.msk $0xffff, v28  }
0x18e: {  	v28 =	vmul.f32 v34, v31;
	v31 =	vld.idx.msk [tilespmem:v62+s25+$0x0], $0xffff  }
0x18f: {  	v1 =	vld [tilespmem:s25+$0x30]  }
0x190: {  	[tilespmem:v46+s15+$0x0] =	vst.idx.add.f32.msk $0xffff, v28;
	v28 =	vmul.f32 v47, v45  }
0x191: {  	v2 =	vadd.s32 v52, v48;
	v3 =	vld [tilespmem:s25+$0xFFFFFF00]  }
0x192: {  	[tilespmem:v60+s15+$0x0] =	vst.idx.add.f32.msk $0xffff, v28  }
0x193: {  	v44 =	vld.idx.msk [tilespmem:v61+s25+$0x90], $0xffff  }
0x194: {  	v45 =	vld [tilespmem:s25+$0xB0];
	v31 =	vmul.f32 v1, v31  }
0x195: {  	v28 =	vld.idx.msk [tilespmem:v61+s25+$0xFFFFFEE0], $0xffff  }
0x196: {  	v46 =	vadd.s32 v10, v51;
	[tilespmem:v2+s15+$0x0] =	vst.idx.add.f32.msk $0xffff, v31  }
0x197: {  	v31 =	vadd.s32 v10, v29;
	v32 =	vld.idx.msk [tilespmem:v63+s25+$0x0], $0xffff  }
0x198: {  	v35 =	vld [tilespmem:s25+$0x40]  }
0x199: {  	v42 =	vld [tilespmem:s25+$0xFFFFFF90];
	v50 =	vmul.f32 v45, v44  }
0x19a: {  	v43 =	vadd.s32 v11, v48;
	v28 =	vmul.f32 v3, v28;
	v3 =	vld [tilespmem:s30+$0x100]  }
0x19b: {  	[tilespmem:v46+s15+$0x0] =	vst.idx.add.f32.msk $0xffff, v50  }
0x19c: {  	[tilespmem:v31+s15+$0x0] =	vst.idx.add.f32.msk $0xffff, v28  }
0x19d: {  	v39 =	vld.idx.msk [tilespmem:v62+s25+$0xFFFFFEE0], $0xffff;
	v31 =	vmul.f32 v35, v32  }
0x19e: {  	v28 =	vadd.s32 v10, v49;
	v35 =	vld [tilespmem:s25+$0xFFFFFF10]  }
0x19f: {  	[tilespmem:v43+s15+$0x0] =	vst.idx.add.f32.msk $0xffff, v31  }
0x1a0: {  	v47 =	vld.idx.msk [tilespmem:v12+s25+$0x0], $0xffff  }
0x1a1: {  	v31 =	vmul.f32 v42, v33;
	v60 =	vld [tilespmem:s25+$0x50]  }
0x1a2: {  	v50 =	vadd.s32 v52, v29;
	v36 =	vld.idx.msk [tilespmem:v62+s25+$0x90], $0xffff  }
0x1a3: {  	[tilespmem:v28+s15+$0x0] =	vst.idx.add.f32.msk $0xffff, v31;
	v28 =	vadd.s32 v58, v48  }
0x1a4: {  	v38 =	vld [tilespmem:s25+$0xC0]  }
0x1a5: {  	v34 =	vld.idx.msk [tilespmem:v62+s25+$0xFFFFFF70], $0xffff;
	v35 =	vmul.f32 v35, v39  }
0x1a6: {  	v61 =	vld [tilespmem:s25+$0xFFFFFFA0];
	v31 =	vmul.f32 v60, v47  }
0x1a7: {  	v37 =	vadd.s32 v58, v29;
	[tilespmem:v50+s15+$0x0] =	vst.idx.add.f32.msk $0xffff, v35  }
0x1a8: {  	v1 =	vmov v56;
	v44 =	vadd.s32 v11, v29;
	[tilespmem:v28+s15+$0x0] =	vst.idx.add.f32.msk $0xffff, v31;
	v28 =	vadd.s32 v52, v49  }
0x1a9: {  	v46 =	vadd.s32 v1, v29;
	v32 =	vadd.s32 v56, v27;
	v27 =	vadd.s32 v57, v27;
	v45 =	vld.idx.msk [tilespmem:v19+s25+$0x0], $0xffff  }
0x1aa: {  	v18 =	vmovc v52;
	v33 =	vadd.s32 v57, v25;
	v42 =	vadd.s32 v11, v49;
	v60 =	vadd.s32 v52, v51;
	v62 =	vld [tilespmem:s25+$0x60]  }
0x1ab: {  	v43 =	vadd.s32 v11, v51;
	v39 =	vadd.s32 v58, v51;
	v50 =	vld.idx.msk [tilespmem:v63+s25+$0xFFFFFEE0], $0xffff;
	v34 =	vmul.f32 v61, v34  }
0x1ac: {  	v31 =	vadd.s32 v56, v25;
	v25 =	vadd.s32 v56, v26;
	v56 =	vld.idx.msk [tilespmem:v0+s30+$0x90], $0xffff;
	v61 =	vadd.s32 v59, v48  }
0x1ad: {  	v2 =	vmov v57;
	v35 =	vadd.s32 v59, v49;
	[tilespmem:v28+s15+$0x0] =	vst.idx.add.f32.msk $0xffff, v34;
	v28 =	vmul.f32 v38, v36  }
0x1ae: {  	v47 =	vadd.s32 v2, v29;
	v26 =	vadd.s32 v57, v26;
	v38 =	vadd.s32 v58, v49;
	v52 =	vld.idx.msk [tilespmem:v63+s25+$0xFFFFFF70], $0xffff  }
0x1af: {  	v34 =	vadd.s32 v59, v29;
	v62 =	vmul.f32 v62, v45;
	[tilespmem:v60+s15+$0x0] =	vst.idx.add.f32.msk $0xffff, v28  }
0x1b0: {  	v20 =	vmovc v59;
	v36 =	vadd.s32 v59, v51;
	v59 =	vmul.f32 v54, v30;
	v60 =	vmul.f32 v55, v53;
	v53 =	vld [tilespmem:s25+$0xFFFFFF20]  }
0x1b1: {  	v19 =	vmov v58;
	v30 =	vadd.s32 v1, v51;
	v29 =	vadd.s32 v2, v51;
	[tilespmem:v61+s15+$0x0] =	vst.idx.add.f32.msk $0xffff, v62  }
0x1b2: {  	s26 =	simm.s32 $0xA1A0;
	s28 =	simm.s32 $0x4;
	v45 =	vadd.s32 v1, v49;
	v28 =	vadd.s32 v2, v49;
	v49 =	vmul.f32 v3, v56;
	v51 =	vld.idx.msk [tilespmem:v0+s25+$0x0], $0xffff  }
.LBB2_10:
0x1b3: {  	v54 =	vld [tilespmem:s25+$0x70]  }
0x1b4: {  	v55 =	vld [tilespmem:s25+$0xFFFFFFB0]  }
0x1b5: {  	s29 =	sadd.s32 s28, s23;
	v16 =	vld [tilespmem:$0x1FFE0]  }
0x1b6: {  	v61 =	vld.idx.msk [tilespmem:v63+s25+$0x90], $0xffff;
	s30 =	sadd.s32 $0x4, s29  }
0x1b7: {  	v22 =	vld [tilespmem:$0x1FFF0];
	v56 =	vmov s30  }
0x1b8: {  	v63 =	vld [tilespmem:s25+$0xD0];
	s31 =	sadd.s32 $0x6, s29;
	s30 =	sadd.s32 $0x5, s29;
	s29 =	sadd.s32 $0x7, s29;
	v56 =	vand.u32 $0xFFFFFFFC, v56  }
0x1b9: {  	[tilespmem:v31+s15+$0x0] =	vst.idx.add.f32.msk $0xffff, v59;
	v31 =	vmov v46;
	v46 =	vbroadcast v56, $0x0;
	v56 =	vmov s29  }
0x1ba: {  	[tilespmem:v32+s15+$0x0] =	vst.idx.add.f32.msk $0xffff, v60;
	v3 =	vmul.f32 v53, v50;
	v58 =	vadd.s32 v16, v48  }
0x1bb: {  	v62 =	vmov s30;
	[tilespmem:v33+s15+$0x0] =	vst.idx.add.f32.msk $0xffff, v7  }
0x1bc: {  	v57 =	vmov s31;
	v62 =	vand.u32 $0xFFFFFFFD, v62;
	[tilespmem:v44+s15+$0x0] =	vst.idx.add.f32.msk $0xffff, v3  }
0x1bd: {  	v32 =	vmovc v45;
	v48 =	vadd.s32 v22, v48;
	v51 =	vmul.f32 v54, v51;
	v2 =	vbroadcast v62, $0x0;
	v45 =	vld.idx.msk [tilespmem:v12+s25+$0xFFFFFEE0], $0xffff  }
0x1be: {  	v57 =	vand.u32 $0xFFFFFFFE, v57;
	v53 =	vld.idx.msk [tilespmem:v56+s14+$0x0], $0xffff  }
0x1bf: {  	v57 =	vbroadcast v57, $0x0;
	[tilespmem:v58+s15+$0x0] =	vst.idx.add.f32.msk $0xffff, v51  }
0x1c0: {  	v44 =	vld.idx.msk [tilespmem:v46+s14+$0x0], $0xffff  }
0x1c1: {  	v46 =	vld [tilespmem:s25+$0xFFFFFF30]  }
0x1c2: {  	v50 =	vmul.f32 v55, v52;
	[tilespmem:v48+s15+$0x0] =	vst.idx.add.f32.msk $0xffff, v40  }
0x1c3: {  	v52 =	vld.idx.msk [tilespmem:v2+s14+$0x0], $0xffff  }
0x1c4: {  	v51 =	vmul.f32 v63, v61;
	[tilespmem:v42+s15+$0x0] =	vst.idx.add.f32.msk $0xffff, v50  }
0x1c5: {  	v0 =	vmov v41;
	v41 =	vld.idx.msk [tilespmem:v57+s14+$0x0], $0xffff  }
0x1c6: {  	[tilespmem:v43+s15+$0x0] =	vst.idx.add.f32.msk $0xffff, v51  }
0x1c7: {  	[tilespmem:$0x1FF80] =	vst v0;
	v0 =	vld.idx.msk [tilespmem:v12+s25+$0x90], $0xffff  }
0x1c8: {  	v4 =	vld [tilespmem:s25+$0xE0];
	v58 =	vshll.u32 v53, $0x4  }
0x1c9: {  	v59 =	vld.idx.msk [tilespmem:v12+s25+$0xFFFFFF70], $0xffff;
	v55 =	vshll.u32 v44, $0x4;
	v2 =	vor.u32 v14, v58  }
0x1ca: {  	v33 =	vmov v47;
	v47 =	vld [tilespmem:s25+$0xFFFFFFC0];
	s25 =	sadd.s32 $0x240, s25;
	v42 =	vor.u32 v14, v55;
	v57 =	vshll.u32 v52, $0x4  }
0x1cb: {  	v5 =	vld [tilespmem:s25+$0x80];
	v48 =	vmul.u32 $0x90, v44;
	v43 =	vor.u32 v14, v57  }
0x1cc: {  	v1 =	vmul.u32 $0x90, v53;
	v8 =	vld [tilespmem:s25+$0xFFFFFFF0];
	v63 =	vmul.u32 $0x90, v52;
	v54 =	vshll.u32 v41, $0x4  }
0x1cd: {  	v61 =	vor.u32 v14, v48;
	v40 =	vor.u32 v14, v54;
	v0 =	vmul.f32 v4, v0;
	v4 =	vld [tilespmem:s25+$0xFFFFFF60]  }
0x1ce: {  	v57 =	vadd.s32 v15, v48;
	v55 =	vadd.s32 v10, v48;
	v51 =	vadd.s32 v18, v48;
	v2 =	vld.idx.msk [tilespmem:v2+s9+$0x0], $0xffff  }
0x1cf: {  	v44 =	vadd.s32 v11, v48;
	v59 =	vmul.f32 v47, v59;
	v13 =	vadd.s32 v19, v48;
	v7 =	vld.idx.msk [tilespmem:v42+s9+$0x0], $0xffff  }
0x1d0: {  	v21 =	vadd.s32 v20, v48;
	v47 =	vadd.s32 v22, v48;
	v42 =	vadd.s32 v11, v63;
	v9 =	vld.idx.msk [tilespmem:v43+s9+$0x0], $0xffff  }
0x1d1: {  	v43 =	vadd.s32 v11, v1;
	v11 =	vmul.f32 v46, v45;
	v46 =	vadd.s32 v16, v48;
	v48 =	vld [tilespmem:s25+$0x110]  }
0x1d2: {  	v62 =	vor.u32 v14, v1;
	v40 =	vld.idx.msk [tilespmem:v40+s9+$0x0], $0xffff  }
0x1d3: {  	v58 =	vadd.s32 v15, v1;
	v60 =	vor.u32 v14, v63;
	v56 =	vadd.s32 v15, v63  }
0x1d4: {  	v53 =	vadd.s32 v10, v63;
	v14 =	vadd.s32 v16, v1;
	v45 =	vadd.s32 v16, v63;
	v16 =	vld [tilespmem:s25+$0xFFFFFF70]  }
0x1d5: {  	v50 =	vadd.s32 v18, v63;
	v15 =	vadd.s32 v19, v63;
	[tilespmem:v38+s15+$0x0] =	vst.idx.add.f32.msk $0xffff, v59  }
0x1d6: {  	v3 =	vadd.s32 v20, v63;
	v4 =	vadd.f32 v4, v7;
	v7 =	vld [tilespmem:s25+$0x90];
	v8 =	vadd.f32 v8, v9  }
0x1d7: {  	v2 =	vadd.f32 v48, v2;
	v5 =	vadd.f32 v5, v40;
	v40 =	vadd.s32 v22, v63;
	v63 =	vld [tilespmem:s25+$0xFFFFFEE0]  }
0x1d8: {  	v6 =	vadd.s32 v19, v1;
	[tilespmem:v37+s15+$0x0] =	vst.idx.add.f32.msk $0xffff, v11;
	v37 =	vmovc v13;
	v13 =	vimm.s32 $0x86;
	v11 =	vmin.f32 v8, $0.0e+00  }
0x1d9: {  	[tilespmem:v39+s15+$0x0] =	vst.idx.add.f32.msk $0xffff, v0;
	v39 =	vmovc v6;
	v59 =	vmax.f32 v8, $0.0e+00;
	v8 =	vmin.f32 v2, $0.0e+00;
	v6 =	vmul.f32 $9.999999770e-03, v11  }
0x1da: {  	v9 =	vmax.f32 v4, $0.0e+00;
	v4 =	vmin.f32 v4, $0.0e+00;
	v8 =	vmul.f32 $9.999999770e-03, v8  }
0x1db: {  	v2 =	vmax.f32 v2, $0.0e+00;
	v12 =	vmin.f32 v5, $0.0e+00;
	v0 =	vadd.f32 v6, v59;
	v6 =	vld [tilespmem:s26+$0xFFFFFF40]  }
0x1dc: {  	v4 =	vmul.f32 $9.999999770e-03, v4;
	v12 =	vmul.f32 $9.999999770e-03, v12;
	v2 =	vadd.f32 v8, v2;
	v8 =	vld [tilespmem:s26+$0xFFFFFFD0]  }
0x1dd: {  	v5 =	vmax.f32 v5, $0.0e+00;
	v11 =	vld.idx.msk [tilespmem:v13+s26+$0xFFFFFEE0], $0xffff  }
0x1de: {  	v4 =	vadd.f32 v4, v9;
	v5 =	vadd.f32 v12, v5;
	v9 =	vld.idx.msk [tilespmem:v13+s26+$0x90], $0xffff  }
0x1df: {  	v12 =	vld [tilespmem:s26+$0xF0]  }
0x1e0: {  	[tilespmem:v25+s15+$0x0] =	vst.idx.add.f32.msk $0xffff, v49;
	v5 =	vmul.f32 $1.442695020e+00, v5  }
0x1e1: {  	v4 =	vmul.f32 $1.442695020e+00, v4;
	[tilespmem:v26+s15+$0x0] =	vst.idx.add.f32.msk $0xffff, v17  }
0x1e2: {  	v0 =	vmul.f32 $1.442695020e+00, v0;
	(erf) = vpow2.f32 v5;
	v5 =	vld.idx.msk [tilespmem:v13+s26+$0xFFFFFF70], $0xffff  }
0x1e3: {  	(erf) = vpow2.f32 v4;
	v4 =	vld [tilespmem:$0x1FF90];
	v48 =	vmul.f32 v6, v11  }
0x1e4: {  	v2 =	vmul.f32 $1.442695020e+00, v2;
	v11 =	vld [tilespmem:$0x1FFC0];
	v59 =	vmul.f32 v12, v9  }
0x1e5: {  	v54 =	vadd.s32 v10, v1;
	(erf) = vpow2.f32 v0;
	[tilespmem:v34+s15+$0x0] =	vst.idx.add.f32.msk $0xffff, v48  }
0x1e6: {  	v10 =	vadd.s32 v20, v1;
	(erf) = vpow2.f32 v2;
	v34 =	vmovc v21;
	v21 =	vimm.s32 $0x87;
	[tilespmem:v36+s15+$0x0] =	vst.idx.add.f32.msk $0xffff, v59  }
0x1e7: {  	v36 =	vmov v10;
	v10 =	vld [tilespmem:$0x1FFB0];
	v49 =	vmul.f32 v8, v5  }
0x1e8: {  	v38 =	vmov v15;
	v15 =	vimm.s32 $0x80;
	[tilespmem:v27+s15+$0x0] =	vst.idx.add.f32.msk $0xffff, v4  }
0x1e9: {  	[tilespmem:v35+s15+$0x0] =	vst.idx.add.f32.msk $0xffff, v49  }
0x1ea: {  	v52 =	vadd.s32 v18, v1;
	v1 =	vadd.s32 v22, v1;
	v26 =	vmovc v29;
	v4 =	vmovc v24;
	v35 =	vmov v3;
	v3 =	vld [tilespmem:s25+$0x0]  }
0x1eb: {  	v29 =	vmov v1;
	v27 =	vmov v28;
	v28 =	vmov v40;
	[tilespmem:$0x1FF90] =	vst v4;
	v1 =	vld.idx.msk [tilespmem:v21+s26+$0xFFFFFEE0], $0xffff;
	v40 =	vpop (erf)  }
0x1ec: {  	v48 =	vmul.u32 $0x90, v41;
	v4 =	vld.idx.msk [tilespmem:v21+s26+$0xFFFFFF70], $0xffff;
	[tilespmem:s25+$0x80] =	vst v40;
	v41 =	vpop (erf)  }
0x1ed: {  	v2 =	vld.idx.msk [tilespmem:v15+s25+$0x0], $0xffff;
	[tilespmem:s25+$0xFFFFFF60] =	vst v41  }
0x1ee: {  	v25 =	vmov v30;
	v30 =	vmov v14;
	v14 =	vlaneseq.u32;
	v24 =	vpop (erf);
	v5 =	vld [tilespmem:s26+$0xFFFFFF50]  }
0x1ef: {  	v17 =	vmov v23;
	v59 =	vor.u32 v14, v48;
	v6 =	vld.idx.msk [tilespmem:v15+s25+$0xFFFFFEE0], $0xffff;
	[tilespmem:s25+$0xFFFFFFF0] =	vst v24;
	v23 =	vpop (erf)  }
0x1f0: {  	v22 =	vimm.s32 $0x81;
	v8 =	vld.idx.msk [tilespmem:v15+s25+$0xFFFFFF70], $0xffff;
	[tilespmem:s25+$0x110] =	vst v23  }
0x1f1: {  	v9 =	vld.idx.msk [tilespmem:v21+s26+$0x90], $0xffff  }
0x1f2: {  	v2 =	vmul.f32 v3, v2;
	v3 =	vld.idx.msk [tilespmem:v15+s25+$0x90], $0xffff  }
0x1f3: {  	v15 =	vld [tilespmem:$0x1FFA0]  }
0x1f4: {  	[tilespmem:v59+s15+$0x0] =	vst.idx.add.f32.msk $0xffff, v2  }
0x1f5: {  	v0 =	vld.idx.msk [tilespmem:v22+s25+$0x0], $0xffff  }
0x1f6: {  	v49 =	vmul.f32 v63, v6;
	v59 =	vmul.f32 v5, v1;
	v1 =	vld [tilespmem:s25+$0x10]  }
0x1f7: {  	v5 =	vld [tilespmem:s26+$0xFFFFFFE0];
	v6 =	vmul.f32 v16, v8  }
0x1f8: {  	[tilespmem:v61+s15+$0x0] =	vst.idx.add.f32.msk $0xffff, v49;
	v8 =	vadd.s32 v15, v48  }
0x1f9: {  	v61 =	vimm.s32 $0x82;
	[tilespmem:v60+s15+$0x0] =	vst.idx.add.f32.msk $0xffff, v6;
	v49 =	vmul.f32 v7, v3  }
0x1fa: {  	v6 =	vld [tilespmem:s25+$0xFFFFFF80]  }
0x1fb: {  	[tilespmem:v62+s15+$0x0] =	vst.idx.add.f32.msk $0xffff, v49;
	v0 =	vmul.f32 v1, v0  }
0x1fc: {  	v49 =	vld.idx.msk [tilespmem:v22+s25+$0xFFFFFF70], $0xffff  }
0x1fd: {  	[tilespmem:v8+s15+$0x0] =	vst.idx.add.f32.msk $0xffff, v0  }
0x1fe: {  	v0 =	vld.idx.msk [tilespmem:v61+s25+$0x0], $0xffff  }
0x1ff: {  	v2 =	vld [tilespmem:s25+$0x20]  }
0x200: {  	v60 =	vmul.f32 v5, v4;
	v4 =	vld [tilespmem:s25+$0xFFFFFEF0]  }
0x201: {  	v5 =	vadd.s32 v10, v48;
	v1 =	vld.idx.msk [tilespmem:v22+s25+$0xFFFFFEE0], $0xffff  }
0x202: {  	v62 =	vimm.s32 $0x83;
	v7 =	vld.idx.msk [tilespmem:v22+s25+$0x90], $0xffff;
	v49 =	vmul.f32 v6, v49  }
0x203: {  	v8 =	vld [tilespmem:s26+$0x100]  }
0x204: {  	[tilespmem:v56+s15+$0x0] =	vst.idx.add.f32.msk $0xffff, v49;
	v0 =	vmul.f32 v2, v0  }
0x205: {  	v2 =	vld [tilespmem:s25+$0xA0]  }
0x206: {  	[tilespmem:v5+s15+$0x0] =	vst.idx.add.f32.msk $0xffff, v0  }
0x207: {  	v1 =	vmul.f32 v4, v1;
	v3 =	vld.idx.msk [tilespmem:v62+s25+$0x0], $0xffff  }
0x208: {  	v4 =	vld [tilespmem:s25+$0x30]  }
0x209: {  	[tilespmem:v57+s15+$0x0] =	vst.idx.add.f32.msk $0xffff, v1  }
0x20a: {  	v56 =	vld.idx.msk [tilespmem:v61+s25+$0xFFFFFEE0], $0xffff;
	v0 =	vadd.s32 v18, v48;
	v57 =	vmul.f32 v2, v7  }
0x20b: {  	v63 =	vimm.s32 $0x84;
	v5 =	vld [tilespmem:s25+$0xFFFFFF90]  }
0x20c: {  	[tilespmem:v58+s15+$0x0] =	vst.idx.add.f32.msk $0xffff, v57  }
0x20d: {  	v57 =	vld.idx.msk [tilespmem:v61+s25+$0xFFFFFF70], $0xffff;
	v3 =	vmul.f32 v4, v3  }
0x20e: {  	v4 =	vld [tilespmem:s25+$0xFFFFFF00]  }
0x20f: {  	[tilespmem:v0+s15+$0x0] =	vst.idx.add.f32.msk $0xffff, v3  }
0x210: {  	v0 =	vld.idx.msk [tilespmem:v63+s25+$0x0], $0xffff  }
0x211: {  	v3 =	vld [tilespmem:s25+$0x40]  }
0x212: {  	v6 =	vld.idx.msk [tilespmem:v61+s25+$0x90], $0xffff;
	v2 =	vmul.f32 v5, v57  }
0x213: {  	v7 =	vld [tilespmem:s25+$0xB0];
	v1 =	vmul.f32 v4, v56;
	v4 =	vadd.s32 v11, v48  }
0x214: {  	v12 =	vimm.s32 $0x85;
	[tilespmem:v53+s15+$0x0] =	vst.idx.add.f32.msk $0xffff, v2  }
0x215: {  	[tilespmem:v55+s15+$0x0] =	vst.idx.add.f32.msk $0xffff, v1  }
0x216: {  	v1 =	vld.idx.msk [tilespmem:v62+s25+$0xFFFFFEE0], $0xffff;
	v0 =	vmul.f32 v3, v0  }
0x217: {  	v58 =	vld [tilespmem:s25+$0xFFFFFF10]  }
0x218: {  	[tilespmem:v4+s15+$0x0] =	vst.idx.add.f32.msk $0xffff, v0  }
0x219: {  	v0 =	vld.idx.msk [tilespmem:v12+s25+$0x0], $0xffff  }
0x21a: {  	v4 =	vmul.f32 v7, v6;
	v5 =	vld [tilespmem:s25+$0x50]  }
0x21b: {  	v7 =	vld [tilespmem:$0x1FF80]  }
0x21c: {  	v53 =	vadd.s32 v19, v48;
	[tilespmem:v54+s15+$0x0] =	vst.idx.add.f32.msk $0xffff, v4  }
0x21d: {  	v54 =	vld.idx.msk [tilespmem:v62+s25+$0xFFFFFF70], $0xffff  }
0x21e: {  	v4 =	vld [tilespmem:s25+$0xFFFFFFA0]  }
0x21f: {  	v6 =	vld [tilespmem:s25+$0xC0];
	v0 =	vmul.f32 v5, v0  }
0x220: {  	v5 =	vld.idx.msk [tilespmem:v62+s25+$0x90], $0xffff  }
0x221: {  	[tilespmem:v53+s15+$0x0] =	vst.idx.add.f32.msk $0xffff, v0  }
0x222: {  	v1 =	vmul.f32 v58, v1;
	v0 =	vld.idx.msk [tilespmem:v13+s25+$0x0], $0xffff  }
0x223: {  	v56 =	vld [tilespmem:s25+$0x60]  }
0x224: {  	[tilespmem:v51+s15+$0x0] =	vst.idx.add.f32.msk $0xffff, v1;
	v55 =	vmul.f32 v4, v54  }
0x225: {  	s28 =	sadd.s32 $0x4, s28;
	v57 =	vadd.s32 v20, v48;
	v53 =	vld [tilespmem:s25+$0xFFFFFF20]  }
0x226: {  	p1 =	slt.u32 s28, $0x6C;
	[tilespmem:v50+s15+$0x0] =	vst.idx.add.f32.msk $0xffff, v55;
	v58 =	vmul.f32 v6, v5  }
.Ltmp8:
0x227: {  	v50 =	vld.idx.msk [tilespmem:v63+s25+$0xFFFFFEE0], $0xffff;
	(pc) =	sbr.rel @p1 .LBB2_10-.Ltmp8, $4  }
0x228: {  	[tilespmem:v52+s15+$0x0] =	vst.idx.add.f32.msk $0xffff, v58;
	v0 =	vmul.f32 v56, v0  }
0x229: {  	v52 =	vld.idx.msk [tilespmem:v63+s25+$0xFFFFFF70], $0xffff  }
0x22a: {  	[tilespmem:v57+s15+$0x0] =	vst.idx.add.f32.msk $0xffff, v0  }
0x22b: {  	v16 =	vimm.s32 $0x81;
	s26 =	smov.u32 s25;
	v49 =	vmul.f32 v8, v9;
	v51 =	vld.idx.msk [tilespmem:v21+s25+$0x0], $0xffff  }
0x22c: {  	_ =	sdelay $0x2  }
0x22d: {  	v0 =	vld [tilespmem:s25+$0xFFFFFFB0]  }
0x22e: {  	v1 =	vld.idx.msk [tilespmem:v63+s25+$0x90], $0xffff  }
0x22f: {  	v2 =	vld [tilespmem:s25+$0xD0]  }
0x230: {  	v3 =	vmul.f32 v53, v50;
	_ =	sdelay $0x1  }
0x231: {  	[tilespmem:v44+s15+$0x0] =	vst.idx.add.f32.msk $0xffff, v3  }
0x232: {  	v57 =	vld.idx.msk [tilespmem:v12+s25+$0xFFFFFEE0], $0xffff;
	v0 =	vmul.f32 v0, v52  }
0x233: {  	v21 =	vld [tilespmem:s25+$0xFFFFFF30];
	v1 =	vmul.f32 v2, v1  }
0x234: {  	[tilespmem:v42+s15+$0x0] =	vst.idx.add.f32.msk $0xffff, v0  }
0x235: {  	[tilespmem:v43+s15+$0x0] =	vst.idx.add.f32.msk $0xffff, v1  }
0x236: {  	v58 =	vld.idx.msk [tilespmem:v12+s25+$0xFFFFFF70], $0xffff  }
0x237: {  	v22 =	vld [tilespmem:s25+$0xFFFFFFC0]  }
0x238: {  	v4 =	vld.idx.msk [tilespmem:v12+s25+$0x90], $0xffff  }
0x239: {  	v5 =	vld [tilespmem:s25+$0xE0];
	_ =	sdelay $0x1  }
0x23a: {  	[tilespmem:v31+s15+$0x0] =	vst.idx.add.f32.msk $0xffff, v59  }
0x23b: {  	[tilespmem:v32+s15+$0x0] =	vst.idx.add.f32.msk $0xffff, v60;
	v0 =	vmul.f32 v21, v57  }
0x23c: {  	[tilespmem:v33+s15+$0x0] =	vst.idx.add.f32.msk $0xffff, v7;
	v1 =	vmul.f32 v22, v58  }
0x23d: {  	[tilespmem:v37+s15+$0x0] =	vst.idx.add.f32.msk $0xffff, v0;
	v33 =	vmul.f32 v5, v4  }
0x23e: {  	[tilespmem:v38+s15+$0x0] =	vst.idx.add.f32.msk $0xffff, v1  }
0x23f: {  	v37 =	vimm.s32 $0x86;
	[tilespmem:v39+s15+$0x0] =	vst.idx.add.f32.msk $0xffff, v33  }
0x240: {  	v56 =	vld [tilespmem:$0x1FFE0]  }
0x241: {  	v57 =	vld [tilespmem:$0x1FFF0]  }
0x242: {  	v6 =	vld [tilespmem:s25+$0x70]  }
0x243: {  	v43 =	vld [tilespmem:s26+$0xFFFFFF40]  }
0x244: {  	v0 =	vld.idx.msk [tilespmem:v37+s26+$0xFFFFFEE0], $0xffff  }
0x245: {  	v39 =	vld.idx.msk [tilespmem:v37+s26+$0xFFFFFF70], $0xffff;
	v38 =	vadd.s32 v56, v48  }
0x246: {  	v44 =	vld [tilespmem:s26+$0xFFFFFFD0];
	v42 =	vadd.s32 v57, v48  }
0x247: {  	v7 =	vld.idx.msk [tilespmem:v37+s26+$0x90], $0xffff  }
0x248: {  	v6 =	vmul.f32 v6, v51;
	v8 =	vld [tilespmem:s26+$0xF0];
	_ =	sdelay $0x1  }
0x249: {  	[tilespmem:v38+s15+$0x0] =	vst.idx.add.f32.msk $0xffff, v6  }
0x24a: {  	v51 =	vimm.s32 $0x87;
	v0 =	vmul.f32 v43, v0;
	[tilespmem:v42+s15+$0x0] =	vst.idx.add.f32.msk $0xffff, v40  }
0x24b: {  	v48 =	vmul.f32 v44, v39;
	v1 =	vld [tilespmem:$0x1FF90]  }
0x24c: {  	v50 =	vmul.f32 v8, v7;
	[tilespmem:v34+s15+$0x0] =	vst.idx.add.f32.msk $0xffff, v0  }
0x24d: {  	[tilespmem:v35+s15+$0x0] =	vst.idx.add.f32.msk $0xffff, v48  }
0x24e: {  	[tilespmem:v36+s15+$0x0] =	vst.idx.add.f32.msk $0xffff, v50  }
0x24f: {  	v52 =	vld.idx.msk [tilespmem:v51+s26+$0xFFFFFEE0], $0xffff  }
0x250: {  	v53 =	vld [tilespmem:s26+$0xFFFFFF50]  }
0x251: {  	v54 =	vld.idx.msk [tilespmem:v51+s26+$0xFFFFFF70], $0xffff  }
0x252: {  	v55 =	vld [tilespmem:s26+$0xFFFFFFE0]  }
0x253: {  	v4 =	vld.idx.msk [tilespmem:v51+s26+$0x90], $0xffff  }
0x254: {  	v58 =	vld [tilespmem:s26+$0x100];
	_ =	sdelay $0x1  }
0x255: {  	[tilespmem:v25+s15+$0x0] =	vst.idx.add.f32.msk $0xffff, v49  }
0x256: {  	[tilespmem:v26+s15+$0x0] =	vst.idx.add.f32.msk $0xffff, v17;
	v0 =	vmul.f32 v53, v52  }
0x257: {  	s24 =	sadd.s32 $0x1, s24;
	[tilespmem:v27+s15+$0x0] =	vst.idx.add.f32.msk $0xffff, v1;
	v59 =	vmul.f32 v55, v54  }
0x258: {  	p1 =	sne.s32 s24, s20;
	v60 =	vmul.f32 v58, v4;
	[tilespmem:v46+s15+$0x0] =	vst.idx.add.f32.msk $0xffff, v0  }
.Ltmp9:
0x259: {  	[tilespmem:v45+s15+$0x0] =	vst.idx.add.f32.msk $0xffff, v59;
	(pc) =	sbr.rel @p1 .LBB2_9-.Ltmp9, $4  }
.Ltmp10:
0x25a: {  	[tilespmem:v30+s15+$0x0] =	vst.idx.add.f32.msk $0xffff, v60;
	(pc) =	sbr.rel @!p1 .LBB2_12-.Ltmp10, $4  }
0x25b: {  	[tilespmem:v47+s15+$0x0] =	vst.idx.add.f32.msk $0xffff, v41  }
0x25c: {  	[tilespmem:v28+s15+$0x0] =	vst.idx.add.f32.msk $0xffff, v24  }
0x25d: {  	s23 =	sadd.s32 $0x70, s23;
	v52 =	vmovc v18;
	v58 =	vmovc v19;
	v19 =	vimm.s32 $0x86;
	v53 =	vimm.s32 $0x87;
	[tilespmem:v29+s15+$0x0] =	vst.idx.add.f32.msk $0xffff, v23;
	v59 =	vmov v20  }
0x25e: {  	_ = 	snop  }
.LBB2_13:
0x25f: {  	s21 =	sshrl.u32 s23, $0x1F  }
0x260: {  	s21 =	sadd.s32 s21, s23  }
0x261: {  	s21 =	sand.u32 $0xFFFFFFFE, s21  }
0x262: {  	p1 =	slt.s32 s21, $0x1  }
.Ltmp11:
0x263: {  	_ = 	snop;
	(pc) =	sbr.rel @p1 .LBB2_16-.Ltmp11, $4  }
0x264: {  	[tilespmem:s13], [sflag:$0x1] =	stream.indirect.gather [hbm4b:s4+s12], $0x90, s16, s12, $0xb8;
	[tilespmem:$0x1A0E0] =	vst v63  }
0x265: {  	_ =	swait.ge [sflag:s10], $0x3F00  }
0x266: {  	[sflag:s10] =	ssyncset.done $0x0  }
0x267: {  	[sflag:s10] =	ssyncadd.s32 $0xFFFFC100  }
0x268: {  	s25 =	simm.s32 $0x1  }
0x269: {  	v0 =	vmov s25;
	_ =	sdelay $0x4  }
0x26a: {  	v0 =	vld.idx.msk [tilespmem:v0+s14+$0x0], $0xffff;
	_ =	sdelay $0x4  }
0x26b: {  	v1 =	vshll.u32 v0, $0x4  }
0x26c: {  	v1 =	vor.u32 v14, v1;
	_ =	sdelay $0x2  }
0x26d: {  	s22 =	simm.s32 $0x9ED0  }
0x26e: {  	v2 =	vld [tilespmem:s22+$0x80]  }
0x26f: {  	v1 =	vld.idx.msk [tilespmem:v1+s9+$0x0], $0xffff;
	_ =	sdelay $0x4  }
0x270: {  	v1 =	vadd.f32 v2, v1;
	_ =	sdelay $0x1  }
0x271: {  	v2 =	vmin.f32 v1, $0.0e+00  }
0x272: {  	v2 =	vmul.f32 $9.999999770e-03, v2  }
0x273: {  	p3 =	sgt.s32 s21, $0x2;
	v1 =	vmax.f32 v1, $0.0e+00  }
.Ltmp12:
0x274: {  	v1 =	vadd.f32 v2, v1;
	(pc) =	sbr.rel @!p3 .LBB2_15-.Ltmp12, $4  }
0x275: {  	s24 =	simm.s32 $0x0  }
0x276: {  	v54 =	vmov s24;
	v22 =	vmul.u32 $0x90, v0;
	v55 =	vmul.f32 $1.442695020e+00, v1  }
0x277: {  	v60 =	vand.u32 $0xFFFFFFFE, v54  }
0x278: {  	p1 =	por $0x0, $0x0;
	p2 =	por $0x0, $0x0;
	s24 =	simm.s32 $0x2;
	v31 =	vbroadcast v60, $0x0;
	v35 =	vadd.s32 v15, v22;
	(erf) = vpow2.f32 v55  }
0x279: {  	s25 =	simm.s32 $0x3  }
0x27a: {  	v0 =	vmov s25;
	_ =	sdelay $0x3  }
0x27b: {  	v1 =	vld.idx.msk [tilespmem:v31+s14+$0x0], $0xffff  }
0x27c: {  	v0 =	vld.idx.msk [tilespmem:v0+s14+$0x0], $0xffff;
	_ =	sdelay $0x3  }
0x27d: {  	v2 =	vshll.u32 v1, $0x4  }
0x27e: {  	v2 =	vor.u32 v14, v2;
	v3 =	vshll.u32 v0, $0x4  }
0x27f: {  	v3 =	vor.u32 v14, v3;
	_ =	sdelay $0x1  }
0x280: {  	v4 =	vld [tilespmem:s22+$0xFFFFFFF0];
	s25 =	simm.s32 $0x9FF0  }
0x281: {  	v5 =	vld [tilespmem:s25+$0x80]  }
0x282: {  	v2 =	vld.idx.msk [tilespmem:v2+s9+$0x0], $0xffff  }
0x283: {  	v7 =	vimm.s32 $0x80;
	v3 =	vld.idx.msk [tilespmem:v3+s9+$0x0], $0xffff;
	_ =	sdelay $0x2  }
0x284: {  	v20 =	vpop (erf)  }
0x285: {  	v6 =	vld [tilespmem:s22+$0x0];
	[tilespmem:s22+$0x80] =	vst v20;
	v2 =	vadd.f32 v4, v2  }
0x286: {  	v7 =	vld.idx.msk [tilespmem:v7+s22+$0x0], $0xffff;
	v3 =	vadd.f32 v5, v3  }
0x287: {  	v50 =	vmin.f32 v2, $0.0e+00  }
0x288: {  	v49 =	vor.u32 v14, v22;
	v5 =	vmul.f32 $9.999999770e-03, v50;
	v8 =	vmin.f32 v3, $0.0e+00  }
0x289: {  	v2 =	vmax.f32 v2, $0.0e+00;
	v8 =	vmul.f32 $9.999999770e-03, v8  }
0x28a: {  	p3 =	sgt.s32 s21, $0x4;
	v2 =	vadd.f32 v5, v2;
	v3 =	vmax.f32 v3, $0.0e+00  }
.Ltmp13:
0x28b: {  	v6 =	vmul.f32 v6, v7;
	v3 =	vadd.f32 v8, v3;
	(pc) =	sbr.rel @!p3 .LBB2_24-.Ltmp13, $4  }
0x28c: {  	v54 =	vmov s24;
	v33 =	vld [tilespmem:s22+$0xFFFFFF70];
	v2 =	vmul.f32 $1.442695020e+00, v2  }
0x28d: {  	v55 =	vand.u32 $0xFFFFFFFE, v54;
	v21 =	vmul.u32 $0x90, v0;
	[tilespmem:v49+s15+$0x0] =	vst.idx.add.f32.msk $0xffff, v6;
	v60 =	vmul.f32 $1.442695020e+00, v3  }
0x28e: {  	v31 =	vbroadcast v55, $0x0;
	v34 =	vld.idx.msk [tilespmem:v16+s22+$0x0], $0xffff;
	(erf) = vpow2.f32 v2  }
0x28f: {  	s24 =	simm.s32 $0x4;
	p1 =	por $0x1, $0x1;
	v24 =	vmul.u32 $0x90, v1;
	v23 =	vadd.s32 v15, v21;
	v36 =	vld [tilespmem:s22+$0x10];
	(erf) = vpow2.f32 v60  }
0x290: {  	_ =	sdelay $0x3  }
0x291: {  	v11 =	vimm.s32 $0x80;
	_ =	sdelay $0x2  }
0x292: {  	v25 =	vpop (erf)  }
0x293: {  	[tilespmem:s22+$0xFFFFFFF0] =	vst v25  }
0x294: {  	v0 =	vld.idx.msk [tilespmem:v11+s22+$0xFFFFFF70], $0xffff;
	_ =	sdelay $0x1  }
0x295: {  	v2 =	vor.u32 v14, v24;
	v1 =	vmul.f32 v36, v34  }
0x296: {  	v41 =	vld.idx.msk [tilespmem:v31+s14+$0x0], $0xffff  }
0x297: {  	[tilespmem:v35+s15+$0x0] =	vst.idx.add.f32.msk $0xffff, v1  }
0x298: {  	s26 =	simm.s32 $0x5;
	v1 =	vld.idx.msk [tilespmem:v61+s22+$0x0], $0xffff;
	v0 =	vmul.f32 v33, v0  }
0x299: {  	v3 =	vmov s26;
	v4 =	vld [tilespmem:s22+$0x20]  }
0x29a: {  	[tilespmem:v2+s15+$0x0] =	vst.idx.add.f32.msk $0xffff, v0  }
0x29b: {  	v0 =	vld.idx.msk [tilespmem:v16+s22+$0xFFFFFF70], $0xffff  }
0x29c: {  	v6 =	vadd.s32 v10, v22;
	v5 =	vld [tilespmem:s22+$0xFFFFFF80]  }
0x29d: {  	v7 =	vld [tilespmem:s25+$0x0]  }
0x29e: {  	v8 =	vadd.s32 v15, v24;
	v3 =	vld.idx.msk [tilespmem:v3+s14+$0x0], $0xffff  }
0x29f: {  	v9 =	vld [tilespmem:s25+$0xFFFFFFF0];
	s26 =	simm.s32 $0xA110;
	v1 =	vmul.f32 v4, v1  }
0x2a0: {  	v45 =	vld [tilespmem:s26+$0x80]  }
0x2a1: {  	[tilespmem:v6+s15+$0x0] =	vst.idx.add.f32.msk $0xffff, v1;
	v0 =	vmul.f32 v5, v0  }
0x2a2: {  	v35 =	vmov v10;
	v10 =	vshll.u32 v41, $0x4;
	v47 =	vld [tilespmem:s22+$0x30]  }
0x2a3: {  	v43 =	vor.u32 v14, v10;
	v27 =	vpop (erf);
	v44 =	vshll.u32 v3, $0x4;
	[tilespmem:v8+s15+$0x0] =	vst.idx.add.f32.msk $0xffff, v0  }
0x2a4: {  	[tilespmem:s25+$0x80] =	vst v27;
	v46 =	vor.u32 v14, v44;
	v8 =	vld.idx.msk [tilespmem:v62+s22+$0x0], $0xffff  }
0x2a5: {  	v42 =	vld.idx.msk [tilespmem:v11+s25+$0x0], $0xffff  }
0x2a6: {  	v10 =	vadd.s32 v52, v22;
	v11 =	vld [tilespmem:s22+$0xFFFFFF90]  }
0x2a7: {  	v12 =	vld.idx.msk [tilespmem:v61+s22+$0xFFFFFF70], $0xffff  }
0x2a8: {  	v1 =	vld.idx.msk [tilespmem:v43+s9+$0x0], $0xffff  }
0x2a9: {  	v0 =	vld.idx.msk [tilespmem:v46+s9+$0x0], $0xffff;
	v5 =	vmul.f32 v47, v8  }
0x2aa: {  	v13 =	vadd.s32 v35, v24  }
0x2ab: {  	v8 =	vor.u32 v14, v21;
	[tilespmem:v10+s15+$0x0] =	vst.idx.add.f32.msk $0xffff, v5  }
0x2ac: {  	v48 =	vmul.f32 v11, v12;
	v11 =	vld [tilespmem:$0x1FFC0]  }
0x2ad: {  	v1 =	vadd.f32 v9, v1;
	v5 =	vld [tilespmem:s22+$0x40]  }
0x2ae: {  	v4 =	vmul.f32 v7, v42;
	v0 =	vadd.f32 v45, v0;
	v49 =	vld.idx.msk [tilespmem:v63+s22+$0x0], $0xffff  }
0x2af: {  	v9 =	vmin.f32 v1, $0.0e+00;
	[tilespmem:v13+s15+$0x0] =	vst.idx.add.f32.msk $0xffff, v48  }
0x2b0: {  	v50 =	vmul.f32 $9.999999770e-03, v9;
	v13 =	vimm.s32 $0x81;
	[tilespmem:v8+s15+$0x0] =	vst.idx.add.f32.msk $0xffff, v4;
	v8 =	vmin.f32 v0, $0.0e+00  }
0x2b1: {  	v1 =	vmax.f32 v1, $0.0e+00;
	v9 =	vld.idx.msk [tilespmem:v62+s22+$0xFFFFFF70], $0xffff;
	v8 =	vmul.f32 $9.999999770e-03, v8;
	v54 =	vadd.s32 v11, v22  }
0x2b2: {  	p3 =	sgt.s32 s21, $0x6;
	v1 =	vadd.f32 v50, v1;
	v12 =	vimm.s32 $0x85;
	v55 =	vld [tilespmem:s22+$0xFFFFFFA0];
	v0 =	vmax.f32 v0, $0.0e+00  }
.Ltmp14:
0x2b3: {  	v38 =	vadd.s32 v52, v24;
	v29 =	vmul.u32 $0x90, v3;
	v33 =	vld [tilespmem:s25+$0xFFFFFF70];
	v0 =	vadd.f32 v8, v0;
	(pc) =	sbr.rel @!p3 .LBB2_26-.Ltmp14, $4  }
0x2b4: {  	v1 =	vmul.f32 $1.442695020e+00, v1;
	v10 =	vmov s24;
	v36 =	vld [tilespmem:s25+$0x10];
	v5 =	vmul.f32 v5, v49  }
0x2b5: {  	v26 =	vmul.u32 $0x90, v41;
	v60 =	vand.u32 $0xFFFFFFFE, v10;
	v34 =	vld.idx.msk [tilespmem:v13+s25+$0x0], $0xffff;
	v0 =	vmul.f32 $1.442695020e+00, v0  }
0x2b6: {  	v32 =	vadd.s32 v15, v29;
	(erf) = vpow2.f32 v1;
	v31 =	vbroadcast v60, $0x0;
	[tilespmem:v54+s15+$0x0] =	vst.idx.add.f32.msk $0xffff, v5  }
0x2b7: {  	s28 =	simm.s32 $0x6;
	p2 =	por $0x1, $0x1;
	v16 =	vimm.s32 $0x81;
	s24 =	simm.s32 $0xA110;
	v39 =	vmul.f32 v55, v9;
	(erf) = vpow2.f32 v0;
	v37 =	vld.idx.msk [tilespmem:v12+s22+$0x0], $0xffff  }
.LBB2_27:
0x2b8: {  	_ =	sdelay $0x2  }
0x2b9: {  	v1 =	vld [tilespmem:s22+$0x50]  }
0x2ba: {  	v11 =	vimm.s32 $0x80;
	v6 =	vld [tilespmem:s26+$0x0]  }
0x2bb: {  	v7 =	vadd.s32 v58, v22;
	[tilespmem:v38+s15+$0x0] =	vst.idx.add.f32.msk $0xffff, v39;
	v5 =	vmul.f32 v36, v34  }
0x2bc: {  	v8 =	vld [tilespmem:s22+$0xFFFFFFB0]  }
0x2bd: {  	[tilespmem:v23+s15+$0x0] =	vst.idx.add.f32.msk $0xffff, v5;
	v28 =	vpop (erf)  }
0x2be: {  	v1 =	vmul.f32 v1, v37;
	v5 =	vld.idx.msk [tilespmem:v61+s25+$0x0], $0xffff;
	[tilespmem:s25+$0xFFFFFFF0] =	vst v28;
	v30 =	vpop (erf)  }
0x2bf: {  	v4 =	vld.idx.msk [tilespmem:v11+s25+$0xFFFFFF70], $0xffff;
	[tilespmem:s26+$0x80] =	vst v30  }
0x2c0: {  	s29 =	sadd.s32 $0x1, s28;
	[tilespmem:v7+s15+$0x0] =	vst.idx.add.f32.msk $0xffff, v1  }
0x2c1: {  	v2 =	vmov s29;
	v1 =	vld.idx.msk [tilespmem:v11+s26+$0x0], $0xffff  }
0x2c2: {  	v11 =	vld [tilespmem:$0x1FFC0]  }
0x2c3: {  	v3 =	vld.idx.msk [tilespmem:v63+s22+$0xFFFFFF70], $0xffff  }
0x2c4: {  	v10 =	vor.u32 v14, v26;
	v7 =	vld [tilespmem:s25+$0x20]  }
0x2c5: {  	v9 =	vld [tilespmem:s26+$0xFFFFFFF0]  }
0x2c6: {  	v49 =	vadd.s32 v35, v21;
	v2 =	vld.idx.msk [tilespmem:v2+s14+$0x0], $0xffff  }
0x2c7: {  	v54 =	vld.idx.msk [tilespmem:v19+s22+$0x0], $0xffff;
	v4 =	vmul.f32 v33, v4;
	v11 =	vadd.s32 v11, v24  }
0x2c8: {  	v3 =	vmul.f32 v8, v3;
	v8 =	vld [tilespmem:s22+$0x60]  }
0x2c9: {  	[tilespmem:v10+s15+$0x0] =	vst.idx.add.f32.msk $0xffff, v4;
	v5 =	vmul.f32 v7, v5  }
0x2ca: {  	v12 =	vimm.s32 $0x85;
	v4 =	vld.idx.msk [tilespmem:v16+s25+$0xFFFFFF70], $0xffff  }
0x2cb: {  	[tilespmem:v49+s15+$0x0] =	vst.idx.add.f32.msk $0xffff, v5  }
0x2cc: {  	[tilespmem:v11+s15+$0x0] =	vst.idx.add.f32.msk $0xffff, v3  }
0x2cd: {  	v3 =	vld [tilespmem:s25+$0xFFFFFF80]  }
0x2ce: {  	v10 =	vld [tilespmem:s22+$0xFFFFFFC0]  }
0x2cf: {  	v0 =	vmov s28;
	v11 =	vadd.s32 v15, v26;
	v12 =	vld.idx.msk [tilespmem:v12+s22+$0xFFFFFF70], $0xffff  }
0x2d0: {  	v60 =	vadd.s32 v59, v22;
	v0 =	vand.u32 $0xFFFFFFFE, v0;
	s26 =	sadd.s32 $0x120, s26;
	v13 =	vld.idx.msk [tilespmem:v31+s14+$0x0], $0xffff  }
0x2d1: {  	v0 =	vbroadcast v0, $0x0;
	v50 =	vshll.u32 v2, $0x4;
	v2 =	vmul.u32 $0x90, v2;
	v5 =	vld [tilespmem:s26+$0x80]  }
0x2d2: {  	v55 =	vadd.s32 v58, v24;
	v1 =	vmul.f32 v6, v1;
	v6 =	vld [tilespmem:s25+$0x30];
	v3 =	vmul.f32 v3, v4  }
0x2d3: {  	v23 =	vmov v32;
	v32 =	vadd.s32 v15, v2;
	v15 =	vld [tilespmem:$0x1FFA0]  }
0x2d4: {  	v31 =	vmov v0;
	v0 =	vmul.f32 v8, v54;
	[tilespmem:v11+s15+$0x0] =	vst.idx.add.f32.msk $0xffff, v3  }
0x2d5: {  	v10 =	vmul.f32 v10, v12;
	v12 =	vmul.u32 $0x90, v13;
	v11 =	vshll.u32 v13, $0x4;
	v13 =	vld.idx.msk [tilespmem:v62+s25+$0x0], $0xffff  }
0x2d6: {  	[tilespmem:v60+s15+$0x0] =	vst.idx.add.f32.msk $0xffff, v0;
	v11 =	vor.u32 v14, v11  }
0x2d7: {  	[tilespmem:v55+s15+$0x0] =	vst.idx.add.f32.msk $0xffff, v10  }
0x2d8: {  	v34 =	vld.idx.msk [tilespmem:v19+s22+$0xFFFFFF70], $0xffff  }
0x2d9: {  	v8 =	vadd.s32 v52, v21;
	v36 =	vld [tilespmem:s22+$0xFFFFFFD0]  }
0x2da: {  	v3 =	vld [tilespmem:s22+$0x70]  }
0x2db: {  	v10 =	vld.idx.msk [tilespmem:v11+s9+$0x0], $0xffff;
	v11 =	vadd.s32 v59, v24  }
0x2dc: {  	v37 =	vld.idx.msk [tilespmem:v61+s25+$0xFFFFFF70], $0xffff;
	v6 =	vmul.f32 v6, v13  }
0x2dd: {  	v13 =	vld [tilespmem:s25+$0xFFFFFF90]  }
0x2de: {  	v33 =	vor.u32 v14, v50;
	[tilespmem:v8+s15+$0x0] =	vst.idx.add.f32.msk $0xffff, v6;
	v0 =	vmul.f32 v36, v34  }
0x2df: {  	v39 =	vld.idx.msk [tilespmem:v53+s22+$0x0], $0xffff  }
0x2e0: {  	v38 =	vor.u32 v14, v29;
	[tilespmem:v11+s15+$0x0] =	vst.idx.add.f32.msk $0xffff, v0  }
0x2e1: {  	v8 =	vadd.f32 v9, v10;
	v10 =	vld [tilespmem:s22+$0xFFFFFFE0]  }
0x2e2: {  	v11 =	vld.idx.msk [tilespmem:v53+s22+$0xFFFFFF70], $0xffff  }
0x2e3: {  	v16 =	vadd.s32 v56, v22;
	v4 =	vld.idx.msk [tilespmem:v33+s9+$0x0], $0xffff;
	s22 =	smov.u32 s25  }
0x2e4: {  	v9 =	vadd.s32 v35, v26;
	v18 =	vld [tilespmem:s22+$0x40]  }
0x2e5: {  	v45 =	vadd.s32 v57, v22;
	[tilespmem:v38+s15+$0x0] =	vst.idx.add.f32.msk $0xffff, v1  }
0x2e6: {  	v0 =	vmul.f32 v3, v39;
	v7 =	vld.idx.msk [tilespmem:v63+s22+$0x0], $0xffff  }
0x2e7: {  	v41 =	vmul.f32 v13, v37;
	v48 =	vmul.f32 v10, v11;
	v11 =	vld [tilespmem:$0x1FFC0]  }
0x2e8: {  	v60 =	vimm.s32 $0x81;
	[tilespmem:v16+s15+$0x0] =	vst.idx.add.f32.msk $0xffff, v0  }
0x2e9: {  	v14 =	vmin.f32 v8, $0.0e+00;
	v42 =	vmax.f32 v8, $0.0e+00;
	v8 =	vadd.s32 v56, v24;
	[tilespmem:v9+s15+$0x0] =	vst.idx.add.f32.msk $0xffff, v41  }
0x2ea: {  	v13 =	vadd.s32 v57, v24;
	v4 =	vadd.f32 v5, v4;
	[tilespmem:v45+s15+$0x0] =	vst.idx.add.f32.msk $0xffff, v20  }
0x2eb: {  	v22 =	vmov v21;
	v44 =	vld.idx.msk [tilespmem:v62+s22+$0xFFFFFF70], $0xffff  }
0x2ec: {  	s25 =	smov.u32 s24;
	v40 =	vmul.f32 $9.999999770e-03, v14;
	v14 =	vmin.f32 v4, $0.0e+00;
	v50 =	vld [tilespmem:s22+$0xFFFFFFA0];
	v54 =	vadd.s32 v11, v22  }
0x2ed: {  	s28 =	sadd.s32 $0x2, s28;
	v43 =	vmul.f32 $9.999999770e-03, v14;
	v34 =	vld.idx.msk [tilespmem:v60+s25+$0x0], $0xffff  }
0x2ee: {  	p3 =	slt.s32 s28, s21;
	v24 =	vmovc v26;
	v26 =	vmovc v12;
	v12 =	vimm.s32 $0x85;
	v46 =	vmax.f32 v4, $0.0e+00;
	v5 =	vadd.f32 v40, v42;
	[tilespmem:v8+s15+$0x0] =	vst.idx.add.f32.msk $0xffff, v48  }
.Ltmp15:
0x2ef: {  	v49 =	vadd.f32 v43, v46;
	v55 =	vmul.f32 v18, v7;
	[tilespmem:v13+s15+$0x0] =	vst.idx.add.f32.msk $0xffff, v25;
	(pc) =	sbr.rel @p3 .LBB2_27-.Ltmp15, $4  }
0x2f0: {  	v47 =	vmul.f32 $1.442695020e+00, v5;
	v33 =	vld [tilespmem:s25+$0xFFFFFF70]  }
0x2f1: {  	v38 =	vadd.s32 v52, v24;
	v0 =	vmul.f32 $1.442695020e+00, v49;
	[tilespmem:v54+s15+$0x0] =	vst.idx.add.f32.msk $0xffff, v55  }
0x2f2: {  	v21 =	vmovc v29;
	v29 =	vmovc v2;
	v16 =	vimm.s32 $0x81;
	v14 =	vlaneseq.u32;
	(erf) = vpow2.f32 v47;
	v36 =	vld [tilespmem:s25+$0x10]  }
0x2f3: {  	s24 =	smov.u32 s26;
	v20 =	vmovc v27;
	v27 =	vmovc v30;
	v25 =	vmov v28;
	(erf) = vpow2.f32 v0;
	v39 =	vmul.f32 v50, v44;
	v37 =	vld.idx.msk [tilespmem:v12+s22+$0x0], $0xffff  }
0x2f4: {  	v28 =	vmov v22;
	v35 =	vmov v23  }
0x2f5: {  	s28 =	smov.u32 s22;
	s22 =	smov.u32 s25;
	v22 =	vmovc v21;
	v30 =	vmovc v20;
	s25 =	smov.u32 s26;
	v23 =	vmov v32;
	v21 =	vmov v29;
	v20 =	vmov v27  }
.LBB2_29:
0x2f6: {  	_ = 	snop  }
0x2f7: {  	v0 =	vld @p2 [tilespmem:s28+$0x50]  }
0x2f8: {  	v15 =	vimm.s32 $0x80  }
0x2f9: {  	v5 =	vadd.s32 @p2 v58, v28  }
0x2fa: {  	[tilespmem:v38+s15+$0x0] =	vst.idx.add.f32.msk @p2 $0xffff, v39  }
0x2fb: {  	v1 =	vld.idx.msk @p2 [tilespmem:v63+s28+$0xFFFFFF70], $0xffff;
	v29 =	vpop @p1 (erf)  }
0x2fc: {  	v6 =	vld @p2 [tilespmem:s28+$0xFFFFFFB0];
	v0 =	vmul.f32 @p2 v0, v37;
	[tilespmem:s22+$0xFFFFFFF0] =	vst @p1 v29  }
0x2fd: {  	v2 =	vld.idx.msk @p1 [tilespmem:v15+s22+$0xFFFFFF70], $0xffff  }
0x2fe: {  	[tilespmem:v5+s15+$0x0] =	vst.idx.add.f32.msk @p2 $0xffff, v0;
	v0 =	vadd.s32 @p2 v11, v24  }
0x2ff: {  	v8 =	vor.u32 @p1 v14, v26;
	v3 =	vmul.f32 @p1 v36, v34;
	_ =	sdelay $0x1  }
0x300: {  	[tilespmem:v35+s15+$0x0] =	vst.idx.add.f32.msk @p1 $0xffff, v3;
	v27 =	vpop (erf);
	v1 =	vmul.f32 @p2 v6, v1  }
0x301: {  	v3 =	vld.idx.msk @p1 [tilespmem:v61+s22+$0x0], $0xffff;
	[tilespmem:s25+$0x80] =	vst v27;
	v2 =	vmul.f32 @p1 v33, v2  }
0x302: {  	[tilespmem:v0+s15+$0x0] =	vst.idx.add.f32.msk @p2 $0xffff, v1  }
0x303: {  	[tilespmem:v8+s15+$0x0] =	vst.idx.add.f32.msk @p1 $0xffff, v2  }
0x304: {  	v32 =	vld [tilespmem:$0x1FFB0]  }
0x305: {  	v10 =	vld @p1 [tilespmem:s22+$0x20]  }
0x306: {  	v49 =	vld.idx.msk [tilespmem:v31+s14+$0x0], $0xffff  }
0x307: {  	v4 =	vld [tilespmem:s25+$0x0]  }
0x308: {  	v7 =	vld [tilespmem:s25+$0xFFFFFFF0]  }
0x309: {  	v6 =	vld @p2 [tilespmem:s28+$0x60];
	v2 =	vadd.s32 @p1 v32, v22  }
0x30a: {  	v3 =	vmul.f32 @p1 v10, v3;
	v10 =	vld.idx.msk @p2 [tilespmem:v19+s28+$0x0], $0xffff  }
0x30b: {  	v50 =	vshll.u32 v49, $0x4;
	v1 =	vld @p2 [tilespmem:s28+$0xFFFFFFC0]  }
0x30c: {  	v0 =	vor.u32 v14, v50;
	v8 =	vld.idx.msk @p2 [tilespmem:v12+s28+$0xFFFFFF70], $0xffff  }
0x30d: {  	v11 =	vld.idx.msk @p1 [tilespmem:v16+s22+$0xFFFFFF70], $0xffff  }
0x30e: {  	v13 =	vadd.s32 @p2 v58, v24;
	[tilespmem:v2+s15+$0x0] =	vst.idx.add.f32.msk @p1 $0xffff, v3  }
0x30f: {  	v31 =	vld [tilespmem:$0x1FFA0]  }
0x310: {  	v12 =	vld @p1 [tilespmem:s22+$0xFFFFFF80]  }
0x311: {  	v0 =	vld.idx.msk [tilespmem:v0+s9+$0x0], $0xffff;
	v1 =	vmul.f32 @p2 v1, v8  }
0x312: {  	v3 =	vld @p1 [tilespmem:s22+$0x30]  }
0x313: {  	v8 =	vadd.s32 @p2 v59, v28;
	[tilespmem:v13+s15+$0x0] =	vst.idx.add.f32.msk @p2 $0xffff, v1  }
0x314: {  	v1 =	vld.idx.msk @p1 [tilespmem:v62+s22+$0x0], $0xffff;
	v2 =	vadd.s32 @p1 v31, v26  }
0x315: {  	v9 =	vld.idx.msk [tilespmem:v15+s25+$0x0], $0xffff;
	v6 =	vmul.f32 @p2 v6, v10  }
0x316: {  	v11 =	vmul.f32 @p1 v12, v11;
	v0 =	vadd.f32 v7, v0;
	v7 =	vadd.s32 @p1 v52, v22;
	v12 =	vld.idx.msk @p2 [tilespmem:v19+s28+$0xFFFFFF70], $0xffff  }
0x317: {  	v10 =	vld @p2 [tilespmem:s28+$0xFFFFFFD0]  }
0x318: {  	v54 =	vmin.f32 v0, $0.0e+00;
	[tilespmem:v8+s15+$0x0] =	vst.idx.add.f32.msk @p2 $0xffff, v6  }
0x319: {  	v6 =	vadd.s32 @p2 v59, v24;
	v1 =	vmul.f32 @p1 v3, v1;
	[tilespmem:v2+s15+$0x0] =	vst.idx.add.f32.msk @p1 $0xffff, v11;
	v2 =	vmul.f32 $9.999999770e-03, v54  }
0x31a: {  	v0 =	vmax.f32 v0, $0.0e+00;
	v8 =	vld @p2 [tilespmem:s28+$0x70]  }
0x31b: {  	[tilespmem:v7+s15+$0x0] =	vst.idx.add.f32.msk @p1 $0xffff, v1;
	v0 =	vadd.f32 v2, v0  }
0x31c: {  	v1 =	vmul.f32 @p2 v10, v12;
	v3 =	vld @p1 [tilespmem:s22+$0xFFFFFF90]  }
0x31d: {  	v2 =	vld.idx.msk @p1 [tilespmem:v61+s22+$0xFFFFFF70], $0xffff;
	v0 =	vmul.f32 $1.442695020e+00, v0  }
0x31e: {  	[tilespmem:v6+s15+$0x0] =	vst.idx.add.f32.msk @p2 $0xffff, v1  }
0x31f: {  	v1 =	vld.idx.msk @p2 [tilespmem:v53+s28+$0x0], $0xffff;
	(erf) = vpow2.f32 v0;
	v0 =	vadd.s32 @p1 v32, v26  }
0x320: {  	v55 =	vor.u32 v14, v21  }
0x321: {  	v6 =	vld @p2 [tilespmem:s28+$0xFFFFFFE0];
	v11 =	vadd.s32 @p2 v56, v28  }
0x322: {  	v4 =	vmul.f32 v4, v9;
	v9 =	vld.idx.msk @p2 [tilespmem:v53+s28+$0xFFFFFF70], $0xffff;
	v2 =	vmul.f32 @p1 v3, v2;
	_ =	sdelay $0x1  }
0x323: {  	[tilespmem:v0+s15+$0x0] =	vst.idx.add.f32.msk @p1 $0xffff, v2;
	v0 =	vmul.f32 @p2 v8, v1  }
0x324: {  	[tilespmem:v55+s15+$0x0] =	vst.idx.add.f32.msk $0xffff, v4  }
0x325: {  	[tilespmem:v11+s15+$0x0] =	vst.idx.add.f32.msk @p2 $0xffff, v0  }
0x326: {  	v6 =	vmul.f32 @p2 v6, v9;
	v9 =	vld [tilespmem:$0x1FFC0]  }
0x327: {  	v60 =	vld [tilespmem:s24+$0xFFFFFF70]  }
0x328: {  	v10 =	vld @p1 [tilespmem:s22+$0x40];
	v1 =	vadd.s32 @p2 v56, v24  }
0x329: {  	v4 =	vadd.s32 @p2 v57, v24;
	v3 =	vld.idx.msk @p1 [tilespmem:v63+s22+$0x0], $0xffff;
	v0 =	vmov @p1 v22;
	v22 =	vpop (erf)  }
0x32a: {  	v16 =	vimm.s32 $0x81;
	v2 =	vld.idx.msk @p1 [tilespmem:v62+s22+$0xFFFFFF70], $0xffff;
	[tilespmem:s24+$0xFFFFFFF0] =	vst v22  }
0x32b: {  	v5 =	vmul.u32 $0x90, v49;
	v11 =	vld.idx.msk [tilespmem:v15+s24+$0xFFFFFF70], $0xffff;
	v9 =	vadd.s32 @p1 v9, v0  }
0x32c: {  	v8 =	vld @p1 [tilespmem:s22+$0xFFFFFFA0]  }
0x32d: {  	v24 =	vor.u32 v14, v5;
	[tilespmem:v1+s15+$0x0] =	vst.idx.add.f32.msk @p2 $0xffff, v6  }
0x32e: {  	v18 =	vimm.s32 $0x85;
	v1 =	vmul.f32 @p1 v10, v3;
	[tilespmem:v4+s15+$0x0] =	vst.idx.add.f32.msk @p2 $0xffff, v25  }
0x32f: {  	v25 =	vld.idx.msk [tilespmem:v16+s24+$0x0], $0xffff  }
0x330: {  	v6 =	vmov @p1 v26;
	v7 =	vmul.f32 v60, v11;
	[tilespmem:v9+s15+$0x0] =	vst.idx.add.f32.msk @p1 $0xffff, v1  }
0x331: {  	v1 =	vadd.s32 @p1 v52, v6;
	v9 =	vld [tilespmem:s24+$0x10]  }
0x332: {  	[tilespmem:v24+s15+$0x0] =	vst.idx.add.f32.msk $0xffff, v7;
	v1 =	vpsel p1, v1, v0  }
0x333: {  	v10 =	vld.idx.msk @p1 [tilespmem:v18+s22+$0x0], $0xffff  }
0x334: {  	v2 =	vmul.f32 @p1 v8, v2;
	v3 =	vld.idx.msk [tilespmem:v16+s24+$0xFFFFFF70], $0xffff  }
0x335: {  	s22 =	smov.u32 @p1 s22;
	v7 =	vld [tilespmem:s24+$0xFFFFFF80]  }
0x336: {  	v2 =	vpsel p1, v2, v0;
	v8 =	vld @p1 [tilespmem:s22+$0x50];
	v33 =	vmul.f32 v9, v25  }
0x337: {  	[tilespmem:v1+s15+$0x0] =	vst.idx.add.f32.msk @p1 $0xffff, v2  }
0x338: {  	v34 =	vadd.s32 v31, v5;
	[tilespmem:v23+s15+$0x0] =	vst.idx.add.f32.msk $0xffff, v33  }
0x339: {  	v1 =	vld.idx.msk [tilespmem:v61+s24+$0x0], $0xffff  }
0x33a: {  	v0 =	vpsel p1, v0, v0;
	v9 =	vld [tilespmem:s24+$0x20]  }
0x33b: {  	v3 =	vmul.f32 v7, v3;
	v7 =	vadd.s32 @p1 v58, v0  }
0x33c: {  	v35 =	vadd.s32 v32, v21;
	v4 =	vld.idx.msk @p1 [tilespmem:v63+s22+$0xFFFFFF70], $0xffff  }
0x33d: {  	v2 =	vpsel p1, v10, v0;
	[tilespmem:v34+s15+$0x0] =	vst.idx.add.f32.msk $0xffff, v3  }
0x33e: {  	v2 =	vmul.f32 @p1 v8, v2;
	v10 =	vld [tilespmem:s24+$0xFFFFFF90]  }
0x33f: {  	v8 =	vld.idx.msk [tilespmem:v61+s24+$0xFFFFFF70], $0xffff;
	v1 =	vmul.f32 v9, v1  }
0x340: {  	[tilespmem:v7+s15+$0x0] =	vst.idx.add.f32.msk @p1 $0xffff, v2  }
0x341: {  	v36 =	vadd.s32 v32, v5;
	[tilespmem:v35+s15+$0x0] =	vst.idx.add.f32.msk $0xffff, v1  }
0x342: {  	v1 =	vld [tilespmem:$0x1FFC0]  }
0x343: {  	v3 =	vld [tilespmem:s24+$0x30]  }
0x344: {  	v8 =	vmul.f32 v10, v8;
	v9 =	vld.idx.msk [tilespmem:v62+s24+$0x0], $0xffff  }
0x345: {  	v11 =	vld @p1 [tilespmem:s22+$0xFFFFFFB0]  }
0x346: {  	v37 =	vadd.s32 v52, v21;
	v6 =	vpsel p1, v6, v0;
	[tilespmem:v36+s15+$0x0] =	vst.idx.add.f32.msk $0xffff, v8  }
0x347: {  	v8 =	vld.idx.msk [tilespmem:v62+s24+$0xFFFFFF70], $0xffff;
	v1 =	vadd.s32 @p1 v1, v6  }
0x348: {  	v10 =	vld [tilespmem:s24+$0xFFFFFFA0]  }
0x349: {  	v38 =	vmul.f32 v3, v9  }
0x34a: {  	v39 =	vadd.s32 v52, v5;
	v2 =	vmul.f32 @p1 v11, v4  }
0x34b: {  	[tilespmem:v37+s15+$0x0] =	vst.idx.add.f32.msk $0xffff, v38  }
0x34c: {  	[tilespmem:v1+s15+$0x0] =	vst.idx.add.f32.msk @p1 $0xffff, v2  }
0x34d: {  	v40 =	vmul.f32 v10, v8;
	v1 =	vld @p1 [tilespmem:s22+$0xFFFFFFC0]  }
0x34e: {  	v9 =	vld.idx.msk @p1 [tilespmem:v18+s22+$0xFFFFFF70], $0xffff  }
0x34f: {  	[tilespmem:v39+s15+$0x0] =	vst.idx.add.f32.msk $0xffff, v40  }
0x350: {  	v8 =	vadd.s32 @p1 v58, v6;
	v3 =	vld [tilespmem:$0x1FFC0];
	_ =	sdelay $0x1  }
0x351: {  	v10 =	vld.idx.msk [tilespmem:v63+s24+$0x0], $0xffff  }
0x352: {  	v2 =	vld [tilespmem:s24+$0x40];
	v1 =	vmul.f32 @p1 v1, v9  }
0x353: {  	v4 =	vld.idx.msk [tilespmem:v63+s24+$0xFFFFFF70], $0xffff  }
0x354: {  	v3 =	vadd.s32 v3, v21;
	[tilespmem:v8+s15+$0x0] =	vst.idx.add.f32.msk @p1 $0xffff, v1  }
0x355: {  	v42 =	vld [tilespmem:$0x1FFC0]  }
0x356: {  	v9 =	vld [tilespmem:s24+$0xFFFFFFB0]  }
0x357: {  	v41 =	vmul.f32 v2, v10  }
0x358: {  	v7 =	vld @p1 [tilespmem:s22+$0x60]  }
0x359: {  	[tilespmem:v3+s15+$0x0] =	vst.idx.add.f32.msk $0xffff, v41  }
0x35a: {  	v3 =	vld.idx.msk [tilespmem:v18+s24+$0x0], $0xffff;
	v2 =	vadd.s32 v42, v5  }
0x35b: {  	v4 =	vmul.f32 v9, v4;
	v9 =	vld [tilespmem:s24+$0x50]  }
0x35c: {  	v11 =	vld.idx.msk @p1 [tilespmem:v19+s22+$0x0], $0xffff  }
0x35d: {  	v43 =	vadd.s32 v58, v21  }
0x35e: {  	v1 =	vadd.s32 @p1 v59, v0;
	v8 =	vld.idx.msk @p1 [tilespmem:v19+s22+$0xFFFFFF70], $0xffff  }
0x35f: {  	[tilespmem:v2+s15+$0x0] =	vst.idx.add.f32.msk $0xffff, v4  }
0x360: {  	v45 =	vmul.f32 v9, v3;
	v44 =	vld [tilespmem:s24+$0xFFFFFFC0]  }
0x361: {  	v2 =	vmul.f32 @p1 v7, v11;
	v10 =	vld.idx.msk [tilespmem:v18+s24+$0xFFFFFF70], $0xffff  }
0x362: {  	[tilespmem:v43+s15+$0x0] =	vst.idx.add.f32.msk $0xffff, v45  }
0x363: {  	v46 =	vadd.s32 v58, v5;
	[tilespmem:v1+s15+$0x0] =	vst.idx.add.f32.msk @p1 $0xffff, v2  }
0x364: {  	v1 =	vld @p1 [tilespmem:s22+$0xFFFFFFD0]  }
0x365: {  	v4 =	vld [tilespmem:s24+$0x60]  }
0x366: {  	v2 =	vadd.s32 @p1 v59, v6;
	v9 =	vld @p1 [tilespmem:s22+$0x70];
	v7 =	vmul.f32 v44, v10  }
0x367: {  	v10 =	vld.idx.msk [tilespmem:v19+s24+$0x0], $0xffff  }
0x368: {  	[tilespmem:v46+s15+$0x0] =	vst.idx.add.f32.msk $0xffff, v7  }
0x369: {  	v1 =	vmul.f32 @p1 v1, v8;
	v3 =	vld.idx.msk [tilespmem:v19+s24+$0xFFFFFF70], $0xffff  }
0x36a: {  	v47 =	vadd.s32 v59, v21;
	v8 =	vld [tilespmem:s24+$0xFFFFFFD0]  }
0x36b: {  	[tilespmem:v2+s15+$0x0] =	vst.idx.add.f32.msk @p1 $0xffff, v1  }
0x36c: {  	v1 =	vld.idx.msk @p1 [tilespmem:v53+s22+$0x0], $0xffff  }
0x36d: {  	v48 =	vadd.s32 v59, v5;
	v11 =	vld @p1 [tilespmem:s22+$0xFFFFFFE0];
	v4 =	vmul.f32 v4, v10  }
0x36e: {  	v10 =	vld.idx.msk @p1 [tilespmem:v53+s22+$0xFFFFFF70], $0xffff  }
0x36f: {  	[tilespmem:v47+s15+$0x0] =	vst.idx.add.f32.msk $0xffff, v4  }
0x370: {  	v4 =	vadd.s32 @p2 v57, v28;
	v3 =	vmul.f32 v8, v3;
	v7 =	vld [tilespmem:s24+$0x70]  }
0x371: {  	v8 =	vadd.s32 @p1 v56, v0;
	v49 =	vld.idx.msk [tilespmem:v53+s24+$0x0], $0xffff  }
0x372: {  	[tilespmem:v48+s15+$0x0] =	vst.idx.add.f32.msk $0xffff, v3  }
0x373: {  	v2 =	vadd.s32 @p1 v56, v6;
	v12 =	vld [tilespmem:s24+$0xFFFFFFE0]  }
0x374: {  	v1 =	vmul.f32 @p1 v9, v1;
	v0 =	vadd.s32 @p1 v57, v0;
	v9 =	vld.idx.msk [tilespmem:v53+s24+$0xFFFFFF70], $0xffff  }
0x375: {  	v6 =	vadd.s32 @p1 v57, v6;
	[tilespmem:v4+s15+$0x0] =	vst.idx.add.f32.msk @p2 $0xffff, v30  }
0x376: {  	v4 =	vmul.f32 @p1 v11, v10;
	v10 =	vadd.s32 v56, v21;
	v11 =	vmov @p1 v20;
	[tilespmem:v8+s15+$0x0] =	vst.idx.add.f32.msk @p1 $0xffff, v1  }
0x377: {  	v50 =	vadd.s32 v56, v5;
	v8 =	vpsel p1, v11, v0;
	v11 =	vld [tilespmem:$0x1FFC0]  }
0x378: {  	v13 =	vmov @p1 v29;
	v55 =	vadd.s32 v57, v21;
	v54 =	vadd.s32 v57, v5;
	[tilespmem:v2+s15+$0x0] =	vst.idx.add.f32.msk @p1 $0xffff, v4  }
0x379: {  	v13 =	vpsel p1, v13, v0;
	v3 =	vmul.f32 v7, v49;
	[tilespmem:v0+s15+$0x0] =	vst.idx.add.f32.msk @p1 $0xffff, v8  }
0x37a: {  	[tilespmem:v6+s15+$0x0] =	vst.idx.add.f32.msk @p1 $0xffff, v13;
	v60 =	vmul.f32 v12, v9  }
0x37b: {  	[tilespmem:v10+s15+$0x0] =	vst.idx.add.f32.msk $0xffff, v3  }
0x37c: {  	[tilespmem:v50+s15+$0x0] =	vst.idx.add.f32.msk $0xffff, v60  }
0x37d: {  	[tilespmem:v55+s15+$0x0] =	vst.idx.add.f32.msk $0xffff, v27  }
0x37e: {  	v15 =	vmovc v31;
	v16 =	vimm.s32 $0x81;
	v12 =	vimm.s32 $0x85;
	v10 =	vmov v32;
	[tilespmem:v54+s15+$0x0] =	vst.idx.add.f32.msk $0xffff, v22  }
.LBB2_16:
0x37f: {  	p1 =	slt.s32 s21, s23  }
.Ltmp16:
0x380: {  	_ = 	snop;
	(pc) =	sbr.rel @!p1 .LBB2_17-.Ltmp16, $1  }
0x381: {  	_ =	sdelay $0x3  }
0x382: {  	s22 =	smul.u32 $0x240, s21  }
0x383: {  	s24 =	smul.u32 $0xFFFFFF90, s20  }
0x384: {  	s30 =	ssub.s32 s23, s21;
	s31 =	sshra.s32 s22, $0x2  }
0x385: {  	s20 =	ssub.s32 $0x0, s30;
	s19 =	sadd.s32 s19, s24;
	s21 =	sadd.s32 $0x9E40, s31  }
.LBB2_31:
0x386: {  	s22 =	sadd.s32 s20, s19  }
0x387: {  	v0 =	vmov s22;
	_ =	sdelay $0x4  }
0x388: {  	v0 =	vld.idx.msk [tilespmem:v0+s14+$0x0], $0xffff;
	_ =	sdelay $0x4  }
0x389: {  	v1 =	vshll.u32 v0, $0x4  }
0x38a: {  	v1 =	vor.u32 v14, v1;
	_ =	sdelay $0x3  }
0x38b: {  	v2 =	vld [tilespmem:s21+$0x80]  }
0x38c: {  	v1 =	vld.idx.msk [tilespmem:v1+s9+$0x0], $0xffff;
	_ =	sdelay $0x4  }
0x38d: {  	v1 =	vadd.f32 v2, v1;
	_ =	sdelay $0x1  }
0x38e: {  	v2 =	vmin.f32 v1, $0.0e+00  }
0x38f: {  	v2 =	vmul.f32 $9.999999770e-03, v2  }
0x390: {  	v1 =	vmax.f32 v1, $0.0e+00  }
0x391: {  	v1 =	vadd.f32 v2, v1;
	_ =	sdelay $0x1  }
0x392: {  	v1 =	vmul.f32 $1.442695020e+00, v1;
	_ =	sdelay $0x1  }
0x393: {  	(erf) = vpow2.f32 v1;
	_ =	sdelay $0x5  }
0x394: {  	v39 =	vimm.s32 $0x80;
	_ =	sdelay $0x2  }
0x395: {  	v1 =	vpop (erf)  }
0x396: {  	v3 =	vld [tilespmem:s21+$0x0];
	[tilespmem:s21+$0x80] =	vst v1  }
0x397: {  	v0 =	vmul.u32 $0x90, v0;
	v2 =	vld.idx.msk [tilespmem:v39+s21+$0x0], $0xffff;
	_ =	sdelay $0x1  }
0x398: {  	v4 =	vor.u32 v14, v0;
	_ =	sdelay $0x2  }
0x399: {  	v2 =	vmul.f32 v3, v2;
	_ =	sdelay $0x1  }
0x39a: {  	[tilespmem:v4+s15+$0x0] =	vst.idx.add.f32.msk $0xffff, v2  }
0x39b: {  	v2 =	vld.idx.msk [tilespmem:v16+s21+$0x0], $0xffff  }
0x39c: {  	v40 =	vld [tilespmem:s21+$0x10];
	_ =	sdelay $0x1  }
0x39d: {  	v41 =	vadd.s32 v15, v0;
	_ =	sdelay $0x2  }
0x39e: {  	v2 =	vmul.f32 v40, v2;
	_ =	sdelay $0x1  }
0x39f: {  	[tilespmem:v41+s15+$0x0] =	vst.idx.add.f32.msk $0xffff, v2  }
0x3a0: {  	v2 =	vld.idx.msk [tilespmem:v61+s21+$0x0], $0xffff  }
0x3a1: {  	v42 =	vld [tilespmem:s21+$0x20];
	_ =	sdelay $0x1  }
0x3a2: {  	v43 =	vadd.s32 v10, v0;
	_ =	sdelay $0x2  }
0x3a3: {  	v2 =	vmul.f32 v42, v2;
	_ =	sdelay $0x1  }
0x3a4: {  	[tilespmem:v43+s15+$0x0] =	vst.idx.add.f32.msk $0xffff, v2  }
0x3a5: {  	v2 =	vld.idx.msk [tilespmem:v62+s21+$0x0], $0xffff  }
0x3a6: {  	v44 =	vld [tilespmem:s21+$0x30];
	_ =	sdelay $0x1  }
0x3a7: {  	v45 =	vadd.s32 v52, v0;
	_ =	sdelay $0x2  }
0x3a8: {  	v2 =	vmul.f32 v44, v2;
	_ =	sdelay $0x1  }
0x3a9: {  	[tilespmem:v45+s15+$0x0] =	vst.idx.add.f32.msk $0xffff, v2  }
0x3aa: {  	v2 =	vld.idx.msk [tilespmem:v63+s21+$0x0], $0xffff  }
0x3ab: {  	v46 =	vld [tilespmem:s21+$0x40];
	_ =	sdelay $0x1  }
0x3ac: {  	v47 =	vadd.s32 v11, v0;
	_ =	sdelay $0x2  }
0x3ad: {  	v2 =	vmul.f32 v46, v2;
	_ =	sdelay $0x1  }
0x3ae: {  	[tilespmem:v47+s15+$0x0] =	vst.idx.add.f32.msk $0xffff, v2  }
0x3af: {  	v2 =	vld.idx.msk [tilespmem:v12+s21+$0x0], $0xffff  }
0x3b0: {  	v48 =	vld [tilespmem:s21+$0x50];
	_ =	sdelay $0x1  }
0x3b1: {  	v49 =	vadd.s32 v58, v0;
	_ =	sdelay $0x2  }
0x3b2: {  	v2 =	vmul.f32 v48, v2;
	_ =	sdelay $0x1  }
0x3b3: {  	[tilespmem:v49+s15+$0x0] =	vst.idx.add.f32.msk $0xffff, v2  }
0x3b4: {  	v2 =	vld.idx.msk [tilespmem:v19+s21+$0x0], $0xffff  }
0x3b5: {  	v50 =	vld [tilespmem:s21+$0x60];
	_ =	sdelay $0x1  }
0x3b6: {  	v54 =	vadd.s32 v59, v0;
	_ =	sdelay $0x2  }
0x3b7: {  	v2 =	vmul.f32 v50, v2;
	_ =	sdelay $0x1  }
0x3b8: {  	[tilespmem:v54+s15+$0x0] =	vst.idx.add.f32.msk $0xffff, v2  }
0x3b9: {  	v2 =	vld.idx.msk [tilespmem:v53+s21+$0x0], $0xffff  }
0x3ba: {  	v55 =	vld [tilespmem:s21+$0x70];
	_ =	sdelay $0x1  }
0x3bb: {  	s20 =	sadd.s32 $0x1, s20;
	v60 =	vadd.s32 v56, v0  }
0x3bc: {  	p1 =	seq.s32 s20, $0x0;
	v0 =	vadd.s32 v57, v0  }
.Ltmp17:
0x3bd: {  	_ = 	snop;
	(pc) =	sbr.rel @!p1 .LBB2_31-.Ltmp17, $3  }
0x3be: {  	v2 =	vmul.f32 v55, v2;
	_ =	sdelay $0x1  }
0x3bf: {  	[tilespmem:v60+s15+$0x0] =	vst.idx.add.f32.msk $0xffff, v2  }
0x3c0: {  	s21 =	sadd.s32 $0x90, s21;
	[tilespmem:v0+s15+$0x0] =	vst.idx.add.f32.msk $0xffff, v1  }
.LBB2_17:
0x3c1: {  	v11 =	vimm.s32 $0x80;
	_ =	sdelay $0x3  }
0x3c2: {  	s19 =	simm.s32 $0xDDD0  }
0x3c3: {  	v0 =	vld.idx.msk [tilespmem:v11+s19+$0x0], $0xffff;
	_ =	sdelay $0x4  }
0x3c4: {  	vm0 =	veq.f32 v0, $0.0e+00  }
0x3c5: {  	v0 =	vsel vm0, $0x3F800000, v0  }
0x3c6: {  	v38 =	vld.idx.msk [tilespmem:v11+s19+$0xFFFFFF70], $0xffff;
	(erf) = vrcp.f32 v0;
	_ =	sdelay $0x4  }
0x3c7: {  	v1 =	vld [tilespmem:s19+$0x0];
	vm0 =	veq.f32 v38, $0.0e+00  }
0x3c8: {  	v0 =	vsel vm0, $0x3F800000, v38  }
0x3c9: {  	(erf) = vrcp.f32 v0  }
0x3ca: {  	v13 =	vimm.s32 $0x81  }
0x3cb: {  	v39 =	vpop (erf)  }
0x3cc: {  	v0 =	vmul.f32 v39, v1;
	_ =	sdelay $0x1  }
0x3cd: {  	v40 =	vld [tilespmem:s19+$0xFFFFFF70];
	[tilespmem:s19+$0x0] =	vst v0  }
0x3ce: {  	v0 =	vld.idx.msk [tilespmem:v13+s19+$0x0], $0xffff;
	_ =	sdelay $0x2  }
0x3cf: {  	v5 =	vpop (erf)  }
0x3d0: {  	v1 =	vmul.f32 v5, v40  }
0x3d1: {  	vm0 =	veq.f32 v0, $0.0e+00  }
0x3d2: {  	[tilespmem:s19+$0xFFFFFF70] =	vst v1;
	v0 =	vsel vm0, $0x3F800000, v0  }
0x3d3: {  	v41 =	vld.idx.msk [tilespmem:v13+s19+$0xFFFFFF70], $0xffff;
	(erf) = vrcp.f32 v0;
	_ =	sdelay $0x1  }
0x3d4: {  	s20 =	simm.s32 $0xDEF0  }
0x3d5: {  	v42 =	vld.idx.msk [tilespmem:v11+s20+$0x0], $0xffff;
	_ =	sdelay $0x1  }
0x3d6: {  	v43 =	vld [tilespmem:s19+$0x10];
	vm0 =	veq.f32 v41, $0.0e+00  }
0x3d7: {  	v0 =	vsel vm0, $0x3F800000, v41  }
0x3d8: {  	(erf) = vrcp.f32 v0  }
0x3d9: {  	vm0 =	veq.f32 v42, $0.0e+00  }
0x3da: {  	v6 =	vld.idx.msk [tilespmem:v11+s20+$0xFFFFFF70], $0xffff;
	v44 =	vsel vm0, $0x3F800000, v42;
	v45 =	vpop (erf)  }
0x3db: {  	(erf) = vrcp.f32 v44;
	v46 =	vmul.f32 v45, v43;
	_ =	sdelay $0x1  }
0x3dc: {  	v2 =	vld [tilespmem:s19+$0xFFFFFF80];
	[tilespmem:s19+$0x10] =	vst v46  }
0x3dd: {  	v0 =	vld.idx.msk [tilespmem:v61+s19+$0x0], $0xffff  }
0x3de: {  	vm0 =	veq.f32 v6, $0.0e+00  }
0x3df: {  	v47 =	vld [tilespmem:s20+$0x0];
	v48 =	vsel vm0, $0x3F800000, v6  }
0x3e0: {  	(erf) = vrcp.f32 v48;
	v49 =	vpop (erf)  }
0x3e1: {  	v2 =	vmul.f32 v49, v2  }
0x3e2: {  	vm0 =	veq.f32 v0, $0.0e+00  }
0x3e3: {  	v50 =	vpop (erf);
	[tilespmem:s19+$0xFFFFFF80] =	vst v2;
	v0 =	vsel vm0, $0x3F800000, v0  }
0x3e4: {  	v1 =	vmul.f32 v50, v47;
	v55 =	vld.idx.msk [tilespmem:v61+s19+$0xFFFFFF70], $0xffff;
	(erf) = vrcp.f32 v0  }
0x3e5: {  	v54 =	vld [tilespmem:s20+$0xFFFFFF70]  }
0x3e6: {  	[tilespmem:s20+$0x0] =	vst v1  }
0x3e7: {  	v1 =	vld.idx.msk [tilespmem:v13+s20+$0x0], $0xffff;
	_ =	sdelay $0x1  }
0x3e8: {  	v7 =	vld [tilespmem:s19+$0x20];
	v8 =	vpop (erf);
	vm0 =	veq.f32 v55, $0.0e+00  }
0x3e9: {  	v6 =	vmul.f32 v8, v54;
	v0 =	vsel vm0, $0x3F800000, v55  }
0x3ea: {  	(erf) = vrcp.f32 v0  }
0x3eb: {  	v3 =	vld [tilespmem:s19+$0xFFFFFF90];
	[tilespmem:s20+$0xFFFFFF70] =	vst v6;
	vm0 =	veq.f32 v1, $0.0e+00  }
0x3ec: {  	v6 =	vld.idx.msk [tilespmem:v13+s20+$0xFFFFFF70], $0xffff;
	v1 =	vsel vm0, $0x3F800000, v1;
	v32 =	vpop (erf)  }
0x3ed: {  	v4 =	vld [tilespmem:s19+$0xFFFFFFA0];
	(erf) = vrcp.f32 v1;
	v0 =	vmul.f32 v32, v7  }
0x3ee: {  	s21 =	simm.s32 $0xE010;
	v23 =	vld [tilespmem:s19+$0xFFFFFFB0]  }
0x3ef: {  	v33 =	vld.idx.msk [tilespmem:v11+s21+$0x0], $0xffff;
	[tilespmem:s19+$0x20] =	vst v0  }
0x3f0: {  	v0 =	vld.idx.msk [tilespmem:v62+s19+$0x0], $0xffff  }
0x3f1: {  	v27 =	vld [tilespmem:s19+$0xFFFFFFC0];
	vm0 =	veq.f32 v6, $0.0e+00  }
0x3f2: {  	v34 =	vld [tilespmem:s20+$0x10];
	v6 =	vsel vm0, $0x3F800000, v6  }
0x3f3: {  	v37 =	vld [tilespmem:s19+$0xFFFFFFD0];
	(erf) = vrcp.f32 v6;
	v36 =	vpop (erf)  }
0x3f4: {  	v20 =	vld [tilespmem:s19+$0xFFFFFFE0];
	vm0 =	veq.f32 v33, $0.0e+00;
	v3 =	vmul.f32 v36, v3  }
0x3f5: {  	v60 =	vld [tilespmem:s20+$0xFFFFFF80];
	v1 =	vsel vm0, $0x3F800000, v33;
	vm0 =	veq.f32 v0, $0.0e+00  }
0x3f6: {  	v38 =	vld.idx.msk [tilespmem:v11+s21+$0xFFFFFF70], $0xffff;
	(erf) = vrcp.f32 v1;
	v39 =	vpop (erf);
	[tilespmem:s19+$0xFFFFFF90] =	vst v3;
	v0 =	vsel vm0, $0x3F800000, v0  }
0x3f7: {  	v1 =	vmul.f32 v39, v34;
	v40 =	vld.idx.msk [tilespmem:v62+s19+$0xFFFFFF70], $0xffff;
	(erf) = vrcp.f32 v0  }
0x3f8: {  	v24 =	vld [tilespmem:s20+$0xFFFFFFA0]  }
0x3f9: {  	v30 =	vld [tilespmem:s20+$0xFFFFFFB0];
	[tilespmem:s20+$0x10] =	vst v1  }
0x3fa: {  	v1 =	vld.idx.msk [tilespmem:v61+s20+$0x0], $0xffff  }
0x3fb: {  	v35 =	vld [tilespmem:s20+$0xFFFFFFC0];
	vm0 =	veq.f32 v38, $0.0e+00  }
0x3fc: {  	v42 =	vld [tilespmem:s19+$0x30];
	v44 =	vpop (erf);
	v41 =	vsel vm0, $0x3F800000, v38;
	vm0 =	veq.f32 v40, $0.0e+00  }
0x3fd: {  	v43 =	vld [tilespmem:s21+$0x0];
	v2 =	vmul.f32 v44, v60;
	(erf) = vrcp.f32 v41;
	v0 =	vsel vm0, $0x3F800000, v40  }
0x3fe: {  	v26 =	vld [tilespmem:s20+$0xFFFFFFD0];
	(erf) = vrcp.f32 v0  }
0x3ff: {  	v21 =	vld [tilespmem:s20+$0xFFFFFFE0];
	v46 =	vpop (erf);
	[tilespmem:s20+$0xFFFFFF80] =	vst v2;
	vm0 =	veq.f32 v1, $0.0e+00  }
0x400: {  	v9 =	vld.idx.msk [tilespmem:v61+s20+$0xFFFFFF70], $0xffff;
	v1 =	vsel vm0, $0x3F800000, v1;
	v47 =	vpop (erf)  }
0x401: {  	v31 =	vld [tilespmem:s21+$0xFFFFFF90];
	(erf) = vrcp.f32 v1;
	v2 =	vmul.f32 v47, v42  }
0x402: {  	v45 =	vld [tilespmem:s21+$0xFFFFFF70];
	v48 =	vmul.f32 v46, v43  }
0x403: {  	v29 =	vld [tilespmem:s21+$0xFFFFFFC0];
	[tilespmem:s19+$0x30] =	vst v2  }
0x404: {  	[tilespmem:s21+$0x0] =	vst v48;
	v49 =	vld.idx.msk [tilespmem:v63+s19+$0x0], $0xffff  }
0x405: {  	v50 =	vld.idx.msk [tilespmem:v13+s21+$0x0], $0xffff;
	vm0 =	veq.f32 v9, $0.0e+00  }
0x406: {  	v55 =	vld [tilespmem:s20+$0x20];
	v60 =	vsel vm0, $0x3F800000, v9;
	v54 =	vpop (erf)  }
0x407: {  	v25 =	vld [tilespmem:s21+$0xFFFFFFD0];
	(erf) = vrcp.f32 v60;
	v3 =	vmul.f32 v54, v45;
	v9 =	vpop (erf)  }
0x408: {  	s22 =	simm.s32 $0xE130;
	v22 =	vld [tilespmem:s21+$0xFFFFFFE0];
	v10 =	vmul.f32 v9, v4  }
0x409: {  	v28 =	vld [tilespmem:s22+$0xFFFFFFC0];
	[tilespmem:s21+$0xFFFFFF70] =	vst v3;
	vm0 =	veq.f32 v49, $0.0e+00  }
0x40a: {  	vm1 =	veq.f32 v50, $0.0e+00;
	v33 =	vpop (erf);
	v32 =	vld.idx.msk [tilespmem:v13+s21+$0xFFFFFF70], $0xffff;
	[tilespmem:s19+$0xFFFFFFA0] =	vst v10;
	v1 =	vsel vm0, $0x3F800000, v49  }
0x40b: {  	v2 =	vsel vm1, $0x3F800000, v50;
	v34 =	vmul.f32 v33, v55;
	v39 =	vld.idx.msk [tilespmem:v63+s19+$0xFFFFFF70], $0xffff;
	(erf) = vrcp.f32 v1  }
0x40c: {  	v5 =	vld [tilespmem:s20+$0xFFFFFF90];
	(erf) = vrcp.f32 v2  }
0x40d: {  	v40 =	vld.idx.msk [tilespmem:v11+s22+$0x0], $0xffff;
	[tilespmem:s20+$0x20] =	vst v34  }
0x40e: {  	v3 =	vld.idx.msk [tilespmem:v62+s20+$0x0], $0xffff  }
0x40f: {  	v36 =	vld [tilespmem:s21+$0xFFFFFFA0];
	vm0 =	veq.f32 v32, $0.0e+00  }
0x410: {  	v41 =	vld [tilespmem:s19+$0x40];
	v42 =	vpop (erf);
	v4 =	vsel vm0, $0x3F800000, v32;
	vm0 =	veq.f32 v39, $0.0e+00  }
0x411: {  	v43 =	vld [tilespmem:s21+$0x10];
	v5 =	vmul.f32 v42, v5;
	v1 =	vsel vm0, $0x3F800000, v39;
	(erf) = vrcp.f32 v4  }
0x412: {  	v44 =	vld.idx.msk [tilespmem:v11+s22+$0xFFFFFF70], $0xffff;
	vm1 =	veq.f32 v40, $0.0e+00;
	(erf) = vrcp.f32 v1  }
0x413: {  	v38 =	vld [tilespmem:s21+$0xFFFFFFB0];
	v2 =	vsel vm1, $0x3F800000, v40;
	vm0 =	veq.f32 v3, $0.0e+00;
	[tilespmem:s20+$0xFFFFFF90] =	vst v5  }
0x414: {  	v46 =	vsel vm0, $0x3F800000, v3;
	v5 =	vld.idx.msk [tilespmem:v62+s20+$0xFFFFFF70], $0xffff;
	(erf) = vrcp.f32 v2;
	v45 =	vpop (erf)  }
0x415: {  	v0 =	vld [tilespmem:s21+$0xFFFFFF80];
	(erf) = vrcp.f32 v46;
	v47 =	vpop (erf);
	v1 =	vmul.f32 v45, v41  }
0x416: {  	s23 =	simm.s32 $0xE250;
	v60 =	vld [tilespmem:s22+$0x0];
	v3 =	vmul.f32 v47, v43  }
0x417: {  	v9 =	vld [tilespmem:s23+$0xFFFFFF70];
	[tilespmem:s19+$0x40] =	vst v1  }
0x418: {  	vm0 =	veq.f32 v44, $0.0e+00;
	[tilespmem:s21+$0x10] =	vst v3;
	v49 =	vld.idx.msk [tilespmem:v12+s19+$0x0], $0xffff  }
0x419: {  	v48 =	vsel vm0, $0x3F800000, v44;
	vm0 =	veq.f32 v5, $0.0e+00;
	v50 =	vld.idx.msk [tilespmem:v61+s21+$0x0], $0xffff  }
0x41a: {  	v55 =	vld [tilespmem:s20+$0x30];
	v5 =	vsel vm0, $0x3F800000, v5;
	(erf) = vrcp.f32 v48;
	v54 =	vpop (erf)  }
0x41b: {  	v33 =	vld [tilespmem:s21+$0x20];
	v44 =	vpop (erf);
	(erf) = vrcp.f32 v5  }
0x41c: {  	v32 =	vld [tilespmem:s22+$0xFFFFFFB0];
	v0 =	vmul.f32 v54, v0  }
0x41d: {  	v40 =	vld [tilespmem:s22+$0xFFFFFFA0];
	v45 =	vpop (erf);
	vm0 =	veq.f32 v49, $0.0e+00  }
0x41e: {  	v2 =	vld [tilespmem:s22+$0xFFFFFF70];
	v6 =	vmul.f32 v44, v23;
	[tilespmem:s21+$0xFFFFFF80] =	vst v0;
	v47 =	vpop (erf);
	vm1 =	veq.f32 v50, $0.0e+00;
	v3 =	vsel vm0, $0x3F800000, v49  }
0x41f: {  	v46 =	vld.idx.msk [tilespmem:v61+s21+$0xFFFFFF70], $0xffff;
	v7 =	vmul.f32 v47, v55;
	v1 =	vsel vm1, $0x3F800000, v50;
	(erf) = vrcp.f32 v3  }
0x420: {  	v4 =	vld [tilespmem:s22+$0xFFFFFF80];
	v0 =	vmul.f32 v45, v60;
	[tilespmem:s19+$0xFFFFFFB0] =	vst v6;
	(erf) = vrcp.f32 v1  }
0x421: {  	v48 =	vld.idx.msk [tilespmem:v12+s19+$0xFFFFFF70], $0xffff;
	[tilespmem:s20+$0x30] =	vst v7  }
0x422: {  	[tilespmem:s22+$0x0] =	vst v0;
	v50 =	vld.idx.msk [tilespmem:v63+s20+$0x0], $0xffff  }
0x423: {  	v54 =	vld.idx.msk [tilespmem:v13+s22+$0x0], $0xffff;
	v49 =	vpop (erf)  }
0x424: {  	v55 =	vld [tilespmem:s19+$0x50];
	v0 =	vmul.f32 v49, v2;
	vm0 =	veq.f32 v46, $0.0e+00;
	v34 =	vpop (erf)  }
0x425: {  	v41 =	vld [tilespmem:s22+$0xFFFFFF90];
	v60 =	vsel vm0, $0x3F800000, v46;
	v42 =	vmul.f32 v34, v24  }
0x426: {  	v23 =	vld [tilespmem:s22+$0xFFFFFFE0];
	vm0 =	veq.f32 v48, $0.0e+00;
	[tilespmem:s22+$0xFFFFFF70] =	vst v0;
	(erf) = vrcp.f32 v60  }
0x427: {  	v1 =	vsel vm0, $0x3F800000, v48;
	v39 =	vld.idx.msk [tilespmem:v13+s22+$0xFFFFFF70], $0xffff;
	[tilespmem:s20+$0xFFFFFFA0] =	vst v42;
	vm0 =	veq.f32 v50, $0.0e+00  }
0x428: {  	(erf) = vrcp.f32 v1;
	v46 =	vld.idx.msk [tilespmem:v63+s20+$0xFFFFFF70], $0xffff;
	v44 =	vsel vm0, $0x3F800000, v50;
	v43 =	vpop (erf)  }
0x429: {  	v47 =	vld.idx.msk [tilespmem:v11+s23+$0x0], $0xffff;
	vm1 =	veq.f32 v54, $0.0e+00;
	(erf) = vrcp.f32 v44;
	v45 =	vpop (erf);
	v0 =	vmul.f32 v43, v55  }
0x42a: {  	v24 =	vld [tilespmem:s22+$0xFFFFFFD0];
	v2 =	vsel vm1, $0x3F800000, v54;
	v3 =	vmul.f32 v45, v33  }
0x42b: {  	v60 =	vld [tilespmem:s22+$0x10];
	(erf) = vrcp.f32 v2;
	[tilespmem:s19+$0x50] =	vst v0  }
0x42c: {  	vm0 =	veq.f32 v39, $0.0e+00;
	[tilespmem:s21+$0x20] =	vst v3;
	v49 =	vld.idx.msk [tilespmem:v19+s19+$0x0], $0xffff  }
0x42d: {  	v48 =	vsel vm0, $0x3F800000, v39;
	vm0 =	veq.f32 v46, $0.0e+00;
	v50 =	vld.idx.msk [tilespmem:v62+s21+$0x0], $0xffff  }
0x42e: {  	v54 =	vld [tilespmem:s20+$0x40];
	v7 =	vsel vm0, $0x3F800000, v46  }
0x42f: {  	v34 =	vld [tilespmem:s23+$0xFFFFFFA0];
	(erf) = vrcp.f32 v48;
	v55 =	vpop (erf)  }
0x430: {  	v42 =	vld [tilespmem:s21+$0x30];
	vm0 =	veq.f32 v47, $0.0e+00;
	v6 =	vmul.f32 v55, v31;
	(erf) = vrcp.f32 v7  }
0x431: {  	v39 =	vld [tilespmem:s23+$0xFFFFFF90];
	v1 =	vsel vm0, $0x3F800000, v47;
	v7 =	vpop (erf);
	vm0 =	veq.f32 v49, $0.0e+00  }
0x432: {  	v2 =	vld.idx.msk [tilespmem:v11+s23+$0xFFFFFF70], $0xffff;
	[tilespmem:s21+$0xFFFFFF90] =	vst v6;
	(erf) = vrcp.f32 v1;
	v45 =	vpop (erf);
	vm1 =	veq.f32 v50, $0.0e+00;
	v3 =	vsel vm0, $0x3F800000, v49  }
0x433: {  	v10 =	vld.idx.msk [tilespmem:v62+s21+$0xFFFFFF70], $0xffff;
	v1 =	vmul.f32 v45, v54;
	v0 =	vsel vm1, $0x3F800000, v50;
	(erf) = vrcp.f32 v3  }
0x434: {  	v43 =	vld [tilespmem:s23+$0xFFFFFF80];
	v46 =	vpop (erf);
	(erf) = vrcp.f32 v0  }
0x435: {  	v47 =	vmul.f32 v46, v60;
	v60 =	vld [tilespmem:s19+$0x60];
	[tilespmem:s20+$0x40] =	vst v1  }
0x436: {  	v50 =	vld.idx.msk [tilespmem:v12+s20+$0x0], $0xffff  }
0x437: {  	vm0 =	veq.f32 v2, $0.0e+00;
	v0 =	vld [tilespmem:s23+$0x0];
	[tilespmem:s22+$0x10] =	vst v47  }
0x438: {  	v48 =	vsel vm0, $0x3F800000, v2;
	v49 =	vpop (erf);
	vm0 =	veq.f32 v10, $0.0e+00;
	v55 =	vld.idx.msk [tilespmem:v61+s22+$0x0], $0xffff  }
0x439: {  	v33 =	vld [tilespmem:s23+$0xFFFFFFB0];
	v54 =	vmul.f32 v49, v4;
	v44 =	vpop (erf);
	v45 =	vsel vm0, $0x3F800000, v10;
	(erf) = vrcp.f32 v48  }
0x43a: {  	v31 =	vld [tilespmem:s23+$0xFFFFFFC0];
	v5 =	vmul.f32 v44, v30;
	(erf) = vrcp.f32 v45  }
0x43b: {  	v47 =	vmul.f32 v7, v27;
	v30 =	vld [tilespmem:s23+$0xFFFFFFD0];
	[tilespmem:s22+$0xFFFFFF80] =	vst v54;
	v48 =	vpop (erf);
	vm0 =	veq.f32 v50, $0.0e+00  }
0x43c: {  	v46 =	vld.idx.msk [tilespmem:v61+s22+$0xFFFFFF70], $0xffff;
	[tilespmem:s20+$0xFFFFFFB0] =	vst v5;
	v0 =	vmul.f32 v48, v0;
	v3 =	vsel vm0, $0x3F800000, v50;
	v49 =	vpop (erf)  }
0x43d: {  	[tilespmem:s19+$0xFFFFFFC0] =	vst v47;
	v54 =	vld.idx.msk [tilespmem:v12+s20+$0xFFFFFF70], $0xffff;
	vm1 =	veq.f32 v55, $0.0e+00;
	(erf) = vrcp.f32 v3;
	v50 =	vpop (erf);
	v4 =	vmul.f32 v49, v60  }
0x43e: {  	[tilespmem:s23+$0x0] =	vst v0;
	v2 =	vsel vm1, $0x3F800000, v55;
	v60 =	vld.idx.msk [tilespmem:v19+s19+$0xFFFFFF70], $0xffff;
	v55 =	vmul.f32 v50, v42  }
0x43f: {  	(erf) = vrcp.f32 v2;
	v2 =	vld.idx.msk [tilespmem:v13+s23+$0x0], $0xffff;
	[tilespmem:s19+$0x60] =	vst v4  }
0x440: {  	[tilespmem:s21+$0x30] =	vst v55;
	v42 =	vld.idx.msk [tilespmem:v53+s19+$0x0], $0xffff  }
0x441: {  	vm0 =	veq.f32 v46, $0.0e+00;
	v44 =	vld.idx.msk [tilespmem:v63+s21+$0x0], $0xffff  }
0x442: {  	v45 =	vsel vm0, $0x3F800000, v46;
	vm0 =	veq.f32 v54, $0.0e+00;
	v46 =	vld [tilespmem:s20+$0x50];
	v10 =	vpop (erf)  }
0x443: {  	v27 =	vld [tilespmem:s23+$0xFFFFFFE0];
	(erf) = vrcp.f32 v45;
	v7 =	vsel vm0, $0x3F800000, v54;
	v3 =	vmul.f32 v10, v9;
	v48 =	vpop (erf)  }
0x444: {  	s24 =	simm.s32 $0xE370;
	v47 =	vld [tilespmem:s22+$0x20];
	(erf) = vrcp.f32 v7;
	v5 =	vmul.f32 v48, v36;
	vm0 =	veq.f32 v60, $0.0e+00  }
0x445: {  	v36 =	vld.idx.msk [tilespmem:v11+s24+$0xFFFFFF70], $0xffff;
	[tilespmem:s23+$0xFFFFFF70] =	vst v3;
	vm1 =	veq.f32 v2, $0.0e+00;
	v1 =	vsel vm0, $0x3F800000, v60;
	vm0 =	veq.f32 v42, $0.0e+00  }
0x446: {  	v49 =	vld.idx.msk [tilespmem:v13+s23+$0xFFFFFF70], $0xffff;
	[tilespmem:s21+$0xFFFFFFA0] =	vst v5;
	(erf) = vrcp.f32 v1;
	v50 =	vpop (erf);
	vm2 =	veq.f32 v44, $0.0e+00;
	v0 =	vsel vm0, $0x3F800000, v42  }
0x447: {  	v55 =	vld.idx.msk [tilespmem:v63+s21+$0xFFFFFF70], $0xffff;
	v1 =	vmul.f32 v50, v46;
	v4 =	vsel vm2, $0x3F800000, v44;
	(erf) = vrcp.f32 v0  }
0x448: {  	v48 =	vld [tilespmem:s23+$0x10];
	v2 =	vsel vm1, $0x3F800000, v2;
	v54 =	vpop (erf);
	(erf) = vrcp.f32 v4  }
0x449: {  	v60 =	vld.idx.msk [tilespmem:v11+s24+$0x0], $0xffff;
	v3 =	vmul.f32 v54, v47;
	[tilespmem:s20+$0x50] =	vst v1;
	(erf) = vrcp.f32 v2  }
0x44a: {  	v1 =	vld.idx.msk [tilespmem:v19+s20+$0x0], $0xffff  }
0x44b: {  	v11 =	vld [tilespmem:s24+$0xFFFFFF70];
	vm0 =	veq.f32 v49, $0.0e+00;
	[tilespmem:s22+$0x20] =	vst v3  }
0x44c: {  	v45 =	vsel vm0, $0x3F800000, v49;
	vm0 =	veq.f32 v55, $0.0e+00;
	v3 =	vld.idx.msk [tilespmem:v62+s22+$0x0], $0xffff  }
0x44d: {  	v46 =	vpop (erf);
	v47 =	vld [tilespmem:s21+$0x40];
	v7 =	vsel vm0, $0x3F800000, v55  }
0x44e: {  	v42 =	vld [tilespmem:s24+$0xFFFFFF80];
	v8 =	vpop (erf);
	v5 =	vmul.f32 v46, v41;
	vm0 =	veq.f32 v60, $0.0e+00;
	(erf) = vrcp.f32 v45  }
0x44f: {  	v41 =	vld [tilespmem:s24+$0xFFFFFF90];
	v0 =	vsel vm0, $0x3F800000, v60;
	(erf) = vrcp.f32 v7;
	v10 =	vpop (erf);
	vm0 =	veq.f32 v1, $0.0e+00  }
0x450: {  	v2 =	vld [tilespmem:s19+$0x70];
	v49 =	vsel vm0, $0x3F800000, v1;
	v7 =	vpop (erf);
	(erf) = vrcp.f32 v0  }
0x451: {  	v8 =	vmul.f32 v8, v35;
	v35 =	vld [tilespmem:s24+$0xFFFFFFB0];
	[tilespmem:s22+$0xFFFFFF90] =	vst v5;
	vm2 =	veq.f32 v3, $0.0e+00;
	v50 =	vpop (erf);
	(erf) = vrcp.f32 v49  }
0x452: {  	vm1 =	veq.f32 v36, $0.0e+00;
	v55 =	vld.idx.msk [tilespmem:v62+s22+$0xFFFFFF70], $0xffff;
	v3 =	vsel vm2, $0x3F800000, v3;
	v54 =	vpop (erf);
	v1 =	vmul.f32 v50, v47  }
0x453: {  	v60 =	vsel vm1, $0x3F800000, v36;
	v45 =	vld [tilespmem:s24+$0x0];
	(erf) = vrcp.f32 v3;
	v44 =	vmul.f32 v54, v48  }
0x454: {  	v47 =	vld [tilespmem:s20+$0x60];
	(erf) = vrcp.f32 v60;
	[tilespmem:s21+$0x40] =	vst v1  }
0x455: {  	[tilespmem:s23+$0x10] =	vst v44;
	v1 =	vld.idx.msk [tilespmem:v12+s21+$0x0], $0xffff  }
0x456: {  	v4 =	vld.idx.msk [tilespmem:v61+s23+$0x0], $0xffff  }
0x457: {  	v18 =	vimm.s32 $0x85;
	v36 =	vld [tilespmem:s24+$0xFFFFFFA0];
	vm0 =	veq.f32 v55, $0.0e+00;
	v46 =	vpop (erf)  }
0x458: {  	v6 =	vsel vm0, $0x3F800000, v55;
	v48 =	vld [tilespmem:s22+$0x30];
	v0 =	vmul.f32 v46, v43;
	v49 =	vpop (erf)  }
0x459: {  	[tilespmem:s20+$0xFFFFFFC0] =	vst v8;
	v8 =	vld [tilespmem:s21+$0x50];
	(erf) = vrcp.f32 v6;
	v9 =	vmul.f32 v49, v38;
	v13 =	vpop (erf)  }
0x45a: {  	v60 =	vld.idx.msk [tilespmem:v19+s20+$0xFFFFFF70], $0xffff;
	[tilespmem:s23+$0xFFFFFF80] =	vst v0;
	v3 =	vmul.f32 v13, v45;
	v13 =	vimm.s32 $0x81;
	vm0 =	veq.f32 v1, $0.0e+00;
	v50 =	vpop (erf)  }
0x45b: {  	v12 =	vld.idx.msk [tilespmem:v61+s23+$0xFFFFFF70], $0xffff;
	[tilespmem:s21+$0xFFFFFFB0] =	vst v9;
	vm1 =	veq.f32 v4, $0.0e+00;
	v1 =	vsel vm0, $0x3F800000, v1;
	v5 =	vmul.f32 v50, v47  }
0x45c: {  	v6 =	vld.idx.msk [tilespmem:v18+s21+$0xFFFFFF70], $0xffff;
	v54 =	vpop (erf);
	v4 =	vsel vm1, $0x3F800000, v4;
	(erf) = vrcp.f32 v1  }
0x45d: {  	v46 =	vld [tilespmem:s23+$0x20];
	v0 =	vmul.f32 v54, v48;
	v55 =	vpop (erf);
	(erf) = vrcp.f32 v4;
	[tilespmem:s20+$0x60] =	vst v5  }
0x45e: {  	[tilespmem:s24+$0x0] =	vst v3;
	v3 =	vmul.f32 v55, v11;
	v48 =	vld.idx.msk [tilespmem:v53+s20+$0x0], $0xffff  }
0x45f: {  	[tilespmem:s22+$0x30] =	vst v0;
	v43 =	vld.idx.msk [tilespmem:v13+s24+$0x0], $0xffff  }
0x460: {  	v49 =	vmul.f32 v10, v37;
	vm0 =	veq.f32 v12, $0.0e+00;
	[tilespmem:s24+$0xFFFFFF70] =	vst v3;
	v3 =	vld.idx.msk [tilespmem:v63+s22+$0x0], $0xffff  }
0x461: {  	v2 =	vmul.f32 v7, v2;
	v38 =	vld [tilespmem:s24+$0xFFFFFFC0];
	v50 =	vsel vm0, $0x3F800000, v12;
	vm0 =	veq.f32 v6, $0.0e+00  }
0x462: {  	v37 =	vld [tilespmem:s24+$0xFFFFFFE0];
	[tilespmem:s19+$0xFFFFFFD0] =	vst v49;
	v54 =	vpop (erf);
	(erf) = vrcp.f32 v50;
	v6 =	vsel vm0, $0x3F800000, v6;
	vm0 =	veq.f32 v60, $0.0e+00  }
0x463: {  	v45 =	vld.idx.msk [tilespmem:v53+s19+$0xFFFFFF70], $0xffff;
	v55 =	vmul.f32 v54, v40;
	(erf) = vrcp.f32 v6;
	v1 =	vsel vm0, $0x3F800000, v60  }
0x464: {  	v12 =	vimm.s32 $0x85;
	v40 =	vld [tilespmem:s24+$0xFFFFFFD0];
	(erf) = vrcp.f32 v1;
	vm1 =	veq.f32 v48, $0.0e+00  }
0x465: {  	v44 =	vld.idx.msk [tilespmem:v13+s24+$0xFFFFFF70], $0xffff;
	[tilespmem:s22+$0xFFFFFFA0] =	vst v55;
	vm0 =	veq.f32 v43, $0.0e+00;
	vm2 =	veq.f32 v3, $0.0e+00;
	v0 =	vsel vm1, $0x3F800000, v48;
	v60 =	vpop (erf)  }
0x466: {  	s25 =	simm.s32 $0xA;
	s26 =	simm.s32 $0xE490;
	[tilespmem:s19+$0x70] =	vst v2;
	v47 =	vld.idx.msk [tilespmem:v63+s22+$0xFFFFFF70], $0xffff;
	v50 =	vsel vm2, $0x3F800000, v3;
	(erf) = vrcp.f32 v0;
	v49 =	vpop (erf);
	v48 =	vmul.f32 v60, v8  }
.LBB2_18:
0x467: {  	v3 =	vimm.s32 $0x80;
	_ =	sdelay $0x4  }
0x468: {  	v1 =	vsel vm0, $0x3F800000, v43;
	v4 =	vmul.f32 v49, v46;
	(erf) = vrcp.f32 v50;
	v0 =	vld.idx.msk [tilespmem:v3+s26+$0x0], $0xffff  }
0x469: {  	vm0 =	veq.f32 v44, $0.0e+00;
	v3 =	vld.idx.msk [tilespmem:v3+s26+$0xFFFFFF70], $0xffff;
	(erf) = vrcp.f32 v1;
	[tilespmem:s21+$0x50] =	vst v48  }
0x46a: {  	v1 =	vsel vm0, $0x3F800000, v44;
	[tilespmem:s23+$0x20] =	vst v4;
	v2 =	vpop (erf);
	v4 =	vld.idx.msk [tilespmem:v19+s21+$0x0], $0xffff  }
0x46b: {  	vm0 =	veq.f32 v45, $0.0e+00;
	(erf) = vrcp.f32 v1;
	v1 =	vmul.f32 v2, v39;
	v2 =	vld.idx.msk [tilespmem:v62+s23+$0x0], $0xffff;
	v39 =	vmovc v41  }
0x46c: {  	s25 =	sadd.s32 $0x2, s25;
	v6 =	vsel vm0, $0x3F800000, v45;
	v5 =	vld [tilespmem:s20+$0x70]  }
0x46d: {  	p1 =	slt.u32 s25, $0x136;
	vm0 =	veq.f32 v47, $0.0e+00;
	[tilespmem:s23+$0xFFFFFF90] =	vst v1;
	v1 =	vld [tilespmem:s22+$0x40];
	v7 =	vpop (erf);
	(erf) = vrcp.f32 v6  }
0x46e: {  	v8 =	vsel vm0, $0x3F800000, v47;
	vm1 =	veq.f32 v0, $0.0e+00;
	v6 =	vld [tilespmem:s24+$0x10];
	v13 =	vmul.f32 v7, v29;
	v9 =	vpop (erf)  }
0x46f: {  	vm0 =	veq.f32 v3, $0.0e+00;
	v11 =	vsel vm1, $0x3F800000, v0;
	v29 =	vmovc v28;
	v28 =	vmovc v31;
	v10 =	vld [tilespmem:s26+$0xFFFFFF70];
	(erf) = vrcp.f32 v8  }
0x470: {  	v3 =	vsel vm0, $0x3F800000, v3;
	vm0 =	veq.f32 v4, $0.0e+00;
	v8 =	vld [tilespmem:s26+$0xFFFFFF80];
	(erf) = vrcp.f32 v11;
	[tilespmem:s21+$0xFFFFFFC0] =	vst v13;
	v0 =	vpop (erf)  }
0x471: {  	vm1 =	veq.f32 v2, $0.0e+00;
	v4 =	vsel vm0, $0x3F800000, v4;
	v41 =	vld [tilespmem:s26+$0xFFFFFF90];
	v7 =	vpop (erf);
	v0 =	vmul.f32 v0, v5  }
0x472: {  	v13 =	vsel vm1, $0x3F800000, v2;
	v5 =	vpop (erf);
	v11 =	vld.idx.msk [tilespmem:v62+s23+$0xFFFFFF70], $0xffff;
	v1 =	vmul.f32 v7, v1;
	(erf) = vrcp.f32 v4  }
0x473: {  	v31 =	vmov v38;
	v4 =	vld [tilespmem:s26+$0xFFFFFFA0];
	v5 =	vmul.f32 v5, v6;
	(erf) = vrcp.f32 v13;
	[tilespmem:s20+$0x70] =	vst v0  }
0x474: {  	v6 =	vmul.f32 v9, v26;
	v26 =	vmov v25;
	v0 =	vld [tilespmem:s26+$0x0];
	(erf) = vrcp.f32 v3;
	v2 =	vpop (erf);
	[tilespmem:s22+$0x40] =	vst v1  }
0x475: {  	v25 =	vmovc v24;
	v24 =	vmov v30;
	v2 =	vmul.f32 v2, v42;
	[tilespmem:s24+$0x10] =	vst v5;
	v3 =	vld.idx.msk [tilespmem:v12+s22+$0x0], $0xffff;
	v42 =	vmov v8  }
0x476: {  	v30 =	vmov v40;
	v5 =	vld.idx.msk [tilespmem:v61+s24+$0x0], $0xffff;
	[tilespmem:s20+$0xFFFFFFD0] =	vst v6;
	v1 =	vpop (erf)  }
0x477: {  	[tilespmem:s24+$0xFFFFFF80] =	vst v2;
	v2 =	vld [tilespmem:s21+$0x60];
	v1 =	vmul.f32 v1, v20;
	v20 =	vmovc v21;
	v21 =	vmovc v22;
	v22 =	vmov v23;
	v23 =	vmov v27  }
0x478: {  	vm0 =	veq.f32 v11, $0.0e+00;
	v27 =	vmov v37;
	v6 =	vld [tilespmem:s23+$0x30];
	v7 =	vpop (erf)  }
0x479: {  	v11 =	vsel vm0, $0x3F800000, v11;
	v8 =	vpop (erf);
	v9 =	vld.idx.msk [tilespmem:v61+s24+$0xFFFFFF70], $0xffff;
	v13 =	vmul.f32 v7, v32;
	[tilespmem:s19+$0xFFFFFFE0] =	vst v1;
	v32 =	vmov v33;
	s19 =	smov.u32 s20;
	s20 =	smov.u32 s21;
	s21 =	smov.u32 s22  }
0x47a: {  	v33 =	vmov v35;
	s22 =	smov.u32 s23;
	s23 =	smov.u32 s24;
	s24 =	smov.u32 s26;
	(erf) = vrcp.f32 v11;
	v35 =	vld [tilespmem:s26+$0xFFFFFFB0]  }
0x47b: {  	v11 =	vmul.f32 v8, v0;
	vm0 =	veq.f32 v3, $0.0e+00;
	v38 =	vld [tilespmem:s26+$0xFFFFFFC0];
	[tilespmem:s21+$0xFFFFFFB0] =	vst v13;
	v1 =	vpop (erf)  }
0x47c: {  	vm1 =	veq.f32 v5, $0.0e+00;
	v7 =	vpop (erf);
	v1 =	vmul.f32 v1, v2  }
0x47d: {  	v2 =	vsel vm1, $0x3F800000, v5;
	v5 =	vmul.f32 v7, v6;
	v6 =	vimm.s32 $0x81;
	_ =	sdelay $0x2  }
0x47e: {  	v3 =	vsel vm0, $0x3F800000, v3;
	v8 =	vld.idx.msk [tilespmem:v12+s21+$0xFFFFFF70], $0xffff  }
0x47f: {  	[tilespmem:s26+$0x0] =	vst v11;
	v0 =	vpop (erf);
	(erf) = vrcp.f32 v3;
	v3 =	vld.idx.msk [tilespmem:v19+s20+$0xFFFFFF70], $0xffff  }
0x480: {  	v0 =	vmul.f32 v0, v10;
	(erf) = vrcp.f32 v2;
	v43 =	vld.idx.msk [tilespmem:v6+s26+$0x0], $0xffff;
	[tilespmem:s20+$0x60] =	vst v1  }
0x481: {  	vm0 =	veq.f32 v9, $0.0e+00;
	[tilespmem:s22+$0x30] =	vst v5;
	v1 =	vld.idx.msk [tilespmem:v53+s20+$0x0], $0xffff  }
0x482: {  	[tilespmem:s26+$0xFFFFFF70] =	vst v0;
	v0 =	vsel vm0, $0x3F800000, v9;
	v2 =	vld.idx.msk [tilespmem:v63+s22+$0x0], $0xffff  }
0x483: {  	v16 =	vimm.s32 $0x81;
	v44 =	vld.idx.msk [tilespmem:v6+s26+$0xFFFFFF70], $0xffff;
	(erf) = vrcp.f32 v0  }
0x484: {  	vm0 =	veq.f32 v8, $0.0e+00;
	v0 =	vld [tilespmem:s21+$0x50]  }
.Ltmp18:
0x485: {  	v6 =	vsel vm0, $0x3F800000, v8;
	vm0 =	veq.f32 v3, $0.0e+00;
	v46 =	vld [tilespmem:s23+$0x20];
	v5 =	vpop (erf);
	(pc) =	sbr.rel @p1 .LBB2_18-.Ltmp18, $4  }
0x486: {  	v40 =	vld [tilespmem:s26+$0xFFFFFFD0];
	v5 =	vmul.f32 v5, v34;
	(erf) = vrcp.f32 v6;
	v6 =	vsel vm0, $0x3F800000, v3;
	v34 =	vmovc v36;
	v36 =	vmovc v4  }
0x487: {  	vm1 =	veq.f32 v1, $0.0e+00;
	(erf) = vrcp.f32 v6;
	v45 =	vld.idx.msk [tilespmem:v53+s19+$0xFFFFFF70], $0xffff  }
0x488: {  	vm0 =	veq.f32 v43, $0.0e+00;
	vm2 =	veq.f32 v2, $0.0e+00;
	v1 =	vsel vm1, $0x3F800000, v1;
	v37 =	vld [tilespmem:s26+$0xFFFFFFE0];
	[tilespmem:s22+$0xFFFFFFA0] =	vst v5;
	v3 =	vpop (erf)  }
0x489: {  	s26 =	sadd.s32 $0x120, s26;
	v50 =	vsel vm2, $0x3F800000, v2;
	v49 =	vpop (erf);
	v47 =	vld.idx.msk [tilespmem:v63+s22+$0xFFFFFF70], $0xffff;
	v48 =	vmul.f32 v3, v0;
	(erf) = vrcp.f32 v1  }
0x48a: {  	v0 =	vsel vm0, $0x3F800000, v43;
	(erf) = vrcp.f32 v50  }
0x48b: {  	vm9 =	veq.f32 v44, $0.0e+00;
	(erf) = vrcp.f32 v0  }
0x48c: {  	v43 =	vsel vm9, $0x3F800000, v44  }
0x48d: {  	(erf) = vrcp.f32 v43;
	_ =	sdelay $0x1  }
0x48e: {  	v1 =	vld [tilespmem:s22+$0x40];
	v44 =	vpop (erf)  }
0x48f: {  	v2 =	vmul.f32 v49, v46;
	v4 =	vld [tilespmem:s24+$0x10];
	v3 =	vpop (erf)  }
0x490: {  	[tilespmem:s21+$0x50] =	vst v48;
	v5 =	vpop (erf)  }
0x491: {  	[tilespmem:s23+$0x20] =	vst v2;
	v49 =	vld.idx.msk [tilespmem:v19+s21+$0x0], $0xffff;
	v0 =	vmul.f32 v44, v39;
	v39 =	vpop (erf)  }
0x492: {  	v6 =	vld.idx.msk [tilespmem:v62+s23+$0x0], $0xffff;
	v8 =	vpop (erf)  }
0x493: {  	vm10 =	veq.f32 v45, $0.0e+00;
	[tilespmem:s23+$0xFFFFFF90] =	vst v0;
	v1 =	vmul.f32 v8, v1;
	v54 =	vpop (erf)  }
0x494: {  	v7 =	vsel vm10, $0x3F800000, v45;
	vm11 =	veq.f32 v47, $0.0e+00;
	v55 =	vld.idx.msk [tilespmem:v62+s23+$0xFFFFFF70], $0xffff;
	v4 =	vmul.f32 v54, v4  }
0x495: {  	(erf) = vrcp.f32 v7;
	v50 =	vsel vm11, $0x3F800000, v47;
	v60 =	vpop (erf);
	[tilespmem:s22+$0x40] =	vst v1  }
0x496: {  	(erf) = vrcp.f32 v50;
	vm12 =	veq.f32 v49, $0.0e+00;
	v9 =	vmul.f32 v60, v42;
	[tilespmem:s24+$0x10] =	vst v4;
	v10 =	vld.idx.msk [tilespmem:v12+s22+$0x0], $0xffff  }
0x497: {  	vm1 =	veq.f32 v6, $0.0e+00;
	v2 =	vsel vm12, $0x3F800000, v49;
	v11 =	vld.idx.msk [tilespmem:v61+s24+$0x0], $0xffff  }
0x498: {  	v6 =	vsel vm1, $0x3F800000, v6;
	(erf) = vrcp.f32 v2;
	[tilespmem:s24+$0xFFFFFF80] =	vst v9  }
0x499: {  	(erf) = vrcp.f32 v6;
	vm13 =	veq.f32 v55, $0.0e+00;
	v1 =	vld.idx.msk [tilespmem:v61+s24+$0xFFFFFF70], $0xffff  }
0x49a: {  	v0 =	vsel vm13, $0x3F800000, v55  }
0x49b: {  	(erf) = vrcp.f32 v0;
	vm14 =	veq.f32 v10, $0.0e+00  }
0x49c: {  	vm15 =	veq.f32 v11, $0.0e+00;
	v44 =	vsel vm14, $0x3F800000, v10  }
0x49d: {  	v45 =	vld [tilespmem:s21+$0x60];
	v49 =	vmul.f32 v3, v29;
	v47 =	vsel vm15, $0x3F800000, v11;
	(erf) = vrcp.f32 v44  }
0x49e: {  	v48 =	vld [tilespmem:s23+$0x30];
	v42 =	vpop (erf);
	vm4 =	veq.f32 v1, $0.0e+00;
	(erf) = vrcp.f32 v47  }
0x49f: {  	[tilespmem:s21+$0xFFFFFFC0] =	vst v49;
	v46 =	vpop (erf);
	v1 =	vsel vm4, $0x3F800000, v1  }
0x4a0: {  	v29 =	vld.idx.msk [tilespmem:v19+s21+$0xFFFFFF70], $0xffff;
	v4 =	vmul.f32 v46, v32;
	(erf) = vrcp.f32 v1  }
0x4a1: {  	v55 =	vld [tilespmem:s22+$0x50];
	v50 =	vpop (erf)  }
0x4a2: {  	v60 =	vld [tilespmem:s24+$0x20];
	[tilespmem:s22+$0xFFFFFFB0] =	vst v4;
	v54 =	vpop (erf);
	v2 =	vmul.f32 v50, v45  }
0x4a3: {  	v4 =	vld.idx.msk [tilespmem:v12+s22+$0xFFFFFF70], $0xffff;
	v0 =	vmul.f32 v54, v48  }
0x4a4: {  	v5 =	vmul.f32 v5, v26;
	[tilespmem:s21+$0x60] =	vst v2;
	v32 =	vpop (erf)  }
0x4a5: {  	[tilespmem:s23+$0x30] =	vst v0;
	v43 =	vld.idx.msk [tilespmem:v53+s21+$0x0], $0xffff;
	v2 =	vmul.f32 v32, v34  }
0x4a6: {  	[tilespmem:s20+$0xFFFFFFD0] =	vst v5;
	v44 =	vld.idx.msk [tilespmem:v63+s23+$0x0], $0xffff;
	v45 =	vpop (erf)  }
0x4a7: {  	v46 =	vld.idx.msk [tilespmem:v53+s20+$0xFFFFFF70], $0xffff;
	[tilespmem:s23+$0xFFFFFFA0] =	vst v2;
	v47 =	vpop (erf);
	v3 =	vmul.f32 v45, v55  }
0x4a8: {  	vm6 =	veq.f32 v29, $0.0e+00;
	vm5 =	veq.f32 v4, $0.0e+00;
	v48 =	vld.idx.msk [tilespmem:v63+s23+$0xFFFFFF70], $0xffff;
	v1 =	vmul.f32 v47, v60  }
0x4a9: {  	v50 =	vsel vm6, $0x3F800000, v29;
	v4 =	vsel vm5, $0x3F800000, v4;
	v49 =	vpop (erf);
	[tilespmem:s22+$0x50] =	vst v3  }
0x4aa: {  	(erf) = vrcp.f32 v4;
	vm7 =	veq.f32 v43, $0.0e+00;
	v2 =	vmul.f32 v49, v41;
	[tilespmem:s24+$0x20] =	vst v1;
	v54 =	vld.idx.msk [tilespmem:v19+s22+$0x0], $0xffff  }
0x4ab: {  	(erf) = vrcp.f32 v50;
	vm8 =	veq.f32 v44, $0.0e+00;
	v0 =	vsel vm7, $0x3F800000, v43;
	v55 =	vld.idx.msk [tilespmem:v62+s24+$0x0], $0xffff  }
0x4ac: {  	vm9 =	veq.f32 v46, $0.0e+00;
	(erf) = vrcp.f32 v0;
	v60 =	vsel vm8, $0x3F800000, v44;
	[tilespmem:s24+$0xFFFFFF90] =	vst v2  }
0x4ad: {  	v4 =	vsel vm9, $0x3F800000, v46;
	vm10 =	veq.f32 v48, $0.0e+00;
	(erf) = vrcp.f32 v60;
	v2 =	vld.idx.msk [tilespmem:v62+s24+$0xFFFFFF70], $0xffff  }
0x4ae: {  	v5 =	vsel vm10, $0x3F800000, v48;
	(erf) = vrcp.f32 v4  }
0x4af: {  	(erf) = vrcp.f32 v5;
	vm11 =	veq.f32 v54, $0.0e+00  }
0x4b0: {  	vm12 =	veq.f32 v55, $0.0e+00;
	v6 =	vsel vm11, $0x3F800000, v54  }
0x4b1: {  	v7 =	vsel vm12, $0x3F800000, v55;
	(erf) = vrcp.f32 v6  }
0x4b2: {  	vm13 =	veq.f32 v2, $0.0e+00;
	(erf) = vrcp.f32 v7  }
0x4b3: {  	v9 =	vld [tilespmem:s23+$0x40];
	v8 =	vpop (erf);
	v2 =	vsel vm13, $0x3F800000, v2  }
0x4b4: {  	v10 =	vpop (erf);
	(erf) = vrcp.f32 v2  }
0x4b5: {  	v26 =	vpop (erf)  }
0x4b6: {  	v32 =	vld [tilespmem:s22+$0x60];
	v11 =	vpop (erf)  }
0x4b7: {  	v34 =	vld [tilespmem:s24+$0x30];
	v29 =	vpop (erf)  }
0x4b8: {  	v1 =	vmul.f32 v11, v9;
	v41 =	vpop (erf)  }
0x4b9: {  	v2 =	vmul.f32 v41, v33  }
0x4ba: {  	v0 =	vmul.f32 v8, v28;
	[tilespmem:s23+$0x40] =	vst v1;
	v43 =	vpop (erf)  }
0x4bb: {  	v44 =	vld.idx.msk [tilespmem:v12+s23+$0x0], $0xffff;
	[tilespmem:s23+$0xFFFFFFB0] =	vst v2;
	v45 =	vpop (erf);
	v1 =	vmul.f32 v43, v32  }
0x4bc: {  	[tilespmem:s22+$0xFFFFFFC0] =	vst v0;
	v46 =	vld.idx.msk [tilespmem:v12+s23+$0xFFFFFF70], $0xffff;
	v2 =	vmul.f32 v45, v34  }
0x4bd: {  	v3 =	vmul.f32 v10, v25;
	v47 =	vld.idx.msk [tilespmem:v19+s22+$0xFFFFFF70], $0xffff;
	v48 =	vpop (erf);
	[tilespmem:s22+$0x60] =	vst v1  }
0x4be: {  	v1 =	vmul.f32 v48, v36;
	[tilespmem:s24+$0x30] =	vst v2;
	v49 =	vld.idx.msk [tilespmem:v53+s22+$0x0], $0xffff  }
0x4bf: {  	[tilespmem:s21+$0xFFFFFFD0] =	vst v3;
	v50 =	vld.idx.msk [tilespmem:v63+s24+$0x0], $0xffff  }
0x4c0: {  	v54 =	vld.idx.msk [tilespmem:v53+s21+$0xFFFFFF70], $0xffff;
	vm14 =	veq.f32 v44, $0.0e+00;
	[tilespmem:s24+$0xFFFFFFA0] =	vst v1  }
0x4c1: {  	v55 =	vsel vm14, $0x3F800000, v44;
	vm15 =	veq.f32 v46, $0.0e+00;
	v60 =	vld.idx.msk [tilespmem:v63+s24+$0xFFFFFF70], $0xffff  }
0x4c2: {  	vm4 =	veq.f32 v47, $0.0e+00;
	(erf) = vrcp.f32 v55;
	v0 =	vsel vm15, $0x3F800000, v46  }
0x4c3: {  	v8 =	vsel vm4, $0x3F800000, v47;
	(erf) = vrcp.f32 v0;
	vm5 =	veq.f32 v49, $0.0e+00  }
0x4c4: {  	(erf) = vrcp.f32 v8;
	vm6 =	veq.f32 v50, $0.0e+00;
	v9 =	vsel vm5, $0x3F800000, v49  }
0x4c5: {  	vm7 =	veq.f32 v54, $0.0e+00;
	v10 =	vsel vm6, $0x3F800000, v50;
	(erf) = vrcp.f32 v9  }
0x4c6: {  	v11 =	vsel vm7, $0x3F800000, v54;
	vm8 =	veq.f32 v60, $0.0e+00;
	(erf) = vrcp.f32 v10  }
0x4c7: {  	v25 =	vsel vm8, $0x3F800000, v60;
	(erf) = vrcp.f32 v11  }
0x4c8: {  	(erf) = vrcp.f32 v25  }
0x4c9: {  	v28 =	vld [tilespmem:s23+$0x50];
	_ =	sdelay $0x1  }
0x4ca: {  	v33 =	vld [tilespmem:s24+$0x40];
	v32 =	vpop (erf)  }
0x4cb: {  	v34 =	vpop (erf)  }
0x4cc: {  	v36 =	vpop (erf)  }
0x4cd: {  	v0 =	vmul.f32 v32, v28;
	v1 =	vpop (erf)  }
0x4ce: {  	v41 =	vpop (erf)  }
0x4cf: {  	[tilespmem:s23+$0x50] =	vst v0;
	v43 =	vmul.f32 v41, v33;
	v2 =	vpop (erf)  }
0x4d0: {  	v44 =	vld.idx.msk [tilespmem:v19+s23+$0x0], $0xffff;
	v45 =	vpop (erf)  }
0x4d1: {  	[tilespmem:s24+$0x40] =	vst v43;
	v46 =	vmul.f32 v45, v35  }
0x4d2: {  	v47 =	vld.idx.msk [tilespmem:v12+s24+$0x0], $0xffff  }
0x4d3: {  	[tilespmem:s24+$0xFFFFFFB0] =	vst v46  }
0x4d4: {  	v0 =	vld.idx.msk [tilespmem:v12+s24+$0xFFFFFF70], $0xffff  }
0x4d5: {  	vm9 =	veq.f32 v44, $0.0e+00  }
0x4d6: {  	v5 =	vsel vm9, $0x3F800000, v44  }
0x4d7: {  	(erf) = vrcp.f32 v5;
	vm10 =	veq.f32 v47, $0.0e+00  }
0x4d8: {  	v48 =	vsel vm10, $0x3F800000, v47  }
0x4d9: {  	(erf) = vrcp.f32 v48;
	vm11 =	veq.f32 v0, $0.0e+00  }
0x4da: {  	v0 =	vsel vm11, $0x3F800000, v0  }
0x4db: {  	(erf) = vrcp.f32 v0  }
0x4dc: {  	v49 =	vld [tilespmem:s23+$0x60];
	_ =	sdelay $0x1  }
0x4dd: {  	v50 =	vld [tilespmem:s24+$0x50];
	_ =	sdelay $0x1  }
0x4de: {  	v3 =	vmul.f32 v34, v31;
	v54 =	vpop (erf)  }
0x4df: {  	v0 =	vmul.f32 v54, v49  }
0x4e0: {  	v55 =	vmul.f32 v36, v24;
	[tilespmem:s23+$0xFFFFFFC0] =	vst v3;
	v60 =	vpop (erf)  }
0x4e1: {  	v9 =	vld.idx.msk [tilespmem:v19+s23+$0xFFFFFF70], $0xffff;
	[tilespmem:s23+$0x60] =	vst v0;
	v10 =	vmul.f32 v60, v50  }
0x4e2: {  	[tilespmem:s22+$0xFFFFFFD0] =	vst v55;
	v11 =	vld.idx.msk [tilespmem:v53+s23+$0x0], $0xffff;
	v24 =	vpop (erf)  }
0x4e3: {  	v25 =	vld.idx.msk [tilespmem:v53+s22+$0xFFFFFF70], $0xffff;
	[tilespmem:s24+$0x50] =	vst v10;
	v28 =	vmul.f32 v24, v38  }
0x4e4: {  	v31 =	vld.idx.msk [tilespmem:v19+s24+$0x0], $0xffff  }
0x4e5: {  	[tilespmem:s24+$0xFFFFFFC0] =	vst v28  }
0x4e6: {  	vm12 =	veq.f32 v9, $0.0e+00;
	v0 =	vld.idx.msk [tilespmem:v19+s24+$0xFFFFFF70], $0xffff  }
0x4e7: {  	v6 =	vsel vm12, $0x3F800000, v9;
	vm13 =	veq.f32 v11, $0.0e+00  }
0x4e8: {  	vm14 =	veq.f32 v25, $0.0e+00;
	(erf) = vrcp.f32 v6;
	v3 =	vsel vm13, $0x3F800000, v11  }
0x4e9: {  	v32 =	vsel vm14, $0x3F800000, v25;
	(erf) = vrcp.f32 v3;
	vm15 =	veq.f32 v31, $0.0e+00  }
0x4ea: {  	(erf) = vrcp.f32 v32;
	v33 =	vsel vm15, $0x3F800000, v31  }
0x4eb: {  	(erf) = vrcp.f32 v33;
	vm4 =	veq.f32 v0, $0.0e+00  }
0x4ec: {  	v0 =	vsel vm4, $0x3F800000, v0  }
0x4ed: {  	(erf) = vrcp.f32 v0;
	_ =	sdelay $0x2  }
0x4ee: {  	v34 =	vld [tilespmem:s24+$0x60]  }
0x4ef: {  	v35 =	vpop (erf)  }
0x4f0: {  	v36 =	vpop (erf)  }
0x4f1: {  	v38 =	vpop (erf)  }
0x4f2: {  	v41 =	vpop (erf)  }
0x4f3: {  	v0 =	vmul.f32 v41, v34  }
0x4f4: {  	v3 =	vmul.f32 v35, v30;
	v43 =	vpop (erf)  }
0x4f5: {  	[tilespmem:s24+$0x60] =	vst v0;
	v44 =	vmul.f32 v43, v40  }
0x4f6: {  	[tilespmem:s23+$0xFFFFFFD0] =	vst v3;
	v45 =	vld.idx.msk [tilespmem:v53+s24+$0x0], $0xffff  }
0x4f7: {  	v46 =	vld.idx.msk [tilespmem:v53+s23+$0xFFFFFF70], $0xffff;
	[tilespmem:s24+$0xFFFFFFD0] =	vst v44  }
0x4f8: {  	v0 =	vld.idx.msk [tilespmem:v53+s24+$0xFFFFFF70], $0xffff;
	_ =	sdelay $0x2  }
0x4f9: {  	vm5 =	veq.f32 v45, $0.0e+00  }
0x4fa: {  	vm6 =	veq.f32 v46, $0.0e+00;
	v3 =	vsel vm5, $0x3F800000, v45  }
0x4fb: {  	v49 =	vsel vm6, $0x3F800000, v46;
	(erf) = vrcp.f32 v3;
	vm7 =	veq.f32 v0, $0.0e+00  }
0x4fc: {  	v47 =	vld [tilespmem:s20+$0x70];
	(erf) = vrcp.f32 v49;
	v0 =	vsel vm7, $0x3F800000, v0  }
0x4fd: {  	v48 =	vld [tilespmem:s21+$0x70];
	(erf) = vrcp.f32 v0;
	_ =	sdelay $0x1  }
0x4fe: {  	v55 =	vmul.f32 v42, v20;
	v50 =	vld [tilespmem:s22+$0x70]  }
0x4ff: {  	v25 =	vmul.f32 v29, v21;
	v60 =	vld [tilespmem:s23+$0x70]  }
0x500: {  	[tilespmem:s19+$0xFFFFFFE0] =	vst v55;
	v54 =	vmul.f32 v39, v47  }
0x501: {  	[tilespmem:s20+$0xFFFFFFE0] =	vst v25;
	v24 =	vmul.f32 v26, v48;
	v26 =	vld [tilespmem:s24+$0x70]  }
0x502: {  	[tilespmem:s20+$0x70] =	vst v54;
	v28 =	vmul.f32 v2, v22  }
0x503: {  	[tilespmem:s21+$0x70] =	vst v24;
	v1 =	vmul.f32 v1, v50;
	v31 =	vpop (erf)  }
0x504: {  	[tilespmem:s21+$0xFFFFFFE0] =	vst v28;
	v29 =	vmul.f32 v36, v60;
	v33 =	vpop (erf)  }
0x505: {  	[tilespmem:s22+$0x70] =	vst v1;
	v30 =	vmul.f32 v38, v23;
	v35 =	vpop (erf)  }
0x506: {  	[tilespmem:s23+$0x70] =	vst v29;
	v32 =	vmul.f32 v31, v26;
	v36 =	vmul.f32 v35, v37;
	v37 =	vimm.s32 $0x80  }
0x507: {  	[tilespmem:s22+$0xFFFFFFE0] =	vst v30;
	v34 =	vmul.f32 v33, v27  }
0x508: {  	[tilespmem:s24+$0x70] =	vst v32  }
0x509: {  	[tilespmem:s23+$0xFFFFFFE0] =	vst v34  }
0x50a: {  	[tilespmem:s24+$0xFFFFFFE0] =	vst v36  }
0x50b: {  	v0 =	vld.idx.msk [tilespmem:v37+s17+$0x0], $0xffff;
	_ =	sdelay $0x4  }
0x50c: {  	vm8 =	veq.f32 v0, $0.0e+00  }
0x50d: {  	v0 =	vsel vm8, $0x3F800000, v0  }
0x50e: {  	(erf) = vrcp.f32 v0;
	_ =	sdelay $0x4  }
0x50f: {  	v38 =	vld [tilespmem:$0x18CC0];
	_ =	sdelay $0x3  }
0x510: {  	v39 =	vpop (erf)  }
0x511: {  	v0 =	vmul.f32 v39, v38;
	_ =	sdelay $0x1  }
0x512: {  	[tilespmem:$0x18CC0] =	vst v0  }
0x513: {  	v0 =	vld.idx.msk [tilespmem:v16+s17+$0x0], $0xffff;
	_ =	sdelay $0x4  }
0x514: {  	vm9 =	veq.f32 v0, $0.0e+00  }
0x515: {  	v0 =	vsel vm9, $0x3F800000, v0  }
0x516: {  	(erf) = vrcp.f32 v0;
	_ =	sdelay $0x4  }
0x517: {  	v40 =	vld [tilespmem:$0x18CD0];
	_ =	sdelay $0x3  }
0x518: {  	v41 =	vpop (erf)  }
0x519: {  	v0 =	vmul.f32 v41, v40;
	_ =	sdelay $0x1  }
0x51a: {  	[tilespmem:$0x18CD0] =	vst v0  }
0x51b: {  	v0 =	vld.idx.msk [tilespmem:v61+s17+$0x0], $0xffff;
	_ =	sdelay $0x4  }
0x51c: {  	vm10 =	veq.f32 v0, $0.0e+00  }
0x51d: {  	v0 =	vsel vm10, $0x3F800000, v0  }
0x51e: {  	(erf) = vrcp.f32 v0;
	_ =	sdelay $0x4  }
0x51f: {  	v42 =	vld [tilespmem:$0x18CE0];
	_ =	sdelay $0x3  }
0x520: {  	v43 =	vpop (erf)  }
0x521: {  	v0 =	vmul.f32 v43, v42;
	_ =	sdelay $0x1  }
0x522: {  	[tilespmem:$0x18CE0] =	vst v0  }
0x523: {  	v0 =	vld.idx.msk [tilespmem:v62+s17+$0x0], $0xffff;
	_ =	sdelay $0x4  }
0x524: {  	vm11 =	veq.f32 v0, $0.0e+00  }
0x525: {  	v0 =	vsel vm11, $0x3F800000, v0  }
0x526: {  	(erf) = vrcp.f32 v0;
	_ =	sdelay $0x4  }
0x527: {  	v44 =	vld [tilespmem:$0x18CF0];
	_ =	sdelay $0x3  }
0x528: {  	v45 =	vpop (erf)  }
0x529: {  	v0 =	vmul.f32 v45, v44;
	_ =	sdelay $0x1  }
0x52a: {  	[tilespmem:$0x18CF0] =	vst v0  }
0x52b: {  	v0 =	vld.idx.msk [tilespmem:v63+s17+$0x0], $0xffff;
	_ =	sdelay $0x4  }
0x52c: {  	vm12 =	veq.f32 v0, $0.0e+00  }
0x52d: {  	v0 =	vsel vm12, $0x3F800000, v0  }
0x52e: {  	(erf) = vrcp.f32 v0;
	_ =	sdelay $0x4  }
0x52f: {  	v46 =	vld [tilespmem:$0x18D00];
	_ =	sdelay $0x3  }
0x530: {  	v47 =	vpop (erf)  }
0x531: {  	v0 =	vmul.f32 v47, v46;
	_ =	sdelay $0x1  }
0x532: {  	[tilespmem:$0x18D00] =	vst v0  }
0x533: {  	v0 =	vld.idx.msk [tilespmem:v12+s17+$0x0], $0xffff;
	_ =	sdelay $0x4  }
0x534: {  	vm13 =	veq.f32 v0, $0.0e+00  }
0x535: {  	v0 =	vsel vm13, $0x3F800000, v0  }
0x536: {  	(erf) = vrcp.f32 v0;
	_ =	sdelay $0x4  }
0x537: {  	v48 =	vld [tilespmem:$0x18D10];
	_ =	sdelay $0x3  }
0x538: {  	v49 =	vpop (erf)  }
0x539: {  	v0 =	vmul.f32 v49, v48;
	_ =	sdelay $0x1  }
0x53a: {  	[tilespmem:$0x18D10] =	vst v0  }
0x53b: {  	v0 =	vld.idx.msk [tilespmem:v19+s17+$0x0], $0xffff;
	_ =	sdelay $0x4  }
0x53c: {  	vm14 =	veq.f32 v0, $0.0e+00  }
0x53d: {  	v0 =	vsel vm14, $0x3F800000, v0  }
0x53e: {  	(erf) = vrcp.f32 v0;
	_ =	sdelay $0x4  }
0x53f: {  	v50 =	vld [tilespmem:$0x18D20];
	_ =	sdelay $0x3  }
0x540: {  	v54 =	vpop (erf)  }
0x541: {  	v0 =	vmul.f32 v54, v50;
	_ =	sdelay $0x1  }
0x542: {  	[tilespmem:$0x18D20] =	vst v0  }
0x543: {  	v0 =	vld.idx.msk [tilespmem:v53+s17+$0x0], $0xffff;
	_ =	sdelay $0x4  }
0x544: {  	vm15 =	veq.f32 v0, $0.0e+00  }
0x545: {  	v0 =	vsel vm15, $0x3F800000, v0  }
0x546: {  	(erf) = vrcp.f32 v0;
	_ =	sdelay $0x4  }
0x547: {  	v55 =	vld [tilespmem:$0x18D30];
	_ =	sdelay $0x2  }
.Ltmp19:
0x548: {  	_ = 	snop;
	(pc) =	sbr.rel @!p0 .LBB2_20-.Ltmp19, $3  }
0x549: {  	v60 =	vpop (erf)  }
0x54a: {  	v0 =	vmul.f32 v60, v55;
	_ =	sdelay $0x1  }
0x54b: {  	s19 =	simm.s32 $0xDD40;
	s20 =	simm.s32 $0x10;
	[tilespmem:$0x18D30] =	vst v0  }
0x54c: {  	v10 =	vld [tilespmem:$0x1FFB0]  }
0x54d: {  	s22 =	sadd.s32 $0x0, s7;
	s21 =	simm.s32 $0xDDD0;
	v0 =	vimm.f32 $0.0e+00;
	v11 =	vld [tilespmem:$0x1FFC0]  }
.LBB2_33:
0x54e: {  	[hbm4b:s22+s2] =	stream.linear.scatter [tilespmem:s19], [sflag:$0x1], $0x80, $0x38;
	[tilespmem:$0x1A0E0] =	vst v63  }
0x54f: {  	s22 =	smov.u32 s20;
	s19 =	smov.u32 s21;
	p1 =	sne.s32 s20, $0x1280  }
.Ltmp20:
0x550: {  	s20 =	sadd.s32 $0x10, s20;
	(pc) =	sbr.rel @p1 .LBB2_33-.Ltmp20, $2  }
0x551: {  	_ =	sdelay $0x2  }
0x552: {  	s21 =	sadd.s32 $0x90, s21;
	s22 =	sadd.s32 s22, s7  }
.Ltmp21:
0x553: {  	(pc) =	sbr.rel .LBB2_35-.Ltmp21, $4  }
0x554: {  	[hbm4b:s22+s2] =	stream.linear.scatter [tilespmem:s19], [sflag:$0x1], $0x80, $0x38;
	[tilespmem:$0x1A0E0] =	vst v63  }
0x555: {  	_ =	swait.ge [sflag:s10], $0x9480  }
0x556: {  	[sflag:s10] =	ssyncset.done $0x0  }
0x557: {  	[sflag:s10] =	ssyncadd.s32 $0xFFFF6B80  }
.LBB2_20:
0x558: {  	v10 =	vld [tilespmem:$0x1FFB0]  }
0x559: {  	s22 =	sadd.s32 $0x0, s6;
	s21 =	simm.s32 $0xDDD0;
	v0 =	vimm.f32 $0.0e+00;
	v11 =	vld [tilespmem:$0x1FFC0]  }
.LBB2_21:
0x55a: {  	[hbm4b:s22+s2] =	stream.linear.scatter [tilespmem:s19], [sflag:$0x1], $0x80, $0x38;
	[tilespmem:$0x1A0E0] =	vst v63  }
0x55b: {  	s22 =	smov.u32 s20;
	s19 =	smov.u32 s21;
	p1 =	sne.s32 s20, $0x1380  }
.Ltmp22:
0x55c: {  	s20 =	sadd.s32 $0x10, s20;
	(pc) =	sbr.rel @p1 .LBB2_21-.Ltmp22, $2  }
0x55d: {  	_ =	sdelay $0x2  }
0x55e: {  	s21 =	sadd.s32 $0x90, s21;
	s22 =	sadd.s32 s22, s6  }
.Ltmp23:
0x55f: {  	(pc) =	sbr.rel .LBB2_35-.Ltmp23, $4  }
0x560: {  	[hbm4b:s22+s2] =	stream.linear.scatter [tilespmem:s19], [sflag:$0x1], $0x80, $0x38;
	[tilespmem:$0x1A0E0] =	vst v63  }
0x561: {  	_ =	swait.ge [sflag:s10], $0x9C80  }
0x562: {  	[sflag:s10] =	ssyncset.done $0x0  }
0x563: {  	[sflag:s10] =	ssyncadd.s32 $0xFFFF6380  }
.LBB2_15:
.Ltmp24:
0x564: {  	(pc) =	sbr.rel .LBB2_29-.Ltmp24, $2  }
0x565: {  	_ =	sdelay $0x2  }
0x566: {  	s25 =	simm.s32 $0x9ED0;
	v23 =	vmov v35;
	v21 =	vmov v22;
	s24 =	simm.s32 $0x9ED0  }
.LBB2_24:
.Ltmp25:
0x567: {  	(pc) =	sbr.rel .LBB2_29-.Ltmp25, $2  }
0x568: {  	_ =	sdelay $0x2  }
0x569: {  	s24 =	simm.s32 $0x9FF0;
	v26 =	vmov v24  }
.LBB2_26:
.Ltmp26:
0x56a: {  	(pc) =	sbr.rel .LBB2_29-.Ltmp26, $3  }
0x56b: {  	_ =	sdelay $0x1  }
0x56c: {  	v28 =	vmov v22;
	s28 =	simm.s32 $0x9ED0;
	v35 =	vmov v23  }
0x56d: {  	v22 =	vmovc v21;
	v30 =	vmovc v20;
	s22 =	simm.s32 $0x9FF0;
	s25 =	simm.s32 $0xA110;
	v23 =	vmov v32;
	v21 =	vmov v29;
	s24 =	simm.s32 $0xA110;
	v20 =	vmov v27  }
.LBB2_36:
0x56e: {  	_ =	sfence.sel $0x180000  }
0x56f: {  	[bflag:$0x0] =	sbarrier.arrive $0xFFFF  }
0x570: {  	p0 =	sne.s32 s0, $0x0;
	_ =	strace $0x90000047  }
0x571: {  	s0 =	sadd.s32 @!p0 $0x100000, s1;
	[bflag:$0x2] =	sbarrier.arrive $0xFFFF  }
0x572: {  	[sflag:s0] =	ssyncadd.tile.s32 @!p0 $0x1;
	_ =	shalt  }
.Lfunc_end2:
_tile_overlayer_lowered:
.L_overlay_start_2:
0x573: {  	(tag) =	ssettag $0x2  }
0x574: {  	s0 =	rddreg [dreg:$0x0];
	s2 =	stileid.u32  }
0x575: {  	s1 =	rddreg [dreg:$0x1];
	p0 =	sne.s32 s2, $0x0  }
0x576: {  	s3 =	rddreg [dreg:$0x2];
	[bflag:$0x3] =	sbarrier.arrive $0xFFFF;
	s2 =	simm.s32 @!p0 $0x1C01  }
0x577: {  	[timem:s3], [sflag:s2] =	dma.local @!p0 [hbm:s0], s1  }
0x578: {  	s0 =	simm.s32 @!p0 $0x1  }
0x579: {  	_ =	swait.ge @!p0 [sflag:s0], s1  }
0x57a: {  	s1 =	ssub.s32 @!p0 $0x0, s1;
	[sflag:s0] =	ssyncset.done @!p0 $0x0  }
0x57b: {  	[sflag:s0] =	ssyncadd.s32 @!p0 s1  }
0x57c: {  	[bflag:$0x3] =	sbarrier.arrive $0xFFFF  }
0x57d: {  	_ =	shalt  }

</sc_bundles>
